<compile_context>
chip_gen: v7x
topology: tpu7x:2x2x1
jax: 0.10.2.dev20260603
libtpu: 0.0.44.dev20260713+nightly
codegen_flags: <defaults>
</compile_context>

<pallas_src>
import functools

import jax
import jax.numpy as jnp
from jax import lax
from jax.experimental import pallas as pl
from jax.experimental.pallas import tpu as pltpu
from jax.experimental.pallas import tpu_sc as plsc


def _make_sc_edge_accum(N, D, G, rows_per_tile):
    info = plsc.get_sparse_core_info()
    NC, NS = info.num_cores, info.num_subcores
    Dh = D // 2
    mesh = plsc.VectorSubcoreMesh(core_axis_name="c", subcore_axis_name="s")
    nrt = (N // NS) // 8 * 8
    tail = N - nrt * NS

    @functools.partial(
        pl.kernel,
        out_type=(
            jax.ShapeDtypeStruct((NC, N, Dh), jnp.float32),
            jax.ShapeDtypeStruct((NC, N, 16), jnp.float32),
        ),
        mesh=mesh,
        scratch_types=[
            pltpu.VMEM_SHARED((N, Dh), jnp.float32),
            pltpu.VMEM_SHARED((N, 16), jnp.float32),
            pltpu.VMEM((rows_per_tile // 2, G), jnp.int32),
            pltpu.VMEM((rows_per_tile // 2, G), jnp.int32),
            pltpu.VMEM((rows_per_tile // 2, G), jnp.int32),
            pltpu.VMEM((5, G, Dh), jnp.float32),
            pltpu.VMEM((5, G, 16), jnp.float32),
            pltpu.SemaphoreType.DMA((5,)),
            pltpu.SemaphoreType.DMA((5,)),
        ],
        compiler_params=pltpu.CompilerParams(use_tc_tiling_on_sc=False),
    )
    def sc_fn(h2_hbm, srcA_hbm, srcB_hbm, dst_hbm, et_hbm, zacc_hbm, zcnt_hbm,
              acc_out, cnt_out,
              acc_sh, cnt_sh, src_v, dst_v, et_v, rows_v, oh_v, sg, ss):
        c = lax.axis_index("c")
        s = lax.axis_index("s")

        ra = s * nrt
        pltpu.sync_copy(zacc_hbm.at[pl.ds(ra, nrt)], acc_sh.at[pl.ds(ra, nrt)])

        @pl.when(s == 0)
        def _():
            if tail:
                t0 = nrt * NS
                pltpu.sync_copy(zacc_hbm.at[pl.ds(t0, tail)],
                                acc_sh.at[pl.ds(t0, tail)])

        pltpu.sync_copy(zcnt_hbm.at[pl.ds(ra, nrt)],
                        cnt_sh.at[pl.ds(ra, nrt)])

        @pl.when(s == 0)
        def _():
            if tail:
                t0 = nrt * NS
                pltpu.sync_copy(zcnt_hbm.at[pl.ds(t0, tail)],
                                cnt_sh.at[pl.ds(t0, tail)])

        lanes = lax.broadcasted_iota(jnp.int32, (16,), 0)
        n = rows_per_tile
        NB = 5
        CH = n // 2

        def drain_acc(buf):
            pltpu.make_async_copy(rows_v.at[buf],
                                  acc_sh.at[dst_v.at[0]], ss.at[buf]).wait()

        def drain_cnt(buf):
            pltpu.make_async_copy(oh_v.at[buf],
                                  cnt_sh.at[dst_v.at[0]], ss.at[buf]).wait()

        def chunk_body(ci, carry):
            @pl.when(ci > 0)
            def _():
                for j in range(NB - 1):
                    gl = CH - (NB - 1) + j
                    drain_acc(gl % NB)

                    @pl.when(lax.rem(ci - 1 + gl, 2) == c)
                    def _():
                        drain_cnt(gl % NB)

            i0 = s * n + ci * CH

            @pl.when(c == 0)
            def _():
                pltpu.sync_copy(srcA_hbm.at[pl.ds(i0, CH)], src_v)

            @pl.when(c == 1)
            def _():
                pltpu.sync_copy(srcB_hbm.at[pl.ds(i0, CH)], src_v)

            pltpu.sync_copy(dst_hbm.at[pl.ds(i0, CH)], dst_v)
            pltpu.sync_copy(et_hbm.at[pl.ds(i0, CH)], et_v)

            pltpu.async_copy(h2_hbm.at[src_v.at[0]], rows_v.at[0], sg.at[0])

            def body(gl, carry2):
                b = lax.rem(gl, NB)
                nb = lax.rem(gl + 1, NB)
                par = lax.rem(ci + gl, 2) == c

                @pl.when(gl >= NB - 1)
                def _():
                    drain_acc(nb)

                @pl.when(jnp.logical_and(gl >= NB - 1, par))
                def _():
                    drain_cnt(nb)

                @pl.when(gl + 1 < CH)
                def _():
                    pltpu.async_copy(h2_hbm.at[src_v.at[gl + 1]],
                                     rows_v.at[nb], sg.at[nb])

                @pl.when(par)
                def _():
                    for jj in range(G // 16):
                        etv = et_v[gl, pl.ds(16 * jj, 16)]
                        for i in range(16):
                            oh_v[b, 16 * jj + i] = jnp.where(
                                lanes == etv[i], 1.0, 0.0)

                pltpu.make_async_copy(h2_hbm.at[src_v.at[gl]],
                                      rows_v.at[b], sg.at[b]).wait()
                pltpu.async_copy(rows_v.at[b], acc_sh.at[dst_v.at[gl]],
                                 ss.at[b], add=True)

                @pl.when(par)
                def _():
                    pltpu.async_copy(oh_v.at[b], cnt_sh.at[dst_v.at[gl]],
                                     ss.at[b], add=True)

                return carry2

            lax.fori_loop(0, CH, body, 0)
            return carry

        plsc.subcore_barrier()
        lax.fori_loop(0, n // CH, chunk_body, 0)

        for j in range(NB - 1):
            gl = CH - (NB - 1) + j
            g = n - (NB - 1) + j
            drain_acc(gl % NB)

            @pl.when((g % 2) == c)
            def _():
                drain_cnt(gl % NB)

        plsc.subcore_barrier()
        pltpu.sync_copy(acc_sh.at[pl.ds(ra, nrt)],
                        acc_out.at[c, pl.ds(ra, nrt)])

        @pl.when(s == 0)
        def _():
            if tail:
                t0 = nrt * NS
                pltpu.sync_copy(acc_sh.at[pl.ds(t0, tail)],
                                acc_out.at[c, pl.ds(t0, tail)])

        pltpu.sync_copy(cnt_sh.at[pl.ds(ra, nrt)],
                        cnt_out.at[c, pl.ds(ra, nrt)])

        @pl.when(s == 0)
        def _():
            if tail:
                t0 = nrt * NS
                pltpu.sync_copy(cnt_sh.at[pl.ds(t0, tail)],
                                cnt_out.at[c, pl.ds(t0, tail)])

    return sc_fn


def _make_tc_gru(N, D, R, T1):
    T3 = 3 * D
    Dh = D // 2
    hi = lax.Precision.DEFAULT

    def body(nn_ref, acc_ref, cnt_ref, h_ref, wm_ref, epad_ref, bmsg_ref,
             wih_ref, whh_ref, bih_ref, bhh_ref, out_ref):
        hh = h_ref[...]
        trow = lax.broadcasted_iota(jnp.int32, (16, D), 0)
        embp = epad_ref[...] + jnp.where(trow < T1, bmsg_ref[...], 0.0)
        dn = (((1,), (1,)), ((), ()))
        msgs = (
            lax.dot_general(acc_ref[0], wm_ref[:, :Dh], dn, precision=hi,
                            preferred_element_type=jnp.float32)
            + lax.dot_general(acc_ref[1], wm_ref[:, Dh:], dn, precision=hi,
                              preferred_element_type=jnp.float32)
            + jnp.dot(cnt_ref[0] + cnt_ref[1], embp, precision=hi,
                      preferred_element_type=jnp.float32)
        )
        gi = lax.dot_general(msgs, wih_ref[...], dn, precision=hi,
                             preferred_element_type=jnp.float32) + bih_ref[...]
        gh = lax.dot_general(hh, whh_ref[...], dn, precision=hi,
                             preferred_element_type=jnp.float32) + bhh_ref[...]
        r = jax.nn.sigmoid(gi[:, :D] + gh[:, :D])
        z = jax.nn.sigmoid(gi[:, D:2 * D] + gh[:, D:2 * D])
        n = jnp.tanh(gi[:, 2 * D:] + r * gh[:, 2 * D:])
        h_new = (1.0 - z) * n + z * hh
        row0 = pl.program_id(0) * R
        rows = row0 + lax.broadcasted_iota(jnp.int32, (R, D), 0)
        out_ref[...] = jnp.where(rows < nn_ref[0], h_new, 0.0)

    return pl.pallas_call(
        body,
        grid=(N // R,),
        in_specs=[
            pl.BlockSpec(memory_space=pltpu.MemorySpace.SMEM),
            pl.BlockSpec((2, R, Dh), lambda j: (0, j, 0)),
            pl.BlockSpec((2, R, 16), lambda j: (0, j, 0)),
            pl.BlockSpec((R, D), lambda j: (j, 0)),
            pl.BlockSpec((D, D), lambda j: (0, 0)),
            pl.BlockSpec((16, D), lambda j: (0, 0)),
            pl.BlockSpec((1, D), lambda j: (0, 0)),
            pl.BlockSpec((T3, D), lambda j: (0, 0)),
            pl.BlockSpec((T3, D), lambda j: (0, 0)),
            pl.BlockSpec((1, T3), lambda j: (0, 0)),
            pl.BlockSpec((1, T3), lambda j: (0, 0)),
        ],
        out_specs=pl.BlockSpec((R, D), lambda j: (j, 0)),
        out_shape=jax.ShapeDtypeStruct((N, D), jnp.float32),
    )


def kernel(h, edge_index, edge_type, num_nodes, W_msg, b_msg, edge_embed,
           W_ih, W_hh, b_ih, b_hh):
    N, D = h.shape
    E = edge_index.shape[1]
    T1 = edge_embed.shape[0]

    G = 80
    n_groups = E // G
    NS = 16
    rows_per_tile = n_groups // NS

    src = edge_index[0].astype(jnp.int32)
    srcA = (2 * src).reshape(n_groups, G)
    srcB = (2 * src + 1).reshape(n_groups, G)
    dst = edge_index[1].astype(jnp.int32).reshape(n_groups, G)
    et = jnp.clip(edge_type, 0, T1 - 1).astype(jnp.int32).reshape(n_groups, G)
    h2 = h.reshape(2 * N, D // 2)
    zacc = jnp.zeros((N, D // 2), jnp.float32)
    zcnt = jnp.zeros((N, 16), jnp.float32)

    sc_fn = _make_sc_edge_accum(N, D, G, rows_per_tile)
    acc2, cnt = sc_fn(h2, srcA, srcB, dst, et, zacc, zcnt)

    e_pad = jnp.zeros((16, D), jnp.float32).at[:T1].set(edge_embed)
    nn = jnp.asarray(num_nodes, jnp.int32).reshape(1)
    tc_fn = _make_tc_gru(N, D, 1000, T1)
    return tc_fn(nn, acc2, cnt, h, W_msg, e_pad, b_msg.reshape(1, D),
                 W_ih, W_hh, b_ih.reshape(1, 3 * D), b_hh.reshape(1, 3 * D))

# --- scband reference (transcript-rebuilt; emitter-appended) ---
"""Pipeline reference for scband-simple-ggnn-16063177687560 (READ-ONLY COPY).

The authoritative reference and input builder live on the scoring server;
editing this copy changes nothing except your own understanding.
"""

import jax, jax.numpy as jnp
import numpy as np

N = 10000
E = 320000
D = 128
T = 8  # num_edge_types


def setup_inputs(seed: int = 0) -> dict:
    key = jax.random.key(seed)
    ks = jax.random.split(key, 11)
    h = jax.random.normal(ks[0], (N, D), dtype=jnp.float32)
    edge_index = jax.random.randint(ks[1], (2, E), 0, N, dtype=jnp.int64)
    edge_type = jax.random.randint(ks[2], (E,), 0, T, dtype=jnp.int64)
    s = 1.0 / np.sqrt(D)
    W_msg = jax.random.uniform(ks[3], (D, D), jnp.float32, -s, s)
    b_msg = jax.random.uniform(ks[4], (D,), jnp.float32, -s, s)
    edge_embed = jax.random.normal(ks[5], (T + 1, D), dtype=jnp.float32)
    W_ih = jax.random.uniform(ks[6], (3 * D, D), jnp.float32, -s, s)
    W_hh = jax.random.uniform(ks[7], (3 * D, D), jnp.float32, -s, s)
    b_ih = jax.random.uniform(ks[8], (3 * D,), jnp.float32, -s, s)
    b_hh = jax.random.uniform(ks[9], (3 * D,), jnp.float32, -s, s)
    return {"h": h, "edge_index": edge_index, "edge_type": edge_type,
            "num_nodes": N, "W_msg": W_msg, "b_msg": b_msg,
            "edge_embed": edge_embed, "W_ih": W_ih, "W_hh": W_hh,
            "b_ih": b_ih, "b_hh": b_hh}


def reference(h, edge_index, edge_type, num_nodes, W_msg, b_msg, edge_embed,
              W_ih, W_hh, b_ih, b_hh):
    num_edge_types = edge_embed.shape[0] - 1
    n_static = h.shape[0]
    src = edge_index[0]
    dst = edge_index[1]
    # message_fn(h[src])
    src_h = h[src] @ W_msg.T + b_msg
    # edge type embedding (clamped)
    et = jnp.clip(edge_type, 0, num_edge_types)
    edge_emb = edge_embed[et]
    msg = src_h + edge_emb
    # scatter-add messages by destination node
    messages = jnp.zeros((n_static, h.shape[1]), dtype=h.dtype).at[dst].add(msg)
    # GRUCell(messages, h[:num_nodes])  -- PyTorch semantics
    hh = h
    gi = messages @ W_ih.T + b_ih
    gh = hh @ W_hh.T + b_hh
    i_r, i_z, i_n = jnp.split(gi, 3, axis=1)
    h_r, h_z, h_n = jnp.split(gh, 3, axis=1)
    r = jax.nn.sigmoid(i_r + h_r)
    z = jax.nn.sigmoid(i_z + h_z)
    n = jnp.tanh(i_n + r * h_n)
    h_new = (1.0 - z) * n + z * hh
    node_mask = jnp.arange(n_static) < num_nodes
    result = jnp.where(node_mask[:, None], h_new, jnp.zeros_like(h))
    return result

if __name__ == "__main__":
    import jax
    _d = setup_inputs()
    print(jax.jit(kernel)(*tuple(_d.values())))

</pallas_src>

<mosaic_0001>
#map = affine_map<(d0, d1) -> (0, 0)>
#map1 = affine_map<(d0, d1) -> (0, 0, 0)>
module attributes {stable_mosaic.version = 14 : i64} {
  func.func @sc_fn(%arg0: i32, %arg1: i32, %arg2: memref<20000x64xf32, #tpu.memory_space<hbm>>, %arg3: memref<4000x80xi32, #tpu.memory_space<hbm>>, %arg4: memref<4000x80xi32, #tpu.memory_space<hbm>>, %arg5: memref<4000x80xi32, #tpu.memory_space<hbm>>, %arg6: memref<4000x80xi32, #tpu.memory_space<hbm>>, %arg7: memref<10000x64xf32, #tpu.memory_space<hbm>>, %arg8: memref<10000x16xf32, #tpu.memory_space<hbm>>, %arg9: memref<2x10000x64xf32, #tpu.memory_space<hbm>>, %arg10: memref<2x10000x16xf32, #tpu.memory_space<hbm>>, %arg11: memref<10000x64xf32, #tpu.memory_space<vmem_shared>>, %arg12: memref<10000x16xf32, #tpu.memory_space<vmem_shared>>, %arg13: memref<125x80xi32, #tpu.memory_space<vmem>>, %arg14: memref<125x80xi32, #tpu.memory_space<vmem>>, %arg15: memref<125x80xi32, #tpu.memory_space<vmem>>, %arg16: memref<5x80x64xf32, #tpu.memory_space<vmem>>, %arg17: memref<5x80x16xf32, #tpu.memory_space<vmem>>, %arg18: memref<5x!tpu.dma_semaphore, #tpu.memory_space<semaphore_mem>>, %arg19: memref<5x!tpu.dma_semaphore, #tpu.memory_space<semaphore_mem>>) attributes {dimension_semantics = [#tpu.dimension_semantics<core_parallel>, #tpu.dimension_semantics<subcore_parallel>], iteration_bounds = array<i64: 2, 16>, scalar_prefetch = 0 : i64, scratch_operands = 9 : i64, tpu.core_type = #tpu.core_type<sc_vector_subcore>, window_params = [{transform_indices = #map}, {transform_indices = #map}, {transform_indices = #map}, {transform_indices = #map}, {transform_indices = #map}, {transform_indices = #map}, {transform_indices = #map}, {transform_indices = #map1}, {transform_indices = #map1}]} {
    %mul3A = arith.constant 624 : i32
    %mul3A_0 = arith.muli %arg1, %mul3A : i32
    "tpu.region"() ({
      %run_scoped3A = tpu.sem_alloc : memref<!tpu.dma_semaphore, #tpu.memory_space<semaphore_mem>>
      %dma_start3A = arith.constant 0 : i32
      %dma_start3A_103 = tpu.memref_slice %arg11[%mul3A_0, %dma_start3A] : memref<10000x64xf32, #tpu.memory_space<vmem_shared>> -> memref<624x64xf32, #tpu.memory_space<vmem_shared>>
      %dma_start3A_104 = arith.constant 0 : i32
      %dma_start3A_105 = tpu.memref_slice %arg7[%mul3A_0, %dma_start3A_104] : memref<10000x64xf32, #tpu.memory_space<hbm>> -> memref<624x64xf32, #tpu.memory_space<hbm>>
      tpu.enqueue_dma source(%dma_start3A_105 : memref<624x64xf32, #tpu.memory_space<hbm>>) target(%dma_start3A_103 : memref<624x64xf32, #tpu.memory_space<vmem_shared>>) target_semaphore(%run_scoped3A : memref<!tpu.dma_semaphore, #tpu.memory_space<semaphore_mem>>)
      %dma_wait3A_106 = arith.constant 0 : i32
      %dma_wait3A_107 = tpu.memref_slice %arg11[%mul3A_0, %dma_wait3A_106] : memref<10000x64xf32, #tpu.memory_space<vmem_shared>> -> memref<624x64xf32, #tpu.memory_space<vmem_shared>>
      %dma_wait3A_108 = arith.constant 0 : i32
      %dma_wait3A_109 = tpu.memref_slice %arg7[%mul3A_0, %dma_wait3A_108] : memref<10000x64xf32, #tpu.memory_space<hbm>> -> memref<624x64xf32, #tpu.memory_space<hbm>>
      tpu.wait_dma2 semaphore(%run_scoped3A : memref<!tpu.dma_semaphore, #tpu.memory_space<semaphore_mem>>) src(%dma_wait3A_109 : memref<624x64xf32, #tpu.memory_space<hbm>>) dst(%dma_wait3A_107 : memref<624x64xf32, #tpu.memory_space<vmem_shared>>)
      tpu.yield
    }) : () -> ()
    %eq3A = arith.constant 0 : i32
    %eq3A_1 = arith.cmpi eq, %arg1, %eq3A : i32
    %convert_element_type3A = arith.extui %eq3A_1 : i1 to i32
    %cond3A = arith.constant 0 : i32
    %cond3A_2 = arith.cmpi ne, %convert_element_type3A, %cond3A : i32
    scf.if %cond3A_2 {
      "tpu.region"() ({
        %run_scoped3A = tpu.sem_alloc : memref<!tpu.dma_semaphore, #tpu.memory_space<semaphore_mem>>
        %dma_start3A = arith.constant 9984 : i32
        %dma_start3A_103 = arith.constant 0 : i32
        %dma_start3A_104 = tpu.memref_slice %arg11[%dma_start3A, %dma_start3A_103] : memref<10000x64xf32, #tpu.memory_space<vmem_shared>> -> memref<16x64xf32, #tpu.memory_space<vmem_shared>>
        %dma_start3A_105 = arith.constant 9984 : i32
        %dma_start3A_106 = arith.constant 0 : i32
        %dma_start3A_107 = tpu.memref_slice %arg7[%dma_start3A_105, %dma_start3A_106] : memref<10000x64xf32, #tpu.memory_space<hbm>> -> memref<16x64xf32, #tpu.memory_space<hbm>>
        tpu.enqueue_dma source(%dma_start3A_107 : memref<16x64xf32, #tpu.memory_space<hbm>>) target(%dma_start3A_104 : memref<16x64xf32, #tpu.memory_space<vmem_shared>>) target_semaphore(%run_scoped3A : memref<!tpu.dma_semaphore, #tpu.memory_space<semaphore_mem>>)
        %dma_wait3A_108 = arith.constant 9984 : i32
        %dma_wait3A_109 = arith.constant 0 : i32
        %dma_wait3A_110 = tpu.memref_slice %arg11[%dma_wait3A_108, %dma_wait3A_109] : memref<10000x64xf32, #tpu.memory_space<vmem_shared>> -> memref<16x64xf32, #tpu.memory_space<vmem_shared>>
        %dma_wait3A_111 = arith.constant 9984 : i32
        %dma_wait3A_112 = arith.constant 0 : i32
        %dma_wait3A_113 = tpu.memref_slice %arg7[%dma_wait3A_111, %dma_wait3A_112] : memref<10000x64xf32, #tpu.memory_space<hbm>> -> memref<16x64xf32, #tpu.memory_space<hbm>>
        tpu.wait_dma2 semaphore(%run_scoped3A : memref<!tpu.dma_semaphore, #tpu.memory_space<semaphore_mem>>) src(%dma_wait3A_113 : memref<16x64xf32, #tpu.memory_space<hbm>>) dst(%dma_wait3A_110 : memref<16x64xf32, #tpu.memory_space<vmem_shared>>)
        tpu.yield
      }) : () -> ()
    } else {
    }
    "tpu.region"() ({
      %run_scoped3A = tpu.sem_alloc : memref<!tpu.dma_semaphore, #tpu.memory_space<semaphore_mem>>
      %dma_start3A = arith.constant 0 : i32
      %dma_start3A_103 = tpu.memref_slice %arg12[%mul3A_0, %dma_start3A] : memref<10000x16xf32, #tpu.memory_space<vmem_shared>> -> memref<624x16xf32, #tpu.memory_space<vmem_shared>>
      %dma_start3A_104 = arith.constant 0 : i32
      %dma_start3A_105 = tpu.memref_slice %arg8[%mul3A_0, %dma_start3A_104] : memref<10000x16xf32, #tpu.memory_space<hbm>> -> memref<624x16xf32, #tpu.memory_space<hbm>>
      tpu.enqueue_dma source(%dma_start3A_105 : memref<624x16xf32, #tpu.memory_space<hbm>>) target(%dma_start3A_103 : memref<624x16xf32, #tpu.memory_space<vmem_shared>>) target_semaphore(%run_scoped3A : memref<!tpu.dma_semaphore, #tpu.memory_space<semaphore_mem>>)
      %dma_wait3A_106 = arith.constant 0 : i32
      %dma_wait3A_107 = tpu.memref_slice %arg12[%mul3A_0, %dma_wait3A_106] : memref<10000x16xf32, #tpu.memory_space<vmem_shared>> -> memref<624x16xf32, #tpu.memory_space<vmem_shared>>
      %dma_wait3A_108 = arith.constant 0 : i32
      %dma_wait3A_109 = tpu.memref_slice %arg8[%mul3A_0, %dma_wait3A_108] : memref<10000x16xf32, #tpu.memory_space<hbm>> -> memref<624x16xf32, #tpu.memory_space<hbm>>
      tpu.wait_dma2 semaphore(%run_scoped3A : memref<!tpu.dma_semaphore, #tpu.memory_space<semaphore_mem>>) src(%dma_wait3A_109 : memref<624x16xf32, #tpu.memory_space<hbm>>) dst(%dma_wait3A_107 : memref<624x16xf32, #tpu.memory_space<vmem_shared>>)
      tpu.yield
    }) : () -> ()
    %eq3A_3 = arith.constant 0 : i32
    %eq3A_4 = arith.cmpi eq, %arg1, %eq3A_3 : i32
    %convert_element_type3A_5 = arith.extui %eq3A_4 : i1 to i32
    %cond3A_6 = arith.constant 0 : i32
    %cond3A_7 = arith.cmpi ne, %convert_element_type3A_5, %cond3A_6 : i32
    scf.if %cond3A_7 {
      "tpu.region"() ({
        %run_scoped3A = tpu.sem_alloc : memref<!tpu.dma_semaphore, #tpu.memory_space<semaphore_mem>>
        %dma_start3A = arith.constant 9984 : i32
        %dma_start3A_103 = arith.constant 0 : i32
        %dma_start3A_104 = tpu.memref_slice %arg12[%dma_start3A, %dma_start3A_103] : memref<10000x16xf32, #tpu.memory_space<vmem_shared>> -> memref<16x16xf32, #tpu.memory_space<vmem_shared>>
        %dma_start3A_105 = arith.constant 9984 : i32
        %dma_start3A_106 = arith.constant 0 : i32
        %dma_start3A_107 = tpu.memref_slice %arg8[%dma_start3A_105, %dma_start3A_106] : memref<10000x16xf32, #tpu.memory_space<hbm>> -> memref<16x16xf32, #tpu.memory_space<hbm>>
        tpu.enqueue_dma source(%dma_start3A_107 : memref<16x16xf32, #tpu.memory_space<hbm>>) target(%dma_start3A_104 : memref<16x16xf32, #tpu.memory_space<vmem_shared>>) target_semaphore(%run_scoped3A : memref<!tpu.dma_semaphore, #tpu.memory_space<semaphore_mem>>)
        %dma_wait3A_108 = arith.constant 9984 : i32
        %dma_wait3A_109 = arith.constant 0 : i32
        %dma_wait3A_110 = tpu.memref_slice %arg12[%dma_wait3A_108, %dma_wait3A_109] : memref<10000x16xf32, #tpu.memory_space<vmem_shared>> -> memref<16x16xf32, #tpu.memory_space<vmem_shared>>
        %dma_wait3A_111 = arith.constant 9984 : i32
        %dma_wait3A_112 = arith.constant 0 : i32
        %dma_wait3A_113 = tpu.memref_slice %arg8[%dma_wait3A_111, %dma_wait3A_112] : memref<10000x16xf32, #tpu.memory_space<hbm>> -> memref<16x16xf32, #tpu.memory_space<hbm>>
        tpu.wait_dma2 semaphore(%run_scoped3A : memref<!tpu.dma_semaphore, #tpu.memory_space<semaphore_mem>>) src(%dma_wait3A_113 : memref<16x16xf32, #tpu.memory_space<hbm>>) dst(%dma_wait3A_110 : memref<16x16xf32, #tpu.memory_space<vmem_shared>>)
        tpu.yield
      }) : () -> ()
    } else {
    }
    %iota3A = tpu.iota {dimensions = array<i32: 0>} : vector<16xi32>
    %barrier3A = arith.constant 0 : index
    tpu.barrier barrier_id(%barrier3A)
    %scan3A = arith.constant 0 : i32
    %scan3A_8 = arith.constant 0 : i32
    %scan3A_9 = arith.constant 2 : i32
    %scan3A_10 = arith.addi %scan3A_8, %scan3A_9 : i32
    %scan3A_11 = arith.constant 1 : i32
    scf.for %scan3A_103 = %scan3A_8 to %scan3A_10 step %scan3A_11  : i32 {
      %gt3A = arith.constant 0 : i32
      %gt3A_104 = arith.cmpi sgt, %scan3A_103, %gt3A : i32
      %convert_element_type3A_105 = arith.extui %gt3A_104 : i1 to i32
      %cond3A_106 = arith.constant 0 : i32
      %cond3A_107 = arith.cmpi ne, %convert_element_type3A_105, %cond3A_106 : i32
      scf.if %cond3A_107 {
        %dma_wait3A_142 = arith.constant 1 : i32
        %dma_wait3A_143 = arith.constant 0 : i32
        %dma_wait3A_144 = arith.constant 1 : i32
        %dma_wait3A_145 = arith.constant 0 : i32
        %dma_wait3A_146 = arith.constant 0 : i32
        %dma_wait3A_147 = tpu.memref_slice %arg16[%dma_wait3A_142, %dma_wait3A_145, %dma_wait3A_146] : memref<5x80x64xf32, #tpu.memory_space<vmem>> -> memref<1x80x64xf32, #tpu.memory_space<vmem>>
        %dma_wait3A_148 = tpu.memref_squeeze %dma_wait3A_147 : memref<1x80x64xf32, #tpu.memory_space<vmem>> -> memref<80x64xf32, #tpu.memory_space<vmem>>
        %dma_wait3A_149 = arith.constant 0 : i32
        %dma_wait3A_150 = tpu.memref_slice %arg14[%dma_wait3A_143, %dma_wait3A_149] : memref<125x80xi32, #tpu.memory_space<vmem>> -> memref<1x80xi32, #tpu.memory_space<vmem>>
        %dma_wait3A_151 = tpu.memref_squeeze %dma_wait3A_150 : memref<1x80xi32, #tpu.memory_space<vmem>> -> memref<80xi32, #tpu.memory_space<vmem>>
        %dma_wait3A_152 = arith.constant 0 : i32
        %dma_wait3A_153 = arith.constant 0 : i32
        %dma_wait3A_154 = tpu.memref_slice %arg11[%dma_wait3A_152, %dma_wait3A_153] : memref<10000x64xf32, #tpu.memory_space<vmem_shared>> -> memref<10000x64xf32, #tpu.memory_space<vmem_shared>>
        %dma_wait3A_155 = tpu.memref_slice %arg19[%dma_wait3A_144] : memref<5x!tpu.dma_semaphore, #tpu.memory_space<semaphore_mem>> -> memref<1x!tpu.dma_semaphore, #tpu.memory_space<semaphore_mem>>
        %dma_wait3A_156 = tpu.memref_squeeze %dma_wait3A_155 : memref<1x!tpu.dma_semaphore, #tpu.memory_space<semaphore_mem>> -> memref<!tpu.dma_semaphore, #tpu.memory_space<semaphore_mem>>
        tpu.wait_indirect_dma semaphore(%dma_wait3A_156 : memref<!tpu.dma_semaphore, #tpu.memory_space<semaphore_mem>>) src(%dma_wait3A_148 : memref<80x64xf32, #tpu.memory_space<vmem>>) dst(%dma_wait3A_154 : memref<10000x64xf32, #tpu.memory_space<vmem_shared>>)
        %sub3A = arith.constant 1 : i32
        %sub3A_157 = arith.subi %scan3A_103, %sub3A : i32
        %add3A_158 = arith.constant 121 : i32
        %add3A_159 = arith.addi %sub3A_157, %add3A_158 : i32
        %rem3A = arith.constant 2 : i32
        %rem3A_160 = arith.remsi %add3A_159, %rem3A : i32
        %eq3A_161 = arith.cmpi eq, %rem3A_160, %arg0 : i32
        %convert_element_type3A_162 = arith.extui %eq3A_161 : i1 to i32
        %cond3A_163 = arith.constant 0 : i32
        %cond3A_164 = arith.cmpi ne, %convert_element_type3A_162, %cond3A_163 : i32
        scf.if %cond3A_164 {
          %dma_wait3A_240 = arith.constant 1 : i32
          %dma_wait3A_241 = arith.constant 0 : i32
          %dma_wait3A_242 = arith.constant 1 : i32
          %dma_wait3A_243 = arith.constant 0 : i32
          %dma_wait3A_244 = arith.constant 0 : i32
          %dma_wait3A_245 = tpu.memref_slice %arg17[%dma_wait3A_240, %dma_wait3A_243, %dma_wait3A_244] : memref<5x80x16xf32, #tpu.memory_space<vmem>> -> memref<1x80x16xf32, #tpu.memory_space<vmem>>
          %dma_wait3A_246 = tpu.memref_squeeze %dma_wait3A_245 : memref<1x80x16xf32, #tpu.memory_space<vmem>> -> memref<80x16xf32, #tpu.memory_space<vmem>>
          %dma_wait3A_247 = arith.constant 0 : i32
          %dma_wait3A_248 = tpu.memref_slice %arg14[%dma_wait3A_241, %dma_wait3A_247] : memref<125x80xi32, #tpu.memory_space<vmem>> -> memref<1x80xi32, #tpu.memory_space<vmem>>
          %dma_wait3A_249 = tpu.memref_squeeze %dma_wait3A_248 : memref<1x80xi32, #tpu.memory_space<vmem>> -> memref<80xi32, #tpu.memory_space<vmem>>
          %dma_wait3A_250 = arith.constant 0 : i32
          %dma_wait3A_251 = arith.constant 0 : i32
          %dma_wait3A_252 = tpu.memref_slice %arg12[%dma_wait3A_250, %dma_wait3A_251] : memref<10000x16xf32, #tpu.memory_space<vmem_shared>> -> memref<10000x16xf32, #tpu.memory_space<vmem_shared>>
          %dma_wait3A_253 = tpu.memref_slice %arg19[%dma_wait3A_242] : memref<5x!tpu.dma_semaphore, #tpu.memory_space<semaphore_mem>> -> memref<1x!tpu.dma_semaphore, #tpu.memory_space<semaphore_mem>>
          %dma_wait3A_254 = tpu.memref_squeeze %dma_wait3A_253 : memref<1x!tpu.dma_semaphore, #tpu.memory_space<semaphore_mem>> -> memref<!tpu.dma_semaphore, #tpu.memory_space<semaphore_mem>>
          tpu.wait_indirect_dma semaphore(%dma_wait3A_254 : memref<!tpu.dma_semaphore, #tpu.memory_space<semaphore_mem>>) src(%dma_wait3A_246 : memref<80x16xf32, #tpu.memory_space<vmem>>) dst(%dma_wait3A_252 : memref<10000x16xf32, #tpu.memory_space<vmem_shared>>)
        } else {
        }
        %dma_wait3A_165 = arith.constant 2 : i32
        %dma_wait3A_166 = arith.constant 0 : i32
        %dma_wait3A_167 = arith.constant 2 : i32
        %dma_wait3A_168 = arith.constant 0 : i32
        %dma_wait3A_169 = arith.constant 0 : i32
        %dma_wait3A_170 = tpu.memref_slice %arg16[%dma_wait3A_165, %dma_wait3A_168, %dma_wait3A_169] : memref<5x80x64xf32, #tpu.memory_space<vmem>> -> memref<1x80x64xf32, #tpu.memory_space<vmem>>
        %dma_wait3A_171 = tpu.memref_squeeze %dma_wait3A_170 : memref<1x80x64xf32, #tpu.memory_space<vmem>> -> memref<80x64xf32, #tpu.memory_space<vmem>>
        %dma_wait3A_172 = arith.constant 0 : i32
        %dma_wait3A_173 = tpu.memref_slice %arg14[%dma_wait3A_166, %dma_wait3A_172] : memref<125x80xi32, #tpu.memory_space<vmem>> -> memref<1x80xi32, #tpu.memory_space<vmem>>
        %dma_wait3A_174 = tpu.memref_squeeze %dma_wait3A_173 : memref<1x80xi32, #tpu.memory_space<vmem>> -> memref<80xi32, #tpu.memory_space<vmem>>
        %dma_wait3A_175 = arith.constant 0 : i32
        %dma_wait3A_176 = arith.constant 0 : i32
        %dma_wait3A_177 = tpu.memref_slice %arg11[%dma_wait3A_175, %dma_wait3A_176] : memref<10000x64xf32, #tpu.memory_space<vmem_shared>> -> memref<10000x64xf32, #tpu.memory_space<vmem_shared>>
        %dma_wait3A_178 = tpu.memref_slice %arg19[%dma_wait3A_167] : memref<5x!tpu.dma_semaphore, #tpu.memory_space<semaphore_mem>> -> memref<1x!tpu.dma_semaphore, #tpu.memory_space<semaphore_mem>>
        %dma_wait3A_179 = tpu.memref_squeeze %dma_wait3A_178 : memref<1x!tpu.dma_semaphore, #tpu.memory_space<semaphore_mem>> -> memref<!tpu.dma_semaphore, #tpu.memory_space<semaphore_mem>>
        tpu.wait_indirect_dma semaphore(%dma_wait3A_179 : memref<!tpu.dma_semaphore, #tpu.memory_space<semaphore_mem>>) src(%dma_wait3A_171 : memref<80x64xf32, #tpu.memory_space<vmem>>) dst(%dma_wait3A_177 : memref<10000x64xf32, #tpu.memory_space<vmem_shared>>)
        %sub3A_180 = arith.constant 1 : i32
        %sub3A_181 = arith.subi %scan3A_103, %sub3A_180 : i32
        %add3A_182 = arith.constant 122 : i32
        %add3A_183 = arith.addi %sub3A_181, %add3A_182 : i32
        %rem3A_184 = arith.constant 2 : i32
        %rem3A_185 = arith.remsi %add3A_183, %rem3A_184 : i32
        %eq3A_186 = arith.cmpi eq, %rem3A_185, %arg0 : i32
        %convert_element_type3A_187 = arith.extui %eq3A_186 : i1 to i32
        %cond3A_188 = arith.constant 0 : i32
        %cond3A_189 = arith.cmpi ne, %convert_element_type3A_187, %cond3A_188 : i32
        scf.if %cond3A_189 {
          %dma_wait3A_240 = arith.constant 2 : i32
          %dma_wait3A_241 = arith.constant 0 : i32
          %dma_wait3A_242 = arith.constant 2 : i32
          %dma_wait3A_243 = arith.constant 0 : i32
          %dma_wait3A_244 = arith.constant 0 : i32
          %dma_wait3A_245 = tpu.memref_slice %arg17[%dma_wait3A_240, %dma_wait3A_243, %dma_wait3A_244] : memref<5x80x16xf32, #tpu.memory_space<vmem>> -> memref<1x80x16xf32, #tpu.memory_space<vmem>>
          %dma_wait3A_246 = tpu.memref_squeeze %dma_wait3A_245 : memref<1x80x16xf32, #tpu.memory_space<vmem>> -> memref<80x16xf32, #tpu.memory_space<vmem>>
          %dma_wait3A_247 = arith.constant 0 : i32
          %dma_wait3A_248 = tpu.memref_slice %arg14[%dma_wait3A_241, %dma_wait3A_247] : memref<125x80xi32, #tpu.memory_space<vmem>> -> memref<1x80xi32, #tpu.memory_space<vmem>>
          %dma_wait3A_249 = tpu.memref_squeeze %dma_wait3A_248 : memref<1x80xi32, #tpu.memory_space<vmem>> -> memref<80xi32, #tpu.memory_space<vmem>>
          %dma_wait3A_250 = arith.constant 0 : i32
          %dma_wait3A_251 = arith.constant 0 : i32
          %dma_wait3A_252 = tpu.memref_slice %arg12[%dma_wait3A_250, %dma_wait3A_251] : memref<10000x16xf32, #tpu.memory_space<vmem_shared>> -> memref<10000x16xf32, #tpu.memory_space<vmem_shared>>
          %dma_wait3A_253 = tpu.memref_slice %arg19[%dma_wait3A_242] : memref<5x!tpu.dma_semaphore, #tpu.memory_space<semaphore_mem>> -> memref<1x!tpu.dma_semaphore, #tpu.memory_space<semaphore_mem>>
          %dma_wait3A_254 = tpu.memref_squeeze %dma_wait3A_253 : memref<1x!tpu.dma_semaphore, #tpu.memory_space<semaphore_mem>> -> memref<!tpu.dma_semaphore, #tpu.memory_space<semaphore_mem>>
          tpu.wait_indirect_dma semaphore(%dma_wait3A_254 : memref<!tpu.dma_semaphore, #tpu.memory_space<semaphore_mem>>) src(%dma_wait3A_246 : memref<80x16xf32, #tpu.memory_space<vmem>>) dst(%dma_wait3A_252 : memref<10000x16xf32, #tpu.memory_space<vmem_shared>>)
        } else {
        }
        %dma_wait3A_190 = arith.constant 3 : i32
        %dma_wait3A_191 = arith.constant 0 : i32
        %dma_wait3A_192 = arith.constant 3 : i32
        %dma_wait3A_193 = arith.constant 0 : i32
        %dma_wait3A_194 = arith.constant 0 : i32
        %dma_wait3A_195 = tpu.memref_slice %arg16[%dma_wait3A_190, %dma_wait3A_193, %dma_wait3A_194] : memref<5x80x64xf32, #tpu.memory_space<vmem>> -> memref<1x80x64xf32, #tpu.memory_space<vmem>>
        %dma_wait3A_196 = tpu.memref_squeeze %dma_wait3A_195 : memref<1x80x64xf32, #tpu.memory_space<vmem>> -> memref<80x64xf32, #tpu.memory_space<vmem>>
        %dma_wait3A_197 = arith.constant 0 : i32
        %dma_wait3A_198 = tpu.memref_slice %arg14[%dma_wait3A_191, %dma_wait3A_197] : memref<125x80xi32, #tpu.memory_space<vmem>> -> memref<1x80xi32, #tpu.memory_space<vmem>>
        %dma_wait3A_199 = tpu.memref_squeeze %dma_wait3A_198 : memref<1x80xi32, #tpu.memory_space<vmem>> -> memref<80xi32, #tpu.memory_space<vmem>>
        %dma_wait3A_200 = arith.constant 0 : i32
        %dma_wait3A_201 = arith.constant 0 : i32
        %dma_wait3A_202 = tpu.memref_slice %arg11[%dma_wait3A_200, %dma_wait3A_201] : memref<10000x64xf32, #tpu.memory_space<vmem_shared>> -> memref<10000x64xf32, #tpu.memory_space<vmem_shared>>
        %dma_wait3A_203 = tpu.memref_slice %arg19[%dma_wait3A_192] : memref<5x!tpu.dma_semaphore, #tpu.memory_space<semaphore_mem>> -> memref<1x!tpu.dma_semaphore, #tpu.memory_space<semaphore_mem>>
        %dma_wait3A_204 = tpu.memref_squeeze %dma_wait3A_203 : memref<1x!tpu.dma_semaphore, #tpu.memory_space<semaphore_mem>> -> memref<!tpu.dma_semaphore, #tpu.memory_space<semaphore_mem>>
        tpu.wait_indirect_dma semaphore(%dma_wait3A_204 : memref<!tpu.dma_semaphore, #tpu.memory_space<semaphore_mem>>) src(%dma_wait3A_196 : memref<80x64xf32, #tpu.memory_space<vmem>>) dst(%dma_wait3A_202 : memref<10000x64xf32, #tpu.memory_space<vmem_shared>>)
        %sub3A_205 = arith.constant 1 : i32
        %sub3A_206 = arith.subi %scan3A_103, %sub3A_205 : i32
        %add3A_207 = arith.constant 123 : i32
        %add3A_208 = arith.addi %sub3A_206, %add3A_207 : i32
        %rem3A_209 = arith.constant 2 : i32
        %rem3A_210 = arith.remsi %add3A_208, %rem3A_209 : i32
        %eq3A_211 = arith.cmpi eq, %rem3A_210, %arg0 : i32
        %convert_element_type3A_212 = arith.extui %eq3A_211 : i1 to i32
        %cond3A_213 = arith.constant 0 : i32
        %cond3A_214 = arith.cmpi ne, %convert_element_type3A_212, %cond3A_213 : i32
        scf.if %cond3A_214 {
          %dma_wait3A_240 = arith.constant 3 : i32
          %dma_wait3A_241 = arith.constant 0 : i32
          %dma_wait3A_242 = arith.constant 3 : i32
          %dma_wait3A_243 = arith.constant 0 : i32
          %dma_wait3A_244 = arith.constant 0 : i32
          %dma_wait3A_245 = tpu.memref_slice %arg17[%dma_wait3A_240, %dma_wait3A_243, %dma_wait3A_244] : memref<5x80x16xf32, #tpu.memory_space<vmem>> -> memref<1x80x16xf32, #tpu.memory_space<vmem>>
          %dma_wait3A_246 = tpu.memref_squeeze %dma_wait3A_245 : memref<1x80x16xf32, #tpu.memory_space<vmem>> -> memref<80x16xf32, #tpu.memory_space<vmem>>
          %dma_wait3A_247 = arith.constant 0 : i32
          %dma_wait3A_248 = tpu.memref_slice %arg14[%dma_wait3A_241, %dma_wait3A_247] : memref<125x80xi32, #tpu.memory_space<vmem>> -> memref<1x80xi32, #tpu.memory_space<vmem>>
          %dma_wait3A_249 = tpu.memref_squeeze %dma_wait3A_248 : memref<1x80xi32, #tpu.memory_space<vmem>> -> memref<80xi32, #tpu.memory_space<vmem>>
          %dma_wait3A_250 = arith.constant 0 : i32
          %dma_wait3A_251 = arith.constant 0 : i32
          %dma_wait3A_252 = tpu.memref_slice %arg12[%dma_wait3A_250, %dma_wait3A_251] : memref<10000x16xf32, #tpu.memory_space<vmem_shared>> -> memref<10000x16xf32, #tpu.memory_space<vmem_shared>>
          %dma_wait3A_253 = tpu.memref_slice %arg19[%dma_wait3A_242] : memref<5x!tpu.dma_semaphore, #tpu.memory_space<semaphore_mem>> -> memref<1x!tpu.dma_semaphore, #tpu.memory_space<semaphore_mem>>
          %dma_wait3A_254 = tpu.memref_squeeze %dma_wait3A_253 : memref<1x!tpu.dma_semaphore, #tpu.memory_space<semaphore_mem>> -> memref<!tpu.dma_semaphore, #tpu.memory_space<semaphore_mem>>
          tpu.wait_indirect_dma semaphore(%dma_wait3A_254 : memref<!tpu.dma_semaphore, #tpu.memory_space<semaphore_mem>>) src(%dma_wait3A_246 : memref<80x16xf32, #tpu.memory_space<vmem>>) dst(%dma_wait3A_252 : memref<10000x16xf32, #tpu.memory_space<vmem_shared>>)
        } else {
        }
        %dma_wait3A_215 = arith.constant 4 : i32
        %dma_wait3A_216 = arith.constant 0 : i32
        %dma_wait3A_217 = arith.constant 4 : i32
        %dma_wait3A_218 = arith.constant 0 : i32
        %dma_wait3A_219 = arith.constant 0 : i32
        %dma_wait3A_220 = tpu.memref_slice %arg16[%dma_wait3A_215, %dma_wait3A_218, %dma_wait3A_219] : memref<5x80x64xf32, #tpu.memory_space<vmem>> -> memref<1x80x64xf32, #tpu.memory_space<vmem>>
        %dma_wait3A_221 = tpu.memref_squeeze %dma_wait3A_220 : memref<1x80x64xf32, #tpu.memory_space<vmem>> -> memref<80x64xf32, #tpu.memory_space<vmem>>
        %dma_wait3A_222 = arith.constant 0 : i32
        %dma_wait3A_223 = tpu.memref_slice %arg14[%dma_wait3A_216, %dma_wait3A_222] : memref<125x80xi32, #tpu.memory_space<vmem>> -> memref<1x80xi32, #tpu.memory_space<vmem>>
        %dma_wait3A_224 = tpu.memref_squeeze %dma_wait3A_223 : memref<1x80xi32, #tpu.memory_space<vmem>> -> memref<80xi32, #tpu.memory_space<vmem>>
        %dma_wait3A_225 = arith.constant 0 : i32
        %dma_wait3A_226 = arith.constant 0 : i32
        %dma_wait3A_227 = tpu.memref_slice %arg11[%dma_wait3A_225, %dma_wait3A_226] : memref<10000x64xf32, #tpu.memory_space<vmem_shared>> -> memref<10000x64xf32, #tpu.memory_space<vmem_shared>>
        %dma_wait3A_228 = tpu.memref_slice %arg19[%dma_wait3A_217] : memref<5x!tpu.dma_semaphore, #tpu.memory_space<semaphore_mem>> -> memref<1x!tpu.dma_semaphore, #tpu.memory_space<semaphore_mem>>
        %dma_wait3A_229 = tpu.memref_squeeze %dma_wait3A_228 : memref<1x!tpu.dma_semaphore, #tpu.memory_space<semaphore_mem>> -> memref<!tpu.dma_semaphore, #tpu.memory_space<semaphore_mem>>
        tpu.wait_indirect_dma semaphore(%dma_wait3A_229 : memref<!tpu.dma_semaphore, #tpu.memory_space<semaphore_mem>>) src(%dma_wait3A_221 : memref<80x64xf32, #tpu.memory_space<vmem>>) dst(%dma_wait3A_227 : memref<10000x64xf32, #tpu.memory_space<vmem_shared>>)
        %sub3A_230 = arith.constant 1 : i32
        %sub3A_231 = arith.subi %scan3A_103, %sub3A_230 : i32
        %add3A_232 = arith.constant 124 : i32
        %add3A_233 = arith.addi %sub3A_231, %add3A_232 : i32
        %rem3A_234 = arith.constant 2 : i32
        %rem3A_235 = arith.remsi %add3A_233, %rem3A_234 : i32
        %eq3A_236 = arith.cmpi eq, %rem3A_235, %arg0 : i32
        %convert_element_type3A_237 = arith.extui %eq3A_236 : i1 to i32
        %cond3A_238 = arith.constant 0 : i32
        %cond3A_239 = arith.cmpi ne, %convert_element_type3A_237, %cond3A_238 : i32
        scf.if %cond3A_239 {
          %dma_wait3A_240 = arith.constant 4 : i32
          %dma_wait3A_241 = arith.constant 0 : i32
          %dma_wait3A_242 = arith.constant 4 : i32
          %dma_wait3A_243 = arith.constant 0 : i32
          %dma_wait3A_244 = arith.constant 0 : i32
          %dma_wait3A_245 = tpu.memref_slice %arg17[%dma_wait3A_240, %dma_wait3A_243, %dma_wait3A_244] : memref<5x80x16xf32, #tpu.memory_space<vmem>> -> memref<1x80x16xf32, #tpu.memory_space<vmem>>
          %dma_wait3A_246 = tpu.memref_squeeze %dma_wait3A_245 : memref<1x80x16xf32, #tpu.memory_space<vmem>> -> memref<80x16xf32, #tpu.memory_space<vmem>>
          %dma_wait3A_247 = arith.constant 0 : i32
          %dma_wait3A_248 = tpu.memref_slice %arg14[%dma_wait3A_241, %dma_wait3A_247] : memref<125x80xi32, #tpu.memory_space<vmem>> -> memref<1x80xi32, #tpu.memory_space<vmem>>
          %dma_wait3A_249 = tpu.memref_squeeze %dma_wait3A_248 : memref<1x80xi32, #tpu.memory_space<vmem>> -> memref<80xi32, #tpu.memory_space<vmem>>
          %dma_wait3A_250 = arith.constant 0 : i32
          %dma_wait3A_251 = arith.constant 0 : i32
          %dma_wait3A_252 = tpu.memref_slice %arg12[%dma_wait3A_250, %dma_wait3A_251] : memref<10000x16xf32, #tpu.memory_space<vmem_shared>> -> memref<10000x16xf32, #tpu.memory_space<vmem_shared>>
          %dma_wait3A_253 = tpu.memref_slice %arg19[%dma_wait3A_242] : memref<5x!tpu.dma_semaphore, #tpu.memory_space<semaphore_mem>> -> memref<1x!tpu.dma_semaphore, #tpu.memory_space<semaphore_mem>>
          %dma_wait3A_254 = tpu.memref_squeeze %dma_wait3A_253 : memref<1x!tpu.dma_semaphore, #tpu.memory_space<semaphore_mem>> -> memref<!tpu.dma_semaphore, #tpu.memory_space<semaphore_mem>>
          tpu.wait_indirect_dma semaphore(%dma_wait3A_254 : memref<!tpu.dma_semaphore, #tpu.memory_space<semaphore_mem>>) src(%dma_wait3A_246 : memref<80x16xf32, #tpu.memory_space<vmem>>) dst(%dma_wait3A_252 : memref<10000x16xf32, #tpu.memory_space<vmem_shared>>)
        } else {
        }
      } else {
      }
      %mul3A_108 = arith.constant 250 : i32
      %mul3A_109 = arith.muli %arg1, %mul3A_108 : i32
      %mul3A_110 = arith.constant 125 : i32
      %mul3A_111 = arith.muli %scan3A_103, %mul3A_110 : i32
      %add3A = arith.addi %mul3A_109, %mul3A_111 : i32
      %eq3A_112 = arith.constant 0 : i32
      %eq3A_113 = arith.cmpi eq, %arg0, %eq3A_112 : i32
      %convert_element_type3A_114 = arith.extui %eq3A_113 : i1 to i32
      %cond3A_115 = arith.constant 0 : i32
      %cond3A_116 = arith.cmpi ne, %convert_element_type3A_114, %cond3A_115 : i32
      scf.if %cond3A_116 {
        "tpu.region"() ({
          %run_scoped3A = tpu.sem_alloc : memref<!tpu.dma_semaphore, #tpu.memory_space<semaphore_mem>>
          %dma_start3A_142 = arith.constant 0 : i32
          %dma_start3A_143 = tpu.memref_slice %arg3[%add3A, %dma_start3A_142] : memref<4000x80xi32, #tpu.memory_space<hbm>> -> memref<125x80xi32, #tpu.memory_space<hbm>>
          %dma_start3A_144 = arith.constant 0 : i32
          %dma_start3A_145 = tpu.memref_slice %arg3[%add3A, %dma_start3A_144] : memref<4000x80xi32, #tpu.memory_space<hbm>> -> memref<125x80xi32, #tpu.memory_space<hbm>>
          tpu.enqueue_dma source(%dma_start3A_145 : memref<125x80xi32, #tpu.memory_space<hbm>>) target(%arg13 : memref<125x80xi32, #tpu.memory_space<vmem>>) target_semaphore(%run_scoped3A : memref<!tpu.dma_semaphore, #tpu.memory_space<semaphore_mem>>)
          %dma_wait3A_146 = arith.constant 0 : i32
          %dma_wait3A_147 = tpu.memref_slice %arg3[%add3A, %dma_wait3A_146] : memref<4000x80xi32, #tpu.memory_space<hbm>> -> memref<125x80xi32, #tpu.memory_space<hbm>>
          %dma_wait3A_148 = arith.constant 0 : i32
          %dma_wait3A_149 = tpu.memref_slice %arg3[%add3A, %dma_wait3A_148] : memref<4000x80xi32, #tpu.memory_space<hbm>> -> memref<125x80xi32, #tpu.memory_space<hbm>>
          tpu.wait_dma2 semaphore(%run_scoped3A : memref<!tpu.dma_semaphore, #tpu.memory_space<semaphore_mem>>) src(%dma_wait3A_149 : memref<125x80xi32, #tpu.memory_space<hbm>>) dst(%arg13 : memref<125x80xi32, #tpu.memory_space<vmem>>)
          tpu.yield
        }) : () -> ()
      } else {
      }
      %eq3A_117 = arith.constant 1 : i32
      %eq3A_118 = arith.cmpi eq, %arg0, %eq3A_117 : i32
      %convert_element_type3A_119 = arith.extui %eq3A_118 : i1 to i32
      %cond3A_120 = arith.constant 0 : i32
      %cond3A_121 = arith.cmpi ne, %convert_element_type3A_119, %cond3A_120 : i32
      scf.if %cond3A_121 {
        "tpu.region"() ({
          %run_scoped3A = tpu.sem_alloc : memref<!tpu.dma_semaphore, #tpu.memory_space<semaphore_mem>>
          %dma_start3A_142 = arith.constant 0 : i32
          %dma_start3A_143 = tpu.memref_slice %arg4[%add3A, %dma_start3A_142] : memref<4000x80xi32, #tpu.memory_space<hbm>> -> memref<125x80xi32, #tpu.memory_space<hbm>>
          %dma_start3A_144 = arith.constant 0 : i32
          %dma_start3A_145 = tpu.memref_slice %arg4[%add3A, %dma_start3A_144] : memref<4000x80xi32, #tpu.memory_space<hbm>> -> memref<125x80xi32, #tpu.memory_space<hbm>>
          tpu.enqueue_dma source(%dma_start3A_145 : memref<125x80xi32, #tpu.memory_space<hbm>>) target(%arg13 : memref<125x80xi32, #tpu.memory_space<vmem>>) target_semaphore(%run_scoped3A : memref<!tpu.dma_semaphore, #tpu.memory_space<semaphore_mem>>)
          %dma_wait3A_146 = arith.constant 0 : i32
          %dma_wait3A_147 = tpu.memref_slice %arg4[%add3A, %dma_wait3A_146] : memref<4000x80xi32, #tpu.memory_space<hbm>> -> memref<125x80xi32, #tpu.memory_space<hbm>>
          %dma_wait3A_148 = arith.constant 0 : i32
          %dma_wait3A_149 = tpu.memref_slice %arg4[%add3A, %dma_wait3A_148] : memref<4000x80xi32, #tpu.memory_space<hbm>> -> memref<125x80xi32, #tpu.memory_space<hbm>>
          tpu.wait_dma2 semaphore(%run_scoped3A : memref<!tpu.dma_semaphore, #tpu.memory_space<semaphore_mem>>) src(%dma_wait3A_149 : memref<125x80xi32, #tpu.memory_space<hbm>>) dst(%arg13 : memref<125x80xi32, #tpu.memory_space<vmem>>)
          tpu.yield
        }) : () -> ()
      } else {
      }
      "tpu.region"() ({
        %run_scoped3A = tpu.sem_alloc : memref<!tpu.dma_semaphore, #tpu.memory_space<semaphore_mem>>
        %dma_start3A_142 = arith.constant 0 : i32
        %dma_start3A_143 = tpu.memref_slice %arg5[%add3A, %dma_start3A_142] : memref<4000x80xi32, #tpu.memory_space<hbm>> -> memref<125x80xi32, #tpu.memory_space<hbm>>
        %dma_start3A_144 = arith.constant 0 : i32
        %dma_start3A_145 = tpu.memref_slice %arg5[%add3A, %dma_start3A_144] : memref<4000x80xi32, #tpu.memory_space<hbm>> -> memref<125x80xi32, #tpu.memory_space<hbm>>
        tpu.enqueue_dma source(%dma_start3A_145 : memref<125x80xi32, #tpu.memory_space<hbm>>) target(%arg14 : memref<125x80xi32, #tpu.memory_space<vmem>>) target_semaphore(%run_scoped3A : memref<!tpu.dma_semaphore, #tpu.memory_space<semaphore_mem>>)
        %dma_wait3A_146 = arith.constant 0 : i32
        %dma_wait3A_147 = tpu.memref_slice %arg5[%add3A, %dma_wait3A_146] : memref<4000x80xi32, #tpu.memory_space<hbm>> -> memref<125x80xi32, #tpu.memory_space<hbm>>
        %dma_wait3A_148 = arith.constant 0 : i32
        %dma_wait3A_149 = tpu.memref_slice %arg5[%add3A, %dma_wait3A_148] : memref<4000x80xi32, #tpu.memory_space<hbm>> -> memref<125x80xi32, #tpu.memory_space<hbm>>
        tpu.wait_dma2 semaphore(%run_scoped3A : memref<!tpu.dma_semaphore, #tpu.memory_space<semaphore_mem>>) src(%dma_wait3A_149 : memref<125x80xi32, #tpu.memory_space<hbm>>) dst(%arg14 : memref<125x80xi32, #tpu.memory_space<vmem>>)
        tpu.yield
      }) : () -> ()
      "tpu.region"() ({
        %run_scoped3A = tpu.sem_alloc : memref<!tpu.dma_semaphore, #tpu.memory_space<semaphore_mem>>
        %dma_start3A_142 = arith.constant 0 : i32
        %dma_start3A_143 = tpu.memref_slice %arg6[%add3A, %dma_start3A_142] : memref<4000x80xi32, #tpu.memory_space<hbm>> -> memref<125x80xi32, #tpu.memory_space<hbm>>
        %dma_start3A_144 = arith.constant 0 : i32
        %dma_start3A_145 = tpu.memref_slice %arg6[%add3A, %dma_start3A_144] : memref<4000x80xi32, #tpu.memory_space<hbm>> -> memref<125x80xi32, #tpu.memory_space<hbm>>
        tpu.enqueue_dma source(%dma_start3A_145 : memref<125x80xi32, #tpu.memory_space<hbm>>) target(%arg15 : memref<125x80xi32, #tpu.memory_space<vmem>>) target_semaphore(%run_scoped3A : memref<!tpu.dma_semaphore, #tpu.memory_space<semaphore_mem>>)
        %dma_wait3A_146 = arith.constant 0 : i32
        %dma_wait3A_147 = tpu.memref_slice %arg6[%add3A, %dma_wait3A_146] : memref<4000x80xi32, #tpu.memory_space<hbm>> -> memref<125x80xi32, #tpu.memory_space<hbm>>
        %dma_wait3A_148 = arith.constant 0 : i32
        %dma_wait3A_149 = tpu.memref_slice %arg6[%add3A, %dma_wait3A_148] : memref<4000x80xi32, #tpu.memory_space<hbm>> -> memref<125x80xi32, #tpu.memory_space<hbm>>
        tpu.wait_dma2 semaphore(%run_scoped3A : memref<!tpu.dma_semaphore, #tpu.memory_space<semaphore_mem>>) src(%dma_wait3A_149 : memref<125x80xi32, #tpu.memory_space<hbm>>) dst(%arg15 : memref<125x80xi32, #tpu.memory_space<vmem>>)
        tpu.yield
      }) : () -> ()
      %dma_start3A = arith.constant 0 : i32
      %dma_start3A_122 = arith.constant 0 : i32
      %dma_start3A_123 = arith.constant 0 : i32
      %dma_start3A_124 = arith.constant 0 : i32
      %dma_start3A_125 = arith.constant 0 : i32
      %dma_start3A_126 = tpu.memref_slice %arg16[%dma_start3A_122, %dma_start3A_124, %dma_start3A_125] : memref<5x80x64xf32, #tpu.memory_space<vmem>> -> memref<1x80x64xf32, #tpu.memory_space<vmem>>
      %dma_start3A_127 = tpu.memref_squeeze %dma_start3A_126 : memref<1x80x64xf32, #tpu.memory_space<vmem>> -> memref<80x64xf32, #tpu.memory_space<vmem>>
      %dma_start3A_128 = arith.constant 0 : i32
      %dma_start3A_129 = tpu.memref_slice %arg13[%dma_start3A, %dma_start3A_128] : memref<125x80xi32, #tpu.memory_space<vmem>> -> memref<1x80xi32, #tpu.memory_space<vmem>>
      %dma_start3A_130 = tpu.memref_squeeze %dma_start3A_129 : memref<1x80xi32, #tpu.memory_space<vmem>> -> memref<80xi32, #tpu.memory_space<vmem>>
      %dma_start3A_131 = arith.constant 0 : i32
      %dma_start3A_132 = arith.constant 0 : i32
      %dma_start3A_133 = tpu.memref_slice %arg2[%dma_start3A_131, %dma_start3A_132] : memref<20000x64xf32, #tpu.memory_space<hbm>> -> memref<20000x64xf32, #tpu.memory_space<hbm>>
      %dma_start3A_134 = tpu.memref_slice %arg18[%dma_start3A_123] : memref<5x!tpu.dma_semaphore, #tpu.memory_space<semaphore_mem>> -> memref<1x!tpu.dma_semaphore, #tpu.memory_space<semaphore_mem>>
      %dma_start3A_135 = tpu.memref_squeeze %dma_start3A_134 : memref<1x!tpu.dma_semaphore, #tpu.memory_space<semaphore_mem>> -> memref<!tpu.dma_semaphore, #tpu.memory_space<semaphore_mem>>
      tpu.enqueue_indirect_dma source(%dma_start3A_133 : memref<20000x64xf32, #tpu.memory_space<hbm>>) target(%dma_start3A_127 : memref<80x64xf32, #tpu.memory_space<vmem>>) offsets(%dma_start3A_130 : memref<80xi32, #tpu.memory_space<vmem>>) semaphore(%dma_start3A_135 : memref<!tpu.dma_semaphore, #tpu.memory_space<semaphore_mem>>)
      %scan3A_136 = arith.constant 0 : i32
      %scan3A_137 = arith.constant 0 : i32
      %scan3A_138 = arith.constant 125 : i32
      %scan3A_139 = arith.addi %scan3A_137, %scan3A_138 : i32
      %scan3A_140 = arith.constant 1 : i32
      scf.for %scan3A_142 = %scan3A_137 to %scan3A_139 step %scan3A_140  : i32 {
        %rem3A = arith.constant 5 : i32
        %rem3A_143 = arith.remsi %scan3A_142, %rem3A : i32
        %add3A_144 = arith.constant 1 : i32
        %add3A_145 = arith.addi %scan3A_142, %add3A_144 : i32
        %rem3A_146 = arith.constant 5 : i32
        %rem3A_147 = arith.remsi %add3A_145, %rem3A_146 : i32
        %add3A_148 = arith.addi %scan3A_103, %scan3A_142 : i32
        %rem3A_149 = arith.constant 2 : i32
        %rem3A_150 = arith.remsi %add3A_148, %rem3A_149 : i32
        %eq3A_151 = arith.cmpi eq, %rem3A_150, %arg0 : i32
        %ge3A = arith.constant 4 : i32
        %ge3A_152 = arith.cmpi sge, %scan3A_142, %ge3A : i32
        %convert_element_type3A_153 = arith.extui %ge3A_152 : i1 to i32
        %cond3A_154 = arith.constant 0 : i32
        %cond3A_155 = arith.cmpi ne, %convert_element_type3A_153, %cond3A_154 : i32
        scf.if %cond3A_155 {
          %dma_wait3A_197 = arith.constant 0 : i32
          %dma_wait3A_198 = arith.constant 0 : i32
          %dma_wait3A_199 = arith.constant 0 : i32
          %dma_wait3A_200 = tpu.memref_slice %arg16[%rem3A_147, %dma_wait3A_198, %dma_wait3A_199] : memref<5x80x64xf32, #tpu.memory_space<vmem>> -> memref<1x80x64xf32, #tpu.memory_space<vmem>>
          %dma_wait3A_201 = tpu.memref_squeeze %dma_wait3A_200 : memref<1x80x64xf32, #tpu.memory_space<vmem>> -> memref<80x64xf32, #tpu.memory_space<vmem>>
          %dma_wait3A_202 = arith.constant 0 : i32
          %dma_wait3A_203 = tpu.memref_slice %arg14[%dma_wait3A_197, %dma_wait3A_202] : memref<125x80xi32, #tpu.memory_space<vmem>> -> memref<1x80xi32, #tpu.memory_space<vmem>>
          %dma_wait3A_204 = tpu.memref_squeeze %dma_wait3A_203 : memref<1x80xi32, #tpu.memory_space<vmem>> -> memref<80xi32, #tpu.memory_space<vmem>>
          %dma_wait3A_205 = arith.constant 0 : i32
          %dma_wait3A_206 = arith.constant 0 : i32
          %dma_wait3A_207 = tpu.memref_slice %arg11[%dma_wait3A_205, %dma_wait3A_206] : memref<10000x64xf32, #tpu.memory_space<vmem_shared>> -> memref<10000x64xf32, #tpu.memory_space<vmem_shared>>
          %dma_wait3A_208 = tpu.memref_slice %arg19[%rem3A_147] : memref<5x!tpu.dma_semaphore, #tpu.memory_space<semaphore_mem>> -> memref<1x!tpu.dma_semaphore, #tpu.memory_space<semaphore_mem>>
          %dma_wait3A_209 = tpu.memref_squeeze %dma_wait3A_208 : memref<1x!tpu.dma_semaphore, #tpu.memory_space<semaphore_mem>> -> memref<!tpu.dma_semaphore, #tpu.memory_space<semaphore_mem>>
          tpu.wait_indirect_dma semaphore(%dma_wait3A_209 : memref<!tpu.dma_semaphore, #tpu.memory_space<semaphore_mem>>) src(%dma_wait3A_201 : memref<80x64xf32, #tpu.memory_space<vmem>>) dst(%dma_wait3A_207 : memref<10000x64xf32, #tpu.memory_space<vmem_shared>>)
        } else {
        }
        %ge3A_156 = arith.constant 4 : i32
        %ge3A_157 = arith.cmpi sge, %scan3A_142, %ge3A_156 : i32
        %and3A = arith.andi %ge3A_157, %eq3A_151 : i1
        %convert_element_type3A_158 = arith.extui %and3A : i1 to i32
        %cond3A_159 = arith.constant 0 : i32
        %cond3A_160 = arith.cmpi ne, %convert_element_type3A_158, %cond3A_159 : i32
        scf.if %cond3A_160 {
          %dma_wait3A_197 = arith.constant 0 : i32
          %dma_wait3A_198 = arith.constant 0 : i32
          %dma_wait3A_199 = arith.constant 0 : i32
          %dma_wait3A_200 = tpu.memref_slice %arg17[%rem3A_147, %dma_wait3A_198, %dma_wait3A_199] : memref<5x80x16xf32, #tpu.memory_space<vmem>> -> memref<1x80x16xf32, #tpu.memory_space<vmem>>
          %dma_wait3A_201 = tpu.memref_squeeze %dma_wait3A_200 : memref<1x80x16xf32, #tpu.memory_space<vmem>> -> memref<80x16xf32, #tpu.memory_space<vmem>>
          %dma_wait3A_202 = arith.constant 0 : i32
          %dma_wait3A_203 = tpu.memref_slice %arg14[%dma_wait3A_197, %dma_wait3A_202] : memref<125x80xi32, #tpu.memory_space<vmem>> -> memref<1x80xi32, #tpu.memory_space<vmem>>
          %dma_wait3A_204 = tpu.memref_squeeze %dma_wait3A_203 : memref<1x80xi32, #tpu.memory_space<vmem>> -> memref<80xi32, #tpu.memory_space<vmem>>
          %dma_wait3A_205 = arith.constant 0 : i32
          %dma_wait3A_206 = arith.constant 0 : i32
          %dma_wait3A_207 = tpu.memref_slice %arg12[%dma_wait3A_205, %dma_wait3A_206] : memref<10000x16xf32, #tpu.memory_space<vmem_shared>> -> memref<10000x16xf32, #tpu.memory_space<vmem_shared>>
          %dma_wait3A_208 = tpu.memref_slice %arg19[%rem3A_147] : memref<5x!tpu.dma_semaphore, #tpu.memory_space<semaphore_mem>> -> memref<1x!tpu.dma_semaphore, #tpu.memory_space<semaphore_mem>>
          %dma_wait3A_209 = tpu.memref_squeeze %dma_wait3A_208 : memref<1x!tpu.dma_semaphore, #tpu.memory_space<semaphore_mem>> -> memref<!tpu.dma_semaphore, #tpu.memory_space<semaphore_mem>>
          tpu.wait_indirect_dma semaphore(%dma_wait3A_209 : memref<!tpu.dma_semaphore, #tpu.memory_space<semaphore_mem>>) src(%dma_wait3A_201 : memref<80x16xf32, #tpu.memory_space<vmem>>) dst(%dma_wait3A_207 : memref<10000x16xf32, #tpu.memory_space<vmem_shared>>)
        } else {
        }
        %add3A_161 = arith.constant 1 : i32
        %add3A_162 = arith.addi %scan3A_142, %add3A_161 : i32
        %lt3A = arith.constant 125 : i32
        %lt3A_163 = arith.cmpi slt, %add3A_162, %lt3A : i32
        %convert_element_type3A_164 = arith.extui %lt3A_163 : i1 to i32
        %cond3A_165 = arith.constant 0 : i32
        %cond3A_166 = arith.cmpi ne, %convert_element_type3A_164, %cond3A_165 : i32
        scf.if %cond3A_166 {
          %add3A_197 = arith.constant 1 : i32
          %add3A_198 = arith.addi %scan3A_142, %add3A_197 : i32
          %dma_start3A_199 = arith.constant 0 : i32
          %dma_start3A_200 = arith.constant 0 : i32
          %dma_start3A_201 = tpu.memref_slice %arg16[%rem3A_147, %dma_start3A_199, %dma_start3A_200] : memref<5x80x64xf32, #tpu.memory_space<vmem>> -> memref<1x80x64xf32, #tpu.memory_space<vmem>>
          %dma_start3A_202 = tpu.memref_squeeze %dma_start3A_201 : memref<1x80x64xf32, #tpu.memory_space<vmem>> -> memref<80x64xf32, #tpu.memory_space<vmem>>
          %dma_start3A_203 = arith.constant 0 : i32
          %dma_start3A_204 = tpu.memref_slice %arg13[%add3A_198, %dma_start3A_203] : memref<125x80xi32, #tpu.memory_space<vmem>> -> memref<1x80xi32, #tpu.memory_space<vmem>>
          %dma_start3A_205 = tpu.memref_squeeze %dma_start3A_204 : memref<1x80xi32, #tpu.memory_space<vmem>> -> memref<80xi32, #tpu.memory_space<vmem>>
          %dma_start3A_206 = arith.constant 0 : i32
          %dma_start3A_207 = arith.constant 0 : i32
          %dma_start3A_208 = tpu.memref_slice %arg2[%dma_start3A_206, %dma_start3A_207] : memref<20000x64xf32, #tpu.memory_space<hbm>> -> memref<20000x64xf32, #tpu.memory_space<hbm>>
          %dma_start3A_209 = tpu.memref_slice %arg18[%rem3A_147] : memref<5x!tpu.dma_semaphore, #tpu.memory_space<semaphore_mem>> -> memref<1x!tpu.dma_semaphore, #tpu.memory_space<semaphore_mem>>
          %dma_start3A_210 = tpu.memref_squeeze %dma_start3A_209 : memref<1x!tpu.dma_semaphore, #tpu.memory_space<semaphore_mem>> -> memref<!tpu.dma_semaphore, #tpu.memory_space<semaphore_mem>>
          tpu.enqueue_indirect_dma source(%dma_start3A_208 : memref<20000x64xf32, #tpu.memory_space<hbm>>) target(%dma_start3A_202 : memref<80x64xf32, #tpu.memory_space<vmem>>) offsets(%dma_start3A_205 : memref<80xi32, #tpu.memory_space<vmem>>) semaphore(%dma_start3A_210 : memref<!tpu.dma_semaphore, #tpu.memory_space<semaphore_mem>>)
        } else {
        }
        %convert_element_type3A_167 = arith.extui %eq3A_151 : i1 to i32
        %cond3A_168 = arith.constant 0 : i32
        %cond3A_169 = arith.cmpi ne, %convert_element_type3A_167, %cond3A_168 : i32
        scf.if %cond3A_169 {
          %get3A = arith.index_cast %scan3A_142 : i32 to index
          %get3A_197 = arith.constant 0 : index
          %get3A_198 = tpu.vector_load %arg15[%get3A, %get3A_197] {strides = array<i32>} : memref<125x80xi32, #tpu.memory_space<vmem>>, vector<1x16xi32>,
          %get3A_199 = vector.shape_cast %get3A_198 : vector<1x16xi32> to vector<16xi32>
          %slice3A = vector.extract_strided_slice %get3A_199 {offsets = [0], sizes = [1], strides = [1]} : vector<16xi32> to vector<1xi32>
          %squeeze3A = vector.extract %slice3A[0] : i32 from vector<1xi32>
          %eq3A_200 = vector.broadcast %squeeze3A : i32 to vector<16xi32>
          %eq3A_201 = arith.cmpi eq, %iota3A, %eq3A_200 : vector<16xi32>
          %jit3A = arith.constant 1.000000e+00 : f32
          %jit3A_202 = arith.constant 0.000000e+00 : f32
          %broadcast_in_dim3A = vector.broadcast %jit3A : f32 to vector<16xf32>
          %broadcast_in_dim3A_203 = vector.broadcast %jit3A_202 : f32 to vector<16xf32>
          %select_n3A = arith.select %eq3A_201, %broadcast_in_dim3A, %broadcast_in_dim3A_203 : vector<16xi1>, vector<16xf32>
          %swap3A = arith.constant 0 : i32
          %swap3A_204 = arith.index_cast %rem3A_143 : i32 to index
          %swap3A_205 = arith.index_cast %swap3A : i32 to index
          %swap3A_206 = arith.constant 0 : index
          %swap3A_207 = tpu.vector_load %arg17[%swap3A_204, %swap3A_205, %swap3A_206] {strides = array<i32>} : memref<5x80x16xf32, #tpu.memory_space<vmem>>, vector<1x1x16xf32>,
          %swap3A_208 = vector.shape_cast %swap3A_207 : vector<1x1x16xf32> to vector<16xf32>
          %swap3A_209 = vector.shape_cast %select_n3A : vector<16xf32> to vector<1x1x16xf32>
          tpu.vector_store %arg17[%swap3A_204, %swap3A_205, %swap3A_206], %swap3A_209 {strides = array<i32>} : memref<5x80x16xf32, #tpu.memory_space<vmem>>, vector<1x1x16xf32>,
          %slice3A_210 = vector.extract_strided_slice %get3A_199 {offsets = [1], sizes = [1], strides = [1]} : vector<16xi32> to vector<1xi32>
          %squeeze3A_211 = vector.extract %slice3A_210[0] : i32 from vector<1xi32>
          %eq3A_212 = vector.broadcast %squeeze3A_211 : i32 to vector<16xi32>
          %eq3A_213 = arith.cmpi eq, %iota3A, %eq3A_212 : vector<16xi32>
          %jit3A_214 = arith.constant 1.000000e+00 : f32
          %jit3A_215 = arith.constant 0.000000e+00 : f32
          %broadcast_in_dim3A_216 = vector.broadcast %jit3A_214 : f32 to vector<16xf32>
          %broadcast_in_dim3A_217 = vector.broadcast %jit3A_215 : f32 to vector<16xf32>
          %select_n3A_218 = arith.select %eq3A_213, %broadcast_in_dim3A_216, %broadcast_in_dim3A_217 : vector<16xi1>, vector<16xf32>
          %swap3A_219 = arith.constant 1 : i32
          %swap3A_220 = arith.index_cast %rem3A_143 : i32 to index
          %swap3A_221 = arith.index_cast %swap3A_219 : i32 to index
          %swap3A_222 = arith.constant 0 : index
          %swap3A_223 = tpu.vector_load %arg17[%swap3A_220, %swap3A_221, %swap3A_222] {strides = array<i32>} : memref<5x80x16xf32, #tpu.memory_space<vmem>>, vector<1x1x16xf32>,
          %swap3A_224 = vector.shape_cast %swap3A_223 : vector<1x1x16xf32> to vector<16xf32>
          %swap3A_225 = vector.shape_cast %select_n3A_218 : vector<16xf32> to vector<1x1x16xf32>
          tpu.vector_store %arg17[%swap3A_220, %swap3A_221, %swap3A_222], %swap3A_225 {strides = array<i32>} : memref<5x80x16xf32, #tpu.memory_space<vmem>>, vector<1x1x16xf32>,
          %slice3A_226 = vector.extract_strided_slice %get3A_199 {offsets = [2], sizes = [1], strides = [1]} : vector<16xi32> to vector<1xi32>
          %squeeze3A_227 = vector.extract %slice3A_226[0] : i32 from vector<1xi32>
          %eq3A_228 = vector.broadcast %squeeze3A_227 : i32 to vector<16xi32>
          %eq3A_229 = arith.cmpi eq, %iota3A, %eq3A_228 : vector<16xi32>
          %jit3A_230 = arith.constant 1.000000e+00 : f32
          %jit3A_231 = arith.constant 0.000000e+00 : f32
          %broadcast_in_dim3A_232 = vector.broadcast %jit3A_230 : f32 to vector<16xf32>
          %broadcast_in_dim3A_233 = vector.broadcast %jit3A_231 : f32 to vector<16xf32>
          %select_n3A_234 = arith.select %eq3A_229, %broadcast_in_dim3A_232, %broadcast_in_dim3A_233 : vector<16xi1>, vector<16xf32>
          %swap3A_235 = arith.constant 2 : i32
          %swap3A_236 = arith.index_cast %rem3A_143 : i32 to index
          %swap3A_237 = arith.index_cast %swap3A_235 : i32 to index
          %swap3A_238 = arith.constant 0 : index
          %swap3A_239 = tpu.vector_load %arg17[%swap3A_236, %swap3A_237, %swap3A_238] {strides = array<i32>} : memref<5x80x16xf32, #tpu.memory_space<vmem>>, vector<1x1x16xf32>,
          %swap3A_240 = vector.shape_cast %swap3A_239 : vector<1x1x16xf32> to vector<16xf32>
          %swap3A_241 = vector.shape_cast %select_n3A_234 : vector<16xf32> to vector<1x1x16xf32>
          tpu.vector_store %arg17[%swap3A_236, %swap3A_237, %swap3A_238], %swap3A_241 {strides = array<i32>} : memref<5x80x16xf32, #tpu.memory_space<vmem>>, vector<1x1x16xf32>,
          %slice3A_242 = vector.extract_strided_slice %get3A_199 {offsets = [3], sizes = [1], strides = [1]} : vector<16xi32> to vector<1xi32>
          %squeeze3A_243 = vector.extract %slice3A_242[0] : i32 from vector<1xi32>
          %eq3A_244 = vector.broadcast %squeeze3A_243 : i32 to vector<16xi32>
          %eq3A_245 = arith.cmpi eq, %iota3A, %eq3A_244 : vector<16xi32>
          %jit3A_246 = arith.constant 1.000000e+00 : f32
          %jit3A_247 = arith.constant 0.000000e+00 : f32
          %broadcast_in_dim3A_248 = vector.broadcast %jit3A_246 : f32 to vector<16xf32>
          %broadcast_in_dim3A_249 = vector.broadcast %jit3A_247 : f32 to vector<16xf32>
          %select_n3A_250 = arith.select %eq3A_245, %broadcast_in_dim3A_248, %broadcast_in_dim3A_249 : vector<16xi1>, vector<16xf32>
          %swap3A_251 = arith.constant 3 : i32
          %swap3A_252 = arith.index_cast %rem3A_143 : i32 to index
          %swap3A_253 = arith.index_cast %swap3A_251 : i32 to index
          %swap3A_254 = arith.constant 0 : index
          %swap3A_255 = tpu.vector_load %arg17[%swap3A_252, %swap3A_253, %swap3A_254] {strides = array<i32>} : memref<5x80x16xf32, #tpu.memory_space<vmem>>, vector<1x1x16xf32>,
          %swap3A_256 = vector.shape_cast %swap3A_255 : vector<1x1x16xf32> to vector<16xf32>
          %swap3A_257 = vector.shape_cast %select_n3A_250 : vector<16xf32> to vector<1x1x16xf32>
          tpu.vector_store %arg17[%swap3A_252, %swap3A_253, %swap3A_254], %swap3A_257 {strides = array<i32>} : memref<5x80x16xf32, #tpu.memory_space<vmem>>, vector<1x1x16xf32>,
          %slice3A_258 = vector.extract_strided_slice %get3A_199 {offsets = [4], sizes = [1], strides = [1]} : vector<16xi32> to vector<1xi32>
          %squeeze3A_259 = vector.extract %slice3A_258[0] : i32 from vector<1xi32>
          %eq3A_260 = vector.broadcast %squeeze3A_259 : i32 to vector<16xi32>
          %eq3A_261 = arith.cmpi eq, %iota3A, %eq3A_260 : vector<16xi32>
          %jit3A_262 = arith.constant 1.000000e+00 : f32
          %jit3A_263 = arith.constant 0.000000e+00 : f32
          %broadcast_in_dim3A_264 = vector.broadcast %jit3A_262 : f32 to vector<16xf32>
          %broadcast_in_dim3A_265 = vector.broadcast %jit3A_263 : f32 to vector<16xf32>
          %select_n3A_266 = arith.select %eq3A_261, %broadcast_in_dim3A_264, %broadcast_in_dim3A_265 : vector<16xi1>, vector<16xf32>
          %swap3A_267 = arith.constant 4 : i32
          %swap3A_268 = arith.index_cast %rem3A_143 : i32 to index
          %swap3A_269 = arith.index_cast %swap3A_267 : i32 to index
          %swap3A_270 = arith.constant 0 : index
          %swap3A_271 = tpu.vector_load %arg17[%swap3A_268, %swap3A_269, %swap3A_270] {strides = array<i32>} : memref<5x80x16xf32, #tpu.memory_space<vmem>>, vector<1x1x16xf32>,
          %swap3A_272 = vector.shape_cast %swap3A_271 : vector<1x1x16xf32> to vector<16xf32>
          %swap3A_273 = vector.shape_cast %select_n3A_266 : vector<16xf32> to vector<1x1x16xf32>
          tpu.vector_store %arg17[%swap3A_268, %swap3A_269, %swap3A_270], %swap3A_273 {strides = array<i32>} : memref<5x80x16xf32, #tpu.memory_space<vmem>>, vector<1x1x16xf32>,
          %slice3A_274 = vector.extract_strided_slice %get3A_199 {offsets = [5], sizes = [1], strides = [1]} : vector<16xi32> to vector<1xi32>
          %squeeze3A_275 = vector.extract %slice3A_274[0] : i32 from vector<1xi32>
          %eq3A_276 = vector.broadcast %squeeze3A_275 : i32 to vector<16xi32>
          %eq3A_277 = arith.cmpi eq, %iota3A, %eq3A_276 : vector<16xi32>
          %jit3A_278 = arith.constant 1.000000e+00 : f32
          %jit3A_279 = arith.constant 0.000000e+00 : f32
          %broadcast_in_dim3A_280 = vector.broadcast %jit3A_278 : f32 to vector<16xf32>
          %broadcast_in_dim3A_281 = vector.broadcast %jit3A_279 : f32 to vector<16xf32>
          %select_n3A_282 = arith.select %eq3A_277, %broadcast_in_dim3A_280, %broadcast_in_dim3A_281 : vector<16xi1>, vector<16xf32>
          %swap3A_283 = arith.constant 5 : i32
          %swap3A_284 = arith.index_cast %rem3A_143 : i32 to index
          %swap3A_285 = arith.index_cast %swap3A_283 : i32 to index
          %swap3A_286 = arith.constant 0 : index
          %swap3A_287 = tpu.vector_load %arg17[%swap3A_284, %swap3A_285, %swap3A_286] {strides = array<i32>} : memref<5x80x16xf32, #tpu.memory_space<vmem>>, vector<1x1x16xf32>,
          %swap3A_288 = vector.shape_cast %swap3A_287 : vector<1x1x16xf32> to vector<16xf32>
          %swap3A_289 = vector.shape_cast %select_n3A_282 : vector<16xf32> to vector<1x1x16xf32>
          tpu.vector_store %arg17[%swap3A_284, %swap3A_285, %swap3A_286], %swap3A_289 {strides = array<i32>} : memref<5x80x16xf32, #tpu.memory_space<vmem>>, vector<1x1x16xf32>,
          %slice3A_290 = vector.extract_strided_slice %get3A_199 {offsets = [6], sizes = [1], strides = [1]} : vector<16xi32> to vector<1xi32>
          %squeeze3A_291 = vector.extract %slice3A_290[0] : i32 from vector<1xi32>
          %eq3A_292 = vector.broadcast %squeeze3A_291 : i32 to vector<16xi32>
          %eq3A_293 = arith.cmpi eq, %iota3A, %eq3A_292 : vector<16xi32>
          %jit3A_294 = arith.constant 1.000000e+00 : f32
          %jit3A_295 = arith.constant 0.000000e+00 : f32
          %broadcast_in_dim3A_296 = vector.broadcast %jit3A_294 : f32 to vector<16xf32>
          %broadcast_in_dim3A_297 = vector.broadcast %jit3A_295 : f32 to vector<16xf32>
          %select_n3A_298 = arith.select %eq3A_293, %broadcast_in_dim3A_296, %broadcast_in_dim3A_297 : vector<16xi1>, vector<16xf32>
          %swap3A_299 = arith.constant 6 : i32
          %swap3A_300 = arith.index_cast %rem3A_143 : i32 to index
          %swap3A_301 = arith.index_cast %swap3A_299 : i32 to index
          %swap3A_302 = arith.constant 0 : index
          %swap3A_303 = tpu.vector_load %arg17[%swap3A_300, %swap3A_301, %swap3A_302] {strides = array<i32>} : memref<5x80x16xf32, #tpu.memory_space<vmem>>, vector<1x1x16xf32>,
          %swap3A_304 = vector.shape_cast %swap3A_303 : vector<1x1x16xf32> to vector<16xf32>
          %swap3A_305 = vector.shape_cast %select_n3A_298 : vector<16xf32> to vector<1x1x16xf32>
          tpu.vector_store %arg17[%swap3A_300, %swap3A_301, %swap3A_302], %swap3A_305 {strides = array<i32>} : memref<5x80x16xf32, #tpu.memory_space<vmem>>, vector<1x1x16xf32>,
          %slice3A_306 = vector.extract_strided_slice %get3A_199 {offsets = [7], sizes = [1], strides = [1]} : vector<16xi32> to vector<1xi32>
          %squeeze3A_307 = vector.extract %slice3A_306[0] : i32 from vector<1xi32>
          %eq3A_308 = vector.broadcast %squeeze3A_307 : i32 to vector<16xi32>
          %eq3A_309 = arith.cmpi eq, %iota3A, %eq3A_308 : vector<16xi32>
          %jit3A_310 = arith.constant 1.000000e+00 : f32
          %jit3A_311 = arith.constant 0.000000e+00 : f32
          %broadcast_in_dim3A_312 = vector.broadcast %jit3A_310 : f32 to vector<16xf32>
          %broadcast_in_dim3A_313 = vector.broadcast %jit3A_311 : f32 to vector<16xf32>
          %select_n3A_314 = arith.select %eq3A_309, %broadcast_in_dim3A_312, %broadcast_in_dim3A_313 : vector<16xi1>, vector<16xf32>
          %swap3A_315 = arith.constant 7 : i32
          %swap3A_316 = arith.index_cast %rem3A_143 : i32 to index
          %swap3A_317 = arith.index_cast %swap3A_315 : i32 to index
          %swap3A_318 = arith.constant 0 : index
          %swap3A_319 = tpu.vector_load %arg17[%swap3A_316, %swap3A_317, %swap3A_318] {strides = array<i32>} : memref<5x80x16xf32, #tpu.memory_space<vmem>>, vector<1x1x16xf32>,
          %swap3A_320 = vector.shape_cast %swap3A_319 : vector<1x1x16xf32> to vector<16xf32>
          %swap3A_321 = vector.shape_cast %select_n3A_314 : vector<16xf32> to vector<1x1x16xf32>
          tpu.vector_store %arg17[%swap3A_316, %swap3A_317, %swap3A_318], %swap3A_321 {strides = array<i32>} : memref<5x80x16xf32, #tpu.memory_space<vmem>>, vector<1x1x16xf32>,
          %slice3A_322 = vector.extract_strided_slice %get3A_199 {offsets = [8], sizes = [1], strides = [1]} : vector<16xi32> to vector<1xi32>
          %squeeze3A_323 = vector.extract %slice3A_322[0] : i32 from vector<1xi32>
          %eq3A_324 = vector.broadcast %squeeze3A_323 : i32 to vector<16xi32>
          %eq3A_325 = arith.cmpi eq, %iota3A, %eq3A_324 : vector<16xi32>
          %jit3A_326 = arith.constant 1.000000e+00 : f32
          %jit3A_327 = arith.constant 0.000000e+00 : f32
          %broadcast_in_dim3A_328 = vector.broadcast %jit3A_326 : f32 to vector<16xf32>
          %broadcast_in_dim3A_329 = vector.broadcast %jit3A_327 : f32 to vector<16xf32>
          %select_n3A_330 = arith.select %eq3A_325, %broadcast_in_dim3A_328, %broadcast_in_dim3A_329 : vector<16xi1>, vector<16xf32>
          %swap3A_331 = arith.constant 8 : i32
          %swap3A_332 = arith.index_cast %rem3A_143 : i32 to index
          %swap3A_333 = arith.index_cast %swap3A_331 : i32 to index
          %swap3A_334 = arith.constant 0 : index
          %swap3A_335 = tpu.vector_load %arg17[%swap3A_332, %swap3A_333, %swap3A_334] {strides = array<i32>} : memref<5x80x16xf32, #tpu.memory_space<vmem>>, vector<1x1x16xf32>,
          %swap3A_336 = vector.shape_cast %swap3A_335 : vector<1x1x16xf32> to vector<16xf32>
          %swap3A_337 = vector.shape_cast %select_n3A_330 : vector<16xf32> to vector<1x1x16xf32>
          tpu.vector_store %arg17[%swap3A_332, %swap3A_333, %swap3A_334], %swap3A_337 {strides = array<i32>} : memref<5x80x16xf32, #tpu.memory_space<vmem>>, vector<1x1x16xf32>,
          %slice3A_338 = vector.extract_strided_slice %get3A_199 {offsets = [9], sizes = [1], strides = [1]} : vector<16xi32> to vector<1xi32>
          %squeeze3A_339 = vector.extract %slice3A_338[0] : i32 from vector<1xi32>
          %eq3A_340 = vector.broadcast %squeeze3A_339 : i32 to vector<16xi32>
          %eq3A_341 = arith.cmpi eq, %iota3A, %eq3A_340 : vector<16xi32>
          %jit3A_342 = arith.constant 1.000000e+00 : f32
          %jit3A_343 = arith.constant 0.000000e+00 : f32
          %broadcast_in_dim3A_344 = vector.broadcast %jit3A_342 : f32 to vector<16xf32>
          %broadcast_in_dim3A_345 = vector.broadcast %jit3A_343 : f32 to vector<16xf32>
          %select_n3A_346 = arith.select %eq3A_341, %broadcast_in_dim3A_344, %broadcast_in_dim3A_345 : vector<16xi1>, vector<16xf32>
          %swap3A_347 = arith.constant 9 : i32
          %swap3A_348 = arith.index_cast %rem3A_143 : i32 to index
          %swap3A_349 = arith.index_cast %swap3A_347 : i32 to index
          %swap3A_350 = arith.constant 0 : index
          %swap3A_351 = tpu.vector_load %arg17[%swap3A_348, %swap3A_349, %swap3A_350] {strides = array<i32>} : memref<5x80x16xf32, #tpu.memory_space<vmem>>, vector<1x1x16xf32>,
          %swap3A_352 = vector.shape_cast %swap3A_351 : vector<1x1x16xf32> to vector<16xf32>
          %swap3A_353 = vector.shape_cast %select_n3A_346 : vector<16xf32> to vector<1x1x16xf32>
          tpu.vector_store %arg17[%swap3A_348, %swap3A_349, %swap3A_350], %swap3A_353 {strides = array<i32>} : memref<5x80x16xf32, #tpu.memory_space<vmem>>, vector<1x1x16xf32>,
          %slice3A_354 = vector.extract_strided_slice %get3A_199 {offsets = [10], sizes = [1], strides = [1]} : vector<16xi32> to vector<1xi32>
          %squeeze3A_355 = vector.extract %slice3A_354[0] : i32 from vector<1xi32>
          %eq3A_356 = vector.broadcast %squeeze3A_355 : i32 to vector<16xi32>
          %eq3A_357 = arith.cmpi eq, %iota3A, %eq3A_356 : vector<16xi32>
          %jit3A_358 = arith.constant 1.000000e+00 : f32
          %jit3A_359 = arith.constant 0.000000e+00 : f32
          %broadcast_in_dim3A_360 = vector.broadcast %jit3A_358 : f32 to vector<16xf32>
          %broadcast_in_dim3A_361 = vector.broadcast %jit3A_359 : f32 to vector<16xf32>
          %select_n3A_362 = arith.select %eq3A_357, %broadcast_in_dim3A_360, %broadcast_in_dim3A_361 : vector<16xi1>, vector<16xf32>
          %swap3A_363 = arith.constant 10 : i32
          %swap3A_364 = arith.index_cast %rem3A_143 : i32 to index
          %swap3A_365 = arith.index_cast %swap3A_363 : i32 to index
          %swap3A_366 = arith.constant 0 : index
          %swap3A_367 = tpu.vector_load %arg17[%swap3A_364, %swap3A_365, %swap3A_366] {strides = array<i32>} : memref<5x80x16xf32, #tpu.memory_space<vmem>>, vector<1x1x16xf32>,
          %swap3A_368 = vector.shape_cast %swap3A_367 : vector<1x1x16xf32> to vector<16xf32>
          %swap3A_369 = vector.shape_cast %select_n3A_362 : vector<16xf32> to vector<1x1x16xf32>
          tpu.vector_store %arg17[%swap3A_364, %swap3A_365, %swap3A_366], %swap3A_369 {strides = array<i32>} : memref<5x80x16xf32, #tpu.memory_space<vmem>>, vector<1x1x16xf32>,
          %slice3A_370 = vector.extract_strided_slice %get3A_199 {offsets = [11], sizes = [1], strides = [1]} : vector<16xi32> to vector<1xi32>
          %squeeze3A_371 = vector.extract %slice3A_370[0] : i32 from vector<1xi32>
          %eq3A_372 = vector.broadcast %squeeze3A_371 : i32 to vector<16xi32>
          %eq3A_373 = arith.cmpi eq, %iota3A, %eq3A_372 : vector<16xi32>
          %jit3A_374 = arith.constant 1.000000e+00 : f32
          %jit3A_375 = arith.constant 0.000000e+00 : f32
          %broadcast_in_dim3A_376 = vector.broadcast %jit3A_374 : f32 to vector<16xf32>
          %broadcast_in_dim3A_377 = vector.broadcast %jit3A_375 : f32 to vector<16xf32>
          %select_n3A_378 = arith.select %eq3A_373, %broadcast_in_dim3A_376, %broadcast_in_dim3A_377 : vector<16xi1>, vector<16xf32>
          %swap3A_379 = arith.constant 11 : i32
          %swap3A_380 = arith.index_cast %rem3A_143 : i32 to index
          %swap3A_381 = arith.index_cast %swap3A_379 : i32 to index
          %swap3A_382 = arith.constant 0 : index
          %swap3A_383 = tpu.vector_load %arg17[%swap3A_380, %swap3A_381, %swap3A_382] {strides = array<i32>} : memref<5x80x16xf32, #tpu.memory_space<vmem>>, vector<1x1x16xf32>,
          %swap3A_384 = vector.shape_cast %swap3A_383 : vector<1x1x16xf32> to vector<16xf32>
          %swap3A_385 = vector.shape_cast %select_n3A_378 : vector<16xf32> to vector<1x1x16xf32>
          tpu.vector_store %arg17[%swap3A_380, %swap3A_381, %swap3A_382], %swap3A_385 {strides = array<i32>} : memref<5x80x16xf32, #tpu.memory_space<vmem>>, vector<1x1x16xf32>,
          %slice3A_386 = vector.extract_strided_slice %get3A_199 {offsets = [12], sizes = [1], strides = [1]} : vector<16xi32> to vector<1xi32>
          %squeeze3A_387 = vector.extract %slice3A_386[0] : i32 from vector<1xi32>
          %eq3A_388 = vector.broadcast %squeeze3A_387 : i32 to vector<16xi32>
          %eq3A_389 = arith.cmpi eq, %iota3A, %eq3A_388 : vector<16xi32>
          %jit3A_390 = arith.constant 1.000000e+00 : f32
          %jit3A_391 = arith.constant 0.000000e+00 : f32
          %broadcast_in_dim3A_392 = vector.broadcast %jit3A_390 : f32 to vector<16xf32>
          %broadcast_in_dim3A_393 = vector.broadcast %jit3A_391 : f32 to vector<16xf32>
          %select_n3A_394 = arith.select %eq3A_389, %broadcast_in_dim3A_392, %broadcast_in_dim3A_393 : vector<16xi1>, vector<16xf32>
          %swap3A_395 = arith.constant 12 : i32
          %swap3A_396 = arith.index_cast %rem3A_143 : i32 to index
          %swap3A_397 = arith.index_cast %swap3A_395 : i32 to index
          %swap3A_398 = arith.constant 0 : index
          %swap3A_399 = tpu.vector_load %arg17[%swap3A_396, %swap3A_397, %swap3A_398] {strides = array<i32>} : memref<5x80x16xf32, #tpu.memory_space<vmem>>, vector<1x1x16xf32>,
          %swap3A_400 = vector.shape_cast %swap3A_399 : vector<1x1x16xf32> to vector<16xf32>
          %swap3A_401 = vector.shape_cast %select_n3A_394 : vector<16xf32> to vector<1x1x16xf32>
          tpu.vector_store %arg17[%swap3A_396, %swap3A_397, %swap3A_398], %swap3A_401 {strides = array<i32>} : memref<5x80x16xf32, #tpu.memory_space<vmem>>, vector<1x1x16xf32>,
          %slice3A_402 = vector.extract_strided_slice %get3A_199 {offsets = [13], sizes = [1], strides = [1]} : vector<16xi32> to vector<1xi32>
          %squeeze3A_403 = vector.extract %slice3A_402[0] : i32 from vector<1xi32>
          %eq3A_404 = vector.broadcast %squeeze3A_403 : i32 to vector<16xi32>
          %eq3A_405 = arith.cmpi eq, %iota3A, %eq3A_404 : vector<16xi32>
          %jit3A_406 = arith.constant 1.000000e+00 : f32
          %jit3A_407 = arith.constant 0.000000e+00 : f32
          %broadcast_in_dim3A_408 = vector.broadcast %jit3A_406 : f32 to vector<16xf32>
          %broadcast_in_dim3A_409 = vector.broadcast %jit3A_407 : f32 to vector<16xf32>
          %select_n3A_410 = arith.select %eq3A_405, %broadcast_in_dim3A_408, %broadcast_in_dim3A_409 : vector<16xi1>, vector<16xf32>
          %swap3A_411 = arith.constant 13 : i32
          %swap3A_412 = arith.index_cast %rem3A_143 : i32 to index
          %swap3A_413 = arith.index_cast %swap3A_411 : i32 to index
          %swap3A_414 = arith.constant 0 : index
          %swap3A_415 = tpu.vector_load %arg17[%swap3A_412, %swap3A_413, %swap3A_414] {strides = array<i32>} : memref<5x80x16xf32, #tpu.memory_space<vmem>>, vector<1x1x16xf32>,
          %swap3A_416 = vector.shape_cast %swap3A_415 : vector<1x1x16xf32> to vector<16xf32>
          %swap3A_417 = vector.shape_cast %select_n3A_410 : vector<16xf32> to vector<1x1x16xf32>
          tpu.vector_store %arg17[%swap3A_412, %swap3A_413, %swap3A_414], %swap3A_417 {strides = array<i32>} : memref<5x80x16xf32, #tpu.memory_space<vmem>>, vector<1x1x16xf32>,
          %slice3A_418 = vector.extract_strided_slice %get3A_199 {offsets = [14], sizes = [1], strides = [1]} : vector<16xi32> to vector<1xi32>
          %squeeze3A_419 = vector.extract %slice3A_418[0] : i32 from vector<1xi32>
          %eq3A_420 = vector.broadcast %squeeze3A_419 : i32 to vector<16xi32>
          %eq3A_421 = arith.cmpi eq, %iota3A, %eq3A_420 : vector<16xi32>
          %jit3A_422 = arith.constant 1.000000e+00 : f32
          %jit3A_423 = arith.constant 0.000000e+00 : f32
          %broadcast_in_dim3A_424 = vector.broadcast %jit3A_422 : f32 to vector<16xf32>
          %broadcast_in_dim3A_425 = vector.broadcast %jit3A_423 : f32 to vector<16xf32>
          %select_n3A_426 = arith.select %eq3A_421, %broadcast_in_dim3A_424, %broadcast_in_dim3A_425 : vector<16xi1>, vector<16xf32>
          %swap3A_427 = arith.constant 14 : i32
          %swap3A_428 = arith.index_cast %rem3A_143 : i32 to index
          %swap3A_429 = arith.index_cast %swap3A_427 : i32 to index
          %swap3A_430 = arith.constant 0 : index
          %swap3A_431 = tpu.vector_load %arg17[%swap3A_428, %swap3A_429, %swap3A_430] {strides = array<i32>} : memref<5x80x16xf32, #tpu.memory_space<vmem>>, vector<1x1x16xf32>,
          %swap3A_432 = vector.shape_cast %swap3A_431 : vector<1x1x16xf32> to vector<16xf32>
          %swap3A_433 = vector.shape_cast %select_n3A_426 : vector<16xf32> to vector<1x1x16xf32>
          tpu.vector_store %arg17[%swap3A_428, %swap3A_429, %swap3A_430], %swap3A_433 {strides = array<i32>} : memref<5x80x16xf32, #tpu.memory_space<vmem>>, vector<1x1x16xf32>,
          %slice3A_434 = vector.extract_strided_slice %get3A_199 {offsets = [15], sizes = [1], strides = [1]} : vector<16xi32> to vector<1xi32>
          %squeeze3A_435 = vector.extract %slice3A_434[0] : i32 from vector<1xi32>
          %eq3A_436 = vector.broadcast %squeeze3A_435 : i32 to vector<16xi32>
          %eq3A_437 = arith.cmpi eq, %iota3A, %eq3A_436 : vector<16xi32>
          %jit3A_438 = arith.constant 1.000000e+00 : f32
          %jit3A_439 = arith.constant 0.000000e+00 : f32
          %broadcast_in_dim3A_440 = vector.broadcast %jit3A_438 : f32 to vector<16xf32>
          %broadcast_in_dim3A_441 = vector.broadcast %jit3A_439 : f32 to vector<16xf32>
          %select_n3A_442 = arith.select %eq3A_437, %broadcast_in_dim3A_440, %broadcast_in_dim3A_441 : vector<16xi1>, vector<16xf32>
          %swap3A_443 = arith.constant 15 : i32
          %swap3A_444 = arith.index_cast %rem3A_143 : i32 to index
          %swap3A_445 = arith.index_cast %swap3A_443 : i32 to index
          %swap3A_446 = arith.constant 0 : index
          %swap3A_447 = tpu.vector_load %arg17[%swap3A_444, %swap3A_445, %swap3A_446] {strides = array<i32>} : memref<5x80x16xf32, #tpu.memory_space<vmem>>, vector<1x1x16xf32>,
          %swap3A_448 = vector.shape_cast %swap3A_447 : vector<1x1x16xf32> to vector<16xf32>
          %swap3A_449 = vector.shape_cast %select_n3A_442 : vector<16xf32> to vector<1x1x16xf32>
          tpu.vector_store %arg17[%swap3A_444, %swap3A_445, %swap3A_446], %swap3A_449 {strides = array<i32>} : memref<5x80x16xf32, #tpu.memory_space<vmem>>, vector<1x1x16xf32>,
          %get3A_450 = arith.index_cast %scan3A_142 : i32 to index
          %get3A_451 = arith.constant 16 : index
          %get3A_452 = tpu.vector_load %arg15[%get3A_450, %get3A_451] {strides = array<i32>} : memref<125x80xi32, #tpu.memory_space<vmem>>, vector<1x16xi32>,
          %get3A_453 = vector.shape_cast %get3A_452 : vector<1x16xi32> to vector<16xi32>
          %slice3A_454 = vector.extract_strided_slice %get3A_453 {offsets = [0], sizes = [1], strides = [1]} : vector<16xi32> to vector<1xi32>
          %squeeze3A_455 = vector.extract %slice3A_454[0] : i32 from vector<1xi32>
          %eq3A_456 = vector.broadcast %squeeze3A_455 : i32 to vector<16xi32>
          %eq3A_457 = arith.cmpi eq, %iota3A, %eq3A_456 : vector<16xi32>
          %jit3A_458 = arith.constant 1.000000e+00 : f32
          %jit3A_459 = arith.constant 0.000000e+00 : f32
          %broadcast_in_dim3A_460 = vector.broadcast %jit3A_458 : f32 to vector<16xf32>
          %broadcast_in_dim3A_461 = vector.broadcast %jit3A_459 : f32 to vector<16xf32>
          %select_n3A_462 = arith.select %eq3A_457, %broadcast_in_dim3A_460, %broadcast_in_dim3A_461 : vector<16xi1>, vector<16xf32>
          %swap3A_463 = arith.constant 16 : i32
          %swap3A_464 = arith.index_cast %rem3A_143 : i32 to index
          %swap3A_465 = arith.index_cast %swap3A_463 : i32 to index
          %swap3A_466 = arith.constant 0 : index
          %swap3A_467 = tpu.vector_load %arg17[%swap3A_464, %swap3A_465, %swap3A_466] {strides = array<i32>} : memref<5x80x16xf32, #tpu.memory_space<vmem>>, vector<1x1x16xf32>,
          %swap3A_468 = vector.shape_cast %swap3A_467 : vector<1x1x16xf32> to vector<16xf32>
          %swap3A_469 = vector.shape_cast %select_n3A_462 : vector<16xf32> to vector<1x1x16xf32>
          tpu.vector_store %arg17[%swap3A_464, %swap3A_465, %swap3A_466], %swap3A_469 {strides = array<i32>} : memref<5x80x16xf32, #tpu.memory_space<vmem>>, vector<1x1x16xf32>,
          %slice3A_470 = vector.extract_strided_slice %get3A_453 {offsets = [1], sizes = [1], strides = [1]} : vector<16xi32> to vector<1xi32>
          %squeeze3A_471 = vector.extract %slice3A_470[0] : i32 from vector<1xi32>
          %eq3A_472 = vector.broadcast %squeeze3A_471 : i32 to vector<16xi32>
          %eq3A_473 = arith.cmpi eq, %iota3A, %eq3A_472 : vector<16xi32>
          %jit3A_474 = arith.constant 1.000000e+00 : f32
          %jit3A_475 = arith.constant 0.000000e+00 : f32
          %broadcast_in_dim3A_476 = vector.broadcast %jit3A_474 : f32 to vector<16xf32>
          %broadcast_in_dim3A_477 = vector.broadcast %jit3A_475 : f32 to vector<16xf32>
          %select_n3A_478 = arith.select %eq3A_473, %broadcast_in_dim3A_476, %broadcast_in_dim3A_477 : vector<16xi1>, vector<16xf32>
          %swap3A_479 = arith.constant 17 : i32
          %swap3A_480 = arith.index_cast %rem3A_143 : i32 to index
          %swap3A_481 = arith.index_cast %swap3A_479 : i32 to index
          %swap3A_482 = arith.constant 0 : index
          %swap3A_483 = tpu.vector_load %arg17[%swap3A_480, %swap3A_481, %swap3A_482] {strides = array<i32>} : memref<5x80x16xf32, #tpu.memory_space<vmem>>, vector<1x1x16xf32>,
          %swap3A_484 = vector.shape_cast %swap3A_483 : vector<1x1x16xf32> to vector<16xf32>
          %swap3A_485 = vector.shape_cast %select_n3A_478 : vector<16xf32> to vector<1x1x16xf32>
          tpu.vector_store %arg17[%swap3A_480, %swap3A_481, %swap3A_482], %swap3A_485 {strides = array<i32>} : memref<5x80x16xf32, #tpu.memory_space<vmem>>, vector<1x1x16xf32>,
          %slice3A_486 = vector.extract_strided_slice %get3A_453 {offsets = [2], sizes = [1], strides = [1]} : vector<16xi32> to vector<1xi32>
          %squeeze3A_487 = vector.extract %slice3A_486[0] : i32 from vector<1xi32>
          %eq3A_488 = vector.broadcast %squeeze3A_487 : i32 to vector<16xi32>
          %eq3A_489 = arith.cmpi eq, %iota3A, %eq3A_488 : vector<16xi32>
          %jit3A_490 = arith.constant 1.000000e+00 : f32
          %jit3A_491 = arith.constant 0.000000e+00 : f32
          %broadcast_in_dim3A_492 = vector.broadcast %jit3A_490 : f32 to vector<16xf32>
          %broadcast_in_dim3A_493 = vector.broadcast %jit3A_491 : f32 to vector<16xf32>
          %select_n3A_494 = arith.select %eq3A_489, %broadcast_in_dim3A_492, %broadcast_in_dim3A_493 : vector<16xi1>, vector<16xf32>
          %swap3A_495 = arith.constant 18 : i32
          %swap3A_496 = arith.index_cast %rem3A_143 : i32 to index
          %swap3A_497 = arith.index_cast %swap3A_495 : i32 to index
          %swap3A_498 = arith.constant 0 : index
          %swap3A_499 = tpu.vector_load %arg17[%swap3A_496, %swap3A_497, %swap3A_498] {strides = array<i32>} : memref<5x80x16xf32, #tpu.memory_space<vmem>>, vector<1x1x16xf32>,
          %swap3A_500 = vector.shape_cast %swap3A_499 : vector<1x1x16xf32> to vector<16xf32>
          %swap3A_501 = vector.shape_cast %select_n3A_494 : vector<16xf32> to vector<1x1x16xf32>
          tpu.vector_store %arg17[%swap3A_496, %swap3A_497, %swap3A_498], %swap3A_501 {strides = array<i32>} : memref<5x80x16xf32, #tpu.memory_space<vmem>>, vector<1x1x16xf32>,
          %slice3A_502 = vector.extract_strided_slice %get3A_453 {offsets = [3], sizes = [1], strides = [1]} : vector<16xi32> to vector<1xi32>
          %squeeze3A_503 = vector.extract %slice3A_502[0] : i32 from vector<1xi32>
          %eq3A_504 = vector.broadcast %squeeze3A_503 : i32 to vector<16xi32>
          %eq3A_505 = arith.cmpi eq, %iota3A, %eq3A_504 : vector<16xi32>
          %jit3A_506 = arith.constant 1.000000e+00 : f32
          %jit3A_507 = arith.constant 0.000000e+00 : f32
          %broadcast_in_dim3A_508 = vector.broadcast %jit3A_506 : f32 to vector<16xf32>
          %broadcast_in_dim3A_509 = vector.broadcast %jit3A_507 : f32 to vector<16xf32>
          %select_n3A_510 = arith.select %eq3A_505, %broadcast_in_dim3A_508, %broadcast_in_dim3A_509 : vector<16xi1>, vector<16xf32>
          %swap3A_511 = arith.constant 19 : i32
          %swap3A_512 = arith.index_cast %rem3A_143 : i32 to index
          %swap3A_513 = arith.index_cast %swap3A_511 : i32 to index
          %swap3A_514 = arith.constant 0 : index
          %swap3A_515 = tpu.vector_load %arg17[%swap3A_512, %swap3A_513, %swap3A_514] {strides = array<i32>} : memref<5x80x16xf32, #tpu.memory_space<vmem>>, vector<1x1x16xf32>,
          %swap3A_516 = vector.shape_cast %swap3A_515 : vector<1x1x16xf32> to vector<16xf32>
          %swap3A_517 = vector.shape_cast %select_n3A_510 : vector<16xf32> to vector<1x1x16xf32>
          tpu.vector_store %arg17[%swap3A_512, %swap3A_513, %swap3A_514], %swap3A_517 {strides = array<i32>} : memref<5x80x16xf32, #tpu.memory_space<vmem>>, vector<1x1x16xf32>,
          %slice3A_518 = vector.extract_strided_slice %get3A_453 {offsets = [4], sizes = [1], strides = [1]} : vector<16xi32> to vector<1xi32>
          %squeeze3A_519 = vector.extract %slice3A_518[0] : i32 from vector<1xi32>
          %eq3A_520 = vector.broadcast %squeeze3A_519 : i32 to vector<16xi32>
          %eq3A_521 = arith.cmpi eq, %iota3A, %eq3A_520 : vector<16xi32>
          %jit3A_522 = arith.constant 1.000000e+00 : f32
          %jit3A_523 = arith.constant 0.000000e+00 : f32
          %broadcast_in_dim3A_524 = vector.broadcast %jit3A_522 : f32 to vector<16xf32>
          %broadcast_in_dim3A_525 = vector.broadcast %jit3A_523 : f32 to vector<16xf32>
          %select_n3A_526 = arith.select %eq3A_521, %broadcast_in_dim3A_524, %broadcast_in_dim3A_525 : vector<16xi1>, vector<16xf32>
          %swap3A_527 = arith.constant 20 : i32
          %swap3A_528 = arith.index_cast %rem3A_143 : i32 to index
          %swap3A_529 = arith.index_cast %swap3A_527 : i32 to index
          %swap3A_530 = arith.constant 0 : index
          %swap3A_531 = tpu.vector_load %arg17[%swap3A_528, %swap3A_529, %swap3A_530] {strides = array<i32>} : memref<5x80x16xf32, #tpu.memory_space<vmem>>, vector<1x1x16xf32>,
          %swap3A_532 = vector.shape_cast %swap3A_531 : vector<1x1x16xf32> to vector<16xf32>
          %swap3A_533 = vector.shape_cast %select_n3A_526 : vector<16xf32> to vector<1x1x16xf32>
          tpu.vector_store %arg17[%swap3A_528, %swap3A_529, %swap3A_530], %swap3A_533 {strides = array<i32>} : memref<5x80x16xf32, #tpu.memory_space<vmem>>, vector<1x1x16xf32>,
          %slice3A_534 = vector.extract_strided_slice %get3A_453 {offsets = [5], sizes = [1], strides = [1]} : vector<16xi32> to vector<1xi32>
          %squeeze3A_535 = vector.extract %slice3A_534[0] : i32 from vector<1xi32>
          %eq3A_536 = vector.broadcast %squeeze3A_535 : i32 to vector<16xi32>
          %eq3A_537 = arith.cmpi eq, %iota3A, %eq3A_536 : vector<16xi32>
          %jit3A_538 = arith.constant 1.000000e+00 : f32
          %jit3A_539 = arith.constant 0.000000e+00 : f32
          %broadcast_in_dim3A_540 = vector.broadcast %jit3A_538 : f32 to vector<16xf32>
          %broadcast_in_dim3A_541 = vector.broadcast %jit3A_539 : f32 to vector<16xf32>
          %select_n3A_542 = arith.select %eq3A_537, %broadcast_in_dim3A_540, %broadcast_in_dim3A_541 : vector<16xi1>, vector<16xf32>
          %swap3A_543 = arith.constant 21 : i32
          %swap3A_544 = arith.index_cast %rem3A_143 : i32 to index
          %swap3A_545 = arith.index_cast %swap3A_543 : i32 to index
          %swap3A_546 = arith.constant 0 : index
          %swap3A_547 = tpu.vector_load %arg17[%swap3A_544, %swap3A_545, %swap3A_546] {strides = array<i32>} : memref<5x80x16xf32, #tpu.memory_space<vmem>>, vector<1x1x16xf32>,
          %swap3A_548 = vector.shape_cast %swap3A_547 : vector<1x1x16xf32> to vector<16xf32>
          %swap3A_549 = vector.shape_cast %select_n3A_542 : vector<16xf32> to vector<1x1x16xf32>
          tpu.vector_store %arg17[%swap3A_544, %swap3A_545, %swap3A_546], %swap3A_549 {strides = array<i32>} : memref<5x80x16xf32, #tpu.memory_space<vmem>>, vector<1x1x16xf32>,
          %slice3A_550 = vector.extract_strided_slice %get3A_453 {offsets = [6], sizes = [1], strides = [1]} : vector<16xi32> to vector<1xi32>
          %squeeze3A_551 = vector.extract %slice3A_550[0] : i32 from vector<1xi32>
          %eq3A_552 = vector.broadcast %squeeze3A_551 : i32 to vector<16xi32>
          %eq3A_553 = arith.cmpi eq, %iota3A, %eq3A_552 : vector<16xi32>
          %jit3A_554 = arith.constant 1.000000e+00 : f32
          %jit3A_555 = arith.constant 0.000000e+00 : f32
          %broadcast_in_dim3A_556 = vector.broadcast %jit3A_554 : f32 to vector<16xf32>
          %broadcast_in_dim3A_557 = vector.broadcast %jit3A_555 : f32 to vector<16xf32>
          %select_n3A_558 = arith.select %eq3A_553, %broadcast_in_dim3A_556, %broadcast_in_dim3A_557 : vector<16xi1>, vector<16xf32>
          %swap3A_559 = arith.constant 22 : i32
          %swap3A_560 = arith.index_cast %rem3A_143 : i32 to index
          %swap3A_561 = arith.index_cast %swap3A_559 : i32 to index
          %swap3A_562 = arith.constant 0 : index
          %swap3A_563 = tpu.vector_load %arg17[%swap3A_560, %swap3A_561, %swap3A_562] {strides = array<i32>} : memref<5x80x16xf32, #tpu.memory_space<vmem>>, vector<1x1x16xf32>,
          %swap3A_564 = vector.shape_cast %swap3A_563 : vector<1x1x16xf32> to vector<16xf32>
          %swap3A_565 = vector.shape_cast %select_n3A_558 : vector<16xf32> to vector<1x1x16xf32>
          tpu.vector_store %arg17[%swap3A_560, %swap3A_561, %swap3A_562], %swap3A_565 {strides = array<i32>} : memref<5x80x16xf32, #tpu.memory_space<vmem>>, vector<1x1x16xf32>,
          %slice3A_566 = vector.extract_strided_slice %get3A_453 {offsets = [7], sizes = [1], strides = [1]} : vector<16xi32> to vector<1xi32>
          %squeeze3A_567 = vector.extract %slice3A_566[0] : i32 from vector<1xi32>
          %eq3A_568 = vector.broadcast %squeeze3A_567 : i32 to vector<16xi32>
          %eq3A_569 = arith.cmpi eq, %iota3A, %eq3A_568 : vector<16xi32>
          %jit3A_570 = arith.constant 1.000000e+00 : f32
          %jit3A_571 = arith.constant 0.000000e+00 : f32
          %broadcast_in_dim3A_572 = vector.broadcast %jit3A_570 : f32 to vector<16xf32>
          %broadcast_in_dim3A_573 = vector.broadcast %jit3A_571 : f32 to vector<16xf32>
          %select_n3A_574 = arith.select %eq3A_569, %broadcast_in_dim3A_572, %broadcast_in_dim3A_573 : vector<16xi1>, vector<16xf32>
          %swap3A_575 = arith.constant 23 : i32
          %swap3A_576 = arith.index_cast %rem3A_143 : i32 to index
          %swap3A_577 = arith.index_cast %swap3A_575 : i32 to index
          %swap3A_578 = arith.constant 0 : index
          %swap3A_579 = tpu.vector_load %arg17[%swap3A_576, %swap3A_577, %swap3A_578] {strides = array<i32>} : memref<5x80x16xf32, #tpu.memory_space<vmem>>, vector<1x1x16xf32>,
          %swap3A_580 = vector.shape_cast %swap3A_579 : vector<1x1x16xf32> to vector<16xf32>
          %swap3A_581 = vector.shape_cast %select_n3A_574 : vector<16xf32> to vector<1x1x16xf32>
          tpu.vector_store %arg17[%swap3A_576, %swap3A_577, %swap3A_578], %swap3A_581 {strides = array<i32>} : memref<5x80x16xf32, #tpu.memory_space<vmem>>, vector<1x1x16xf32>,
          %slice3A_582 = vector.extract_strided_slice %get3A_453 {offsets = [8], sizes = [1], strides = [1]} : vector<16xi32> to vector<1xi32>
          %squeeze3A_583 = vector.extract %slice3A_582[0] : i32 from vector<1xi32>
          %eq3A_584 = vector.broadcast %squeeze3A_583 : i32 to vector<16xi32>
          %eq3A_585 = arith.cmpi eq, %iota3A, %eq3A_584 : vector<16xi32>
          %jit3A_586 = arith.constant 1.000000e+00 : f32
          %jit3A_587 = arith.constant 0.000000e+00 : f32
          %broadcast_in_dim3A_588 = vector.broadcast %jit3A_586 : f32 to vector<16xf32>
          %broadcast_in_dim3A_589 = vector.broadcast %jit3A_587 : f32 to vector<16xf32>
          %select_n3A_590 = arith.select %eq3A_585, %broadcast_in_dim3A_588, %broadcast_in_dim3A_589 : vector<16xi1>, vector<16xf32>
          %swap3A_591 = arith.constant 24 : i32
          %swap3A_592 = arith.index_cast %rem3A_143 : i32 to index
          %swap3A_593 = arith.index_cast %swap3A_591 : i32 to index
          %swap3A_594 = arith.constant 0 : index
          %swap3A_595 = tpu.vector_load %arg17[%swap3A_592, %swap3A_593, %swap3A_594] {strides = array<i32>} : memref<5x80x16xf32, #tpu.memory_space<vmem>>, vector<1x1x16xf32>,
          %swap3A_596 = vector.shape_cast %swap3A_595 : vector<1x1x16xf32> to vector<16xf32>
          %swap3A_597 = vector.shape_cast %select_n3A_590 : vector<16xf32> to vector<1x1x16xf32>
          tpu.vector_store %arg17[%swap3A_592, %swap3A_593, %swap3A_594], %swap3A_597 {strides = array<i32>} : memref<5x80x16xf32, #tpu.memory_space<vmem>>, vector<1x1x16xf32>,
          %slice3A_598 = vector.extract_strided_slice %get3A_453 {offsets = [9], sizes = [1], strides = [1]} : vector<16xi32> to vector<1xi32>
          %squeeze3A_599 = vector.extract %slice3A_598[0] : i32 from vector<1xi32>
          %eq3A_600 = vector.broadcast %squeeze3A_599 : i32 to vector<16xi32>
          %eq3A_601 = arith.cmpi eq, %iota3A, %eq3A_600 : vector<16xi32>
          %jit3A_602 = arith.constant 1.000000e+00 : f32
          %jit3A_603 = arith.constant 0.000000e+00 : f32
          %broadcast_in_dim3A_604 = vector.broadcast %jit3A_602 : f32 to vector<16xf32>
          %broadcast_in_dim3A_605 = vector.broadcast %jit3A_603 : f32 to vector<16xf32>
          %select_n3A_606 = arith.select %eq3A_601, %broadcast_in_dim3A_604, %broadcast_in_dim3A_605 : vector<16xi1>, vector<16xf32>
          %swap3A_607 = arith.constant 25 : i32
          %swap3A_608 = arith.index_cast %rem3A_143 : i32 to index
          %swap3A_609 = arith.index_cast %swap3A_607 : i32 to index
          %swap3A_610 = arith.constant 0 : index
          %swap3A_611 = tpu.vector_load %arg17[%swap3A_608, %swap3A_609, %swap3A_610] {strides = array<i32>} : memref<5x80x16xf32, #tpu.memory_space<vmem>>, vector<1x1x16xf32>,
          %swap3A_612 = vector.shape_cast %swap3A_611 : vector<1x1x16xf32> to vector<16xf32>
          %swap3A_613 = vector.shape_cast %select_n3A_606 : vector<16xf32> to vector<1x1x16xf32>
          tpu.vector_store %arg17[%swap3A_608, %swap3A_609, %swap3A_610], %swap3A_613 {strides = array<i32>} : memref<5x80x16xf32, #tpu.memory_space<vmem>>, vector<1x1x16xf32>,
          %slice3A_614 = vector.extract_strided_slice %get3A_453 {offsets = [10], sizes = [1], strides = [1]} : vector<16xi32> to vector<1xi32>
          %squeeze3A_615 = vector.extract %slice3A_614[0] : i32 from vector<1xi32>
          %eq3A_616 = vector.broadcast %squeeze3A_615 : i32 to vector<16xi32>
          %eq3A_617 = arith.cmpi eq, %iota3A, %eq3A_616 : vector<16xi32>
          %jit3A_618 = arith.constant 1.000000e+00 : f32
          %jit3A_619 = arith.constant 0.000000e+00 : f32
          %broadcast_in_dim3A_620 = vector.broadcast %jit3A_618 : f32 to vector<16xf32>
          %broadcast_in_dim3A_621 = vector.broadcast %jit3A_619 : f32 to vector<16xf32>
          %select_n3A_622 = arith.select %eq3A_617, %broadcast_in_dim3A_620, %broadcast_in_dim3A_621 : vector<16xi1>, vector<16xf32>
          %swap3A_623 = arith.constant 26 : i32
          %swap3A_624 = arith.index_cast %rem3A_143 : i32 to index
          %swap3A_625 = arith.index_cast %swap3A_623 : i32 to index
          %swap3A_626 = arith.constant 0 : index
          %swap3A_627 = tpu.vector_load %arg17[%swap3A_624, %swap3A_625, %swap3A_626] {strides = array<i32>} : memref<5x80x16xf32, #tpu.memory_space<vmem>>, vector<1x1x16xf32>,
          %swap3A_628 = vector.shape_cast %swap3A_627 : vector<1x1x16xf32> to vector<16xf32>
          %swap3A_629 = vector.shape_cast %select_n3A_622 : vector<16xf32> to vector<1x1x16xf32>
          tpu.vector_store %arg17[%swap3A_624, %swap3A_625, %swap3A_626], %swap3A_629 {strides = array<i32>} : memref<5x80x16xf32, #tpu.memory_space<vmem>>, vector<1x1x16xf32>,
          %slice3A_630 = vector.extract_strided_slice %get3A_453 {offsets = [11], sizes = [1], strides = [1]} : vector<16xi32> to vector<1xi32>
          %squeeze3A_631 = vector.extract %slice3A_630[0] : i32 from vector<1xi32>
          %eq3A_632 = vector.broadcast %squeeze3A_631 : i32 to vector<16xi32>
          %eq3A_633 = arith.cmpi eq, %iota3A, %eq3A_632 : vector<16xi32>
          %jit3A_634 = arith.constant 1.000000e+00 : f32
          %jit3A_635 = arith.constant 0.000000e+00 : f32
          %broadcast_in_dim3A_636 = vector.broadcast %jit3A_634 : f32 to vector<16xf32>
          %broadcast_in_dim3A_637 = vector.broadcast %jit3A_635 : f32 to vector<16xf32>
          %select_n3A_638 = arith.select %eq3A_633, %broadcast_in_dim3A_636, %broadcast_in_dim3A_637 : vector<16xi1>, vector<16xf32>
          %swap3A_639 = arith.constant 27 : i32
          %swap3A_640 = arith.index_cast %rem3A_143 : i32 to index
          %swap3A_641 = arith.index_cast %swap3A_639 : i32 to index
          %swap3A_642 = arith.constant 0 : index
          %swap3A_643 = tpu.vector_load %arg17[%swap3A_640, %swap3A_641, %swap3A_642] {strides = array<i32>} : memref<5x80x16xf32, #tpu.memory_space<vmem>>, vector<1x1x16xf32>,
          %swap3A_644 = vector.shape_cast %swap3A_643 : vector<1x1x16xf32> to vector<16xf32>
          %swap3A_645 = vector.shape_cast %select_n3A_638 : vector<16xf32> to vector<1x1x16xf32>
          tpu.vector_store %arg17[%swap3A_640, %swap3A_641, %swap3A_642], %swap3A_645 {strides = array<i32>} : memref<5x80x16xf32, #tpu.memory_space<vmem>>, vector<1x1x16xf32>,
          %slice3A_646 = vector.extract_strided_slice %get3A_453 {offsets = [12], sizes = [1], strides = [1]} : vector<16xi32> to vector<1xi32>
          %squeeze3A_647 = vector.extract %slice3A_646[0] : i32 from vector<1xi32>
          %eq3A_648 = vector.broadcast %squeeze3A_647 : i32 to vector<16xi32>
          %eq3A_649 = arith.cmpi eq, %iota3A, %eq3A_648 : vector<16xi32>
          %jit3A_650 = arith.constant 1.000000e+00 : f32
          %jit3A_651 = arith.constant 0.000000e+00 : f32
          %broadcast_in_dim3A_652 = vector.broadcast %jit3A_650 : f32 to vector<16xf32>
          %broadcast_in_dim3A_653 = vector.broadcast %jit3A_651 : f32 to vector<16xf32>
          %select_n3A_654 = arith.select %eq3A_649, %broadcast_in_dim3A_652, %broadcast_in_dim3A_653 : vector<16xi1>, vector<16xf32>
          %swap3A_655 = arith.constant 28 : i32
          %swap3A_656 = arith.index_cast %rem3A_143 : i32 to index
          %swap3A_657 = arith.index_cast %swap3A_655 : i32 to index
          %swap3A_658 = arith.constant 0 : index
          %swap3A_659 = tpu.vector_load %arg17[%swap3A_656, %swap3A_657, %swap3A_658] {strides = array<i32>} : memref<5x80x16xf32, #tpu.memory_space<vmem>>, vector<1x1x16xf32>,
          %swap3A_660 = vector.shape_cast %swap3A_659 : vector<1x1x16xf32> to vector<16xf32>
          %swap3A_661 = vector.shape_cast %select_n3A_654 : vector<16xf32> to vector<1x1x16xf32>
          tpu.vector_store %arg17[%swap3A_656, %swap3A_657, %swap3A_658], %swap3A_661 {strides = array<i32>} : memref<5x80x16xf32, #tpu.memory_space<vmem>>, vector<1x1x16xf32>,
          %slice3A_662 = vector.extract_strided_slice %get3A_453 {offsets = [13], sizes = [1], strides = [1]} : vector<16xi32> to vector<1xi32>
          %squeeze3A_663 = vector.extract %slice3A_662[0] : i32 from vector<1xi32>
          %eq3A_664 = vector.broadcast %squeeze3A_663 : i32 to vector<16xi32>
          %eq3A_665 = arith.cmpi eq, %iota3A, %eq3A_664 : vector<16xi32>
          %jit3A_666 = arith.constant 1.000000e+00 : f32
          %jit3A_667 = arith.constant 0.000000e+00 : f32
          %broadcast_in_dim3A_668 = vector.broadcast %jit3A_666 : f32 to vector<16xf32>
          %broadcast_in_dim3A_669 = vector.broadcast %jit3A_667 : f32 to vector<16xf32>
          %select_n3A_670 = arith.select %eq3A_665, %broadcast_in_dim3A_668, %broadcast_in_dim3A_669 : vector<16xi1>, vector<16xf32>
          %swap3A_671 = arith.constant 29 : i32
          %swap3A_672 = arith.index_cast %rem3A_143 : i32 to index
          %swap3A_673 = arith.index_cast %swap3A_671 : i32 to index
          %swap3A_674 = arith.constant 0 : index
          %swap3A_675 = tpu.vector_load %arg17[%swap3A_672, %swap3A_673, %swap3A_674] {strides = array<i32>} : memref<5x80x16xf32, #tpu.memory_space<vmem>>, vector<1x1x16xf32>,
          %swap3A_676 = vector.shape_cast %swap3A_675 : vector<1x1x16xf32> to vector<16xf32>
          %swap3A_677 = vector.shape_cast %select_n3A_670 : vector<16xf32> to vector<1x1x16xf32>
          tpu.vector_store %arg17[%swap3A_672, %swap3A_673, %swap3A_674], %swap3A_677 {strides = array<i32>} : memref<5x80x16xf32, #tpu.memory_space<vmem>>, vector<1x1x16xf32>,
          %slice3A_678 = vector.extract_strided_slice %get3A_453 {offsets = [14], sizes = [1], strides = [1]} : vector<16xi32> to vector<1xi32>
          %squeeze3A_679 = vector.extract %slice3A_678[0] : i32 from vector<1xi32>
          %eq3A_680 = vector.broadcast %squeeze3A_679 : i32 to vector<16xi32>
          %eq3A_681 = arith.cmpi eq, %iota3A, %eq3A_680 : vector<16xi32>
          %jit3A_682 = arith.constant 1.000000e+00 : f32
          %jit3A_683 = arith.constant 0.000000e+00 : f32
          %broadcast_in_dim3A_684 = vector.broadcast %jit3A_682 : f32 to vector<16xf32>
          %broadcast_in_dim3A_685 = vector.broadcast %jit3A_683 : f32 to vector<16xf32>
          %select_n3A_686 = arith.select %eq3A_681, %broadcast_in_dim3A_684, %broadcast_in_dim3A_685 : vector<16xi1>, vector<16xf32>
          %swap3A_687 = arith.constant 30 : i32
          %swap3A_688 = arith.index_cast %rem3A_143 : i32 to index
          %swap3A_689 = arith.index_cast %swap3A_687 : i32 to index
          %swap3A_690 = arith.constant 0 : index
          %swap3A_691 = tpu.vector_load %arg17[%swap3A_688, %swap3A_689, %swap3A_690] {strides = array<i32>} : memref<5x80x16xf32, #tpu.memory_space<vmem>>, vector<1x1x16xf32>,
          %swap3A_692 = vector.shape_cast %swap3A_691 : vector<1x1x16xf32> to vector<16xf32>
          %swap3A_693 = vector.shape_cast %select_n3A_686 : vector<16xf32> to vector<1x1x16xf32>
          tpu.vector_store %arg17[%swap3A_688, %swap3A_689, %swap3A_690], %swap3A_693 {strides = array<i32>} : memref<5x80x16xf32, #tpu.memory_space<vmem>>, vector<1x1x16xf32>,
          %slice3A_694 = vector.extract_strided_slice %get3A_453 {offsets = [15], sizes = [1], strides = [1]} : vector<16xi32> to vector<1xi32>
          %squeeze3A_695 = vector.extract %slice3A_694[0] : i32 from vector<1xi32>
          %eq3A_696 = vector.broadcast %squeeze3A_695 : i32 to vector<16xi32>
          %eq3A_697 = arith.cmpi eq, %iota3A, %eq3A_696 : vector<16xi32>
          %jit3A_698 = arith.constant 1.000000e+00 : f32
          %jit3A_699 = arith.constant 0.000000e+00 : f32
          %broadcast_in_dim3A_700 = vector.broadcast %jit3A_698 : f32 to vector<16xf32>
          %broadcast_in_dim3A_701 = vector.broadcast %jit3A_699 : f32 to vector<16xf32>
          %select_n3A_702 = arith.select %eq3A_697, %broadcast_in_dim3A_700, %broadcast_in_dim3A_701 : vector<16xi1>, vector<16xf32>
          %swap3A_703 = arith.constant 31 : i32
          %swap3A_704 = arith.index_cast %rem3A_143 : i32 to index
          %swap3A_705 = arith.index_cast %swap3A_703 : i32 to index
          %swap3A_706 = arith.constant 0 : index
          %swap3A_707 = tpu.vector_load %arg17[%swap3A_704, %swap3A_705, %swap3A_706] {strides = array<i32>} : memref<5x80x16xf32, #tpu.memory_space<vmem>>, vector<1x1x16xf32>,
          %swap3A_708 = vector.shape_cast %swap3A_707 : vector<1x1x16xf32> to vector<16xf32>
          %swap3A_709 = vector.shape_cast %select_n3A_702 : vector<16xf32> to vector<1x1x16xf32>
          tpu.vector_store %arg17[%swap3A_704, %swap3A_705, %swap3A_706], %swap3A_709 {strides = array<i32>} : memref<5x80x16xf32, #tpu.memory_space<vmem>>, vector<1x1x16xf32>,
          %get3A_710 = arith.index_cast %scan3A_142 : i32 to index
          %get3A_711 = arith.constant 32 : index
          %get3A_712 = tpu.vector_load %arg15[%get3A_710, %get3A_711] {strides = array<i32>} : memref<125x80xi32, #tpu.memory_space<vmem>>, vector<1x16xi32>,
          %get3A_713 = vector.shape_cast %get3A_712 : vector<1x16xi32> to vector<16xi32>
          %slice3A_714 = vector.extract_strided_slice %get3A_713 {offsets = [0], sizes = [1], strides = [1]} : vector<16xi32> to vector<1xi32>
          %squeeze3A_715 = vector.extract %slice3A_714[0] : i32 from vector<1xi32>
          %eq3A_716 = vector.broadcast %squeeze3A_715 : i32 to vector<16xi32>
          %eq3A_717 = arith.cmpi eq, %iota3A, %eq3A_716 : vector<16xi32>
          %jit3A_718 = arith.constant 1.000000e+00 : f32
          %jit3A_719 = arith.constant 0.000000e+00 : f32
          %broadcast_in_dim3A_720 = vector.broadcast %jit3A_718 : f32 to vector<16xf32>
          %broadcast_in_dim3A_721 = vector.broadcast %jit3A_719 : f32 to vector<16xf32>
          %select_n3A_722 = arith.select %eq3A_717, %broadcast_in_dim3A_720, %broadcast_in_dim3A_721 : vector<16xi1>, vector<16xf32>
          %swap3A_723 = arith.constant 32 : i32
          %swap3A_724 = arith.index_cast %rem3A_143 : i32 to index
          %swap3A_725 = arith.index_cast %swap3A_723 : i32 to index
          %swap3A_726 = arith.constant 0 : index
          %swap3A_727 = tpu.vector_load %arg17[%swap3A_724, %swap3A_725, %swap3A_726] {strides = array<i32>} : memref<5x80x16xf32, #tpu.memory_space<vmem>>, vector<1x1x16xf32>,
          %swap3A_728 = vector.shape_cast %swap3A_727 : vector<1x1x16xf32> to vector<16xf32>
          %swap3A_729 = vector.shape_cast %select_n3A_722 : vector<16xf32> to vector<1x1x16xf32>
          tpu.vector_store %arg17[%swap3A_724, %swap3A_725, %swap3A_726], %swap3A_729 {strides = array<i32>} : memref<5x80x16xf32, #tpu.memory_space<vmem>>, vector<1x1x16xf32>,
          %slice3A_730 = vector.extract_strided_slice %get3A_713 {offsets = [1], sizes = [1], strides = [1]} : vector<16xi32> to vector<1xi32>
          %squeeze3A_731 = vector.extract %slice3A_730[0] : i32 from vector<1xi32>
          %eq3A_732 = vector.broadcast %squeeze3A_731 : i32 to vector<16xi32>
          %eq3A_733 = arith.cmpi eq, %iota3A, %eq3A_732 : vector<16xi32>
          %jit3A_734 = arith.constant 1.000000e+00 : f32
          %jit3A_735 = arith.constant 0.000000e+00 : f32
          %broadcast_in_dim3A_736 = vector.broadcast %jit3A_734 : f32 to vector<16xf32>
          %broadcast_in_dim3A_737 = vector.broadcast %jit3A_735 : f32 to vector<16xf32>
          %select_n3A_738 = arith.select %eq3A_733, %broadcast_in_dim3A_736, %broadcast_in_dim3A_737 : vector<16xi1>, vector<16xf32>
          %swap3A_739 = arith.constant 33 : i32
          %swap3A_740 = arith.index_cast %rem3A_143 : i32 to index
          %swap3A_741 = arith.index_cast %swap3A_739 : i32 to index
          %swap3A_742 = arith.constant 0 : index
          %swap3A_743 = tpu.vector_load %arg17[%swap3A_740, %swap3A_741, %swap3A_742] {strides = array<i32>} : memref<5x80x16xf32, #tpu.memory_space<vmem>>, vector<1x1x16xf32>,
          %swap3A_744 = vector.shape_cast %swap3A_743 : vector<1x1x16xf32> to vector<16xf32>
          %swap3A_745 = vector.shape_cast %select_n3A_738 : vector<16xf32> to vector<1x1x16xf32>
          tpu.vector_store %arg17[%swap3A_740, %swap3A_741, %swap3A_742], %swap3A_745 {strides = array<i32>} : memref<5x80x16xf32, #tpu.memory_space<vmem>>, vector<1x1x16xf32>,
          %slice3A_746 = vector.extract_strided_slice %get3A_713 {offsets = [2], sizes = [1], strides = [1]} : vector<16xi32> to vector<1xi32>
          %squeeze3A_747 = vector.extract %slice3A_746[0] : i32 from vector<1xi32>
          %eq3A_748 = vector.broadcast %squeeze3A_747 : i32 to vector<16xi32>
          %eq3A_749 = arith.cmpi eq, %iota3A, %eq3A_748 : vector<16xi32>
          %jit3A_750 = arith.constant 1.000000e+00 : f32
          %jit3A_751 = arith.constant 0.000000e+00 : f32
          %broadcast_in_dim3A_752 = vector.broadcast %jit3A_750 : f32 to vector<16xf32>
          %broadcast_in_dim3A_753 = vector.broadcast %jit3A_751 : f32 to vector<16xf32>
          %select_n3A_754 = arith.select %eq3A_749, %broadcast_in_dim3A_752, %broadcast_in_dim3A_753 : vector<16xi1>, vector<16xf32>
          %swap3A_755 = arith.constant 34 : i32
          %swap3A_756 = arith.index_cast %rem3A_143 : i32 to index
          %swap3A_757 = arith.index_cast %swap3A_755 : i32 to index
          %swap3A_758 = arith.constant 0 : index
          %swap3A_759 = tpu.vector_load %arg17[%swap3A_756, %swap3A_757, %swap3A_758] {strides = array<i32>} : memref<5x80x16xf32, #tpu.memory_space<vmem>>, vector<1x1x16xf32>,
          %swap3A_760 = vector.shape_cast %swap3A_759 : vector<1x1x16xf32> to vector<16xf32>
          %swap3A_761 = vector.shape_cast %select_n3A_754 : vector<16xf32> to vector<1x1x16xf32>
          tpu.vector_store %arg17[%swap3A_756, %swap3A_757, %swap3A_758], %swap3A_761 {strides = array<i32>} : memref<5x80x16xf32, #tpu.memory_space<vmem>>, vector<1x1x16xf32>,
          %slice3A_762 = vector.extract_strided_slice %get3A_713 {offsets = [3], sizes = [1], strides = [1]} : vector<16xi32> to vector<1xi32>
          %squeeze3A_763 = vector.extract %slice3A_762[0] : i32 from vector<1xi32>
          %eq3A_764 = vector.broadcast %squeeze3A_763 : i32 to vector<16xi32>
          %eq3A_765 = arith.cmpi eq, %iota3A, %eq3A_764 : vector<16xi32>
          %jit3A_766 = arith.constant 1.000000e+00 : f32
          %jit3A_767 = arith.constant 0.000000e+00 : f32
          %broadcast_in_dim3A_768 = vector.broadcast %jit3A_766 : f32 to vector<16xf32>
          %broadcast_in_dim3A_769 = vector.broadcast %jit3A_767 : f32 to vector<16xf32>
          %select_n3A_770 = arith.select %eq3A_765, %broadcast_in_dim3A_768, %broadcast_in_dim3A_769 : vector<16xi1>, vector<16xf32>
          %swap3A_771 = arith.constant 35 : i32
          %swap3A_772 = arith.index_cast %rem3A_143 : i32 to index
          %swap3A_773 = arith.index_cast %swap3A_771 : i32 to index
          %swap3A_774 = arith.constant 0 : index
          %swap3A_775 = tpu.vector_load %arg17[%swap3A_772, %swap3A_773, %swap3A_774] {strides = array<i32>} : memref<5x80x16xf32, #tpu.memory_space<vmem>>, vector<1x1x16xf32>,
          %swap3A_776 = vector.shape_cast %swap3A_775 : vector<1x1x16xf32> to vector<16xf32>
          %swap3A_777 = vector.shape_cast %select_n3A_770 : vector<16xf32> to vector<1x1x16xf32>
          tpu.vector_store %arg17[%swap3A_772, %swap3A_773, %swap3A_774], %swap3A_777 {strides = array<i32>} : memref<5x80x16xf32, #tpu.memory_space<vmem>>, vector<1x1x16xf32>,
          %slice3A_778 = vector.extract_strided_slice %get3A_713 {offsets = [4], sizes = [1], strides = [1]} : vector<16xi32> to vector<1xi32>
          %squeeze3A_779 = vector.extract %slice3A_778[0] : i32 from vector<1xi32>
          %eq3A_780 = vector.broadcast %squeeze3A_779 : i32 to vector<16xi32>
          %eq3A_781 = arith.cmpi eq, %iota3A, %eq3A_780 : vector<16xi32>
          %jit3A_782 = arith.constant 1.000000e+00 : f32
          %jit3A_783 = arith.constant 0.000000e+00 : f32
          %broadcast_in_dim3A_784 = vector.broadcast %jit3A_782 : f32 to vector<16xf32>
          %broadcast_in_dim3A_785 = vector.broadcast %jit3A_783 : f32 to vector<16xf32>
          %select_n3A_786 = arith.select %eq3A_781, %broadcast_in_dim3A_784, %broadcast_in_dim3A_785 : vector<16xi1>, vector<16xf32>
          %swap3A_787 = arith.constant 36 : i32
          %swap3A_788 = arith.index_cast %rem3A_143 : i32 to index
          %swap3A_789 = arith.index_cast %swap3A_787 : i32 to index
          %swap3A_790 = arith.constant 0 : index
          %swap3A_791 = tpu.vector_load %arg17[%swap3A_788, %swap3A_789, %swap3A_790] {strides = array<i32>} : memref<5x80x16xf32, #tpu.memory_space<vmem>>, vector<1x1x16xf32>,
          %swap3A_792 = vector.shape_cast %swap3A_791 : vector<1x1x16xf32> to vector<16xf32>
          %swap3A_793 = vector.shape_cast %select_n3A_786 : vector<16xf32> to vector<1x1x16xf32>
          tpu.vector_store %arg17[%swap3A_788, %swap3A_789, %swap3A_790], %swap3A_793 {strides = array<i32>} : memref<5x80x16xf32, #tpu.memory_space<vmem>>, vector<1x1x16xf32>,
          %slice3A_794 = vector.extract_strided_slice %get3A_713 {offsets = [5], sizes = [1], strides = [1]} : vector<16xi32> to vector<1xi32>
          %squeeze3A_795 = vector.extract %slice3A_794[0] : i32 from vector<1xi32>
          %eq3A_796 = vector.broadcast %squeeze3A_795 : i32 to vector<16xi32>
          %eq3A_797 = arith.cmpi eq, %iota3A, %eq3A_796 : vector<16xi32>
          %jit3A_798 = arith.constant 1.000000e+00 : f32
          %jit3A_799 = arith.constant 0.000000e+00 : f32
          %broadcast_in_dim3A_800 = vector.broadcast %jit3A_798 : f32 to vector<16xf32>
          %broadcast_in_dim3A_801 = vector.broadcast %jit3A_799 : f32 to vector<16xf32>
          %select_n3A_802 = arith.select %eq3A_797, %broadcast_in_dim3A_800, %broadcast_in_dim3A_801 : vector<16xi1>, vector<16xf32>
          %swap3A_803 = arith.constant 37 : i32
          %swap3A_804 = arith.index_cast %rem3A_143 : i32 to index
          %swap3A_805 = arith.index_cast %swap3A_803 : i32 to index
          %swap3A_806 = arith.constant 0 : index
          %swap3A_807 = tpu.vector_load %arg17[%swap3A_804, %swap3A_805, %swap3A_806] {strides = array<i32>} : memref<5x80x16xf32, #tpu.memory_space<vmem>>, vector<1x1x16xf32>,
          %swap3A_808 = vector.shape_cast %swap3A_807 : vector<1x1x16xf32> to vector<16xf32>
          %swap3A_809 = vector.shape_cast %select_n3A_802 : vector<16xf32> to vector<1x1x16xf32>
          tpu.vector_store %arg17[%swap3A_804, %swap3A_805, %swap3A_806], %swap3A_809 {strides = array<i32>} : memref<5x80x16xf32, #tpu.memory_space<vmem>>, vector<1x1x16xf32>,
          %slice3A_810 = vector.extract_strided_slice %get3A_713 {offsets = [6], sizes = [1], strides = [1]} : vector<16xi32> to vector<1xi32>
          %squeeze3A_811 = vector.extract %slice3A_810[0] : i32 from vector<1xi32>
          %eq3A_812 = vector.broadcast %squeeze3A_811 : i32 to vector<16xi32>
          %eq3A_813 = arith.cmpi eq, %iota3A, %eq3A_812 : vector<16xi32>
          %jit3A_814 = arith.constant 1.000000e+00 : f32
          %jit3A_815 = arith.constant 0.000000e+00 : f32
          %broadcast_in_dim3A_816 = vector.broadcast %jit3A_814 : f32 to vector<16xf32>
          %broadcast_in_dim3A_817 = vector.broadcast %jit3A_815 : f32 to vector<16xf32>
          %select_n3A_818 = arith.select %eq3A_813, %broadcast_in_dim3A_816, %broadcast_in_dim3A_817 : vector<16xi1>, vector<16xf32>
          %swap3A_819 = arith.constant 38 : i32
          %swap3A_820 = arith.index_cast %rem3A_143 : i32 to index
          %swap3A_821 = arith.index_cast %swap3A_819 : i32 to index
          %swap3A_822 = arith.constant 0 : index
          %swap3A_823 = tpu.vector_load %arg17[%swap3A_820, %swap3A_821, %swap3A_822] {strides = array<i32>} : memref<5x80x16xf32, #tpu.memory_space<vmem>>, vector<1x1x16xf32>,
          %swap3A_824 = vector.shape_cast %swap3A_823 : vector<1x1x16xf32> to vector<16xf32>
          %swap3A_825 = vector.shape_cast %select_n3A_818 : vector<16xf32> to vector<1x1x16xf32>
          tpu.vector_store %arg17[%swap3A_820, %swap3A_821, %swap3A_822], %swap3A_825 {strides = array<i32>} : memref<5x80x16xf32, #tpu.memory_space<vmem>>, vector<1x1x16xf32>,
          %slice3A_826 = vector.extract_strided_slice %get3A_713 {offsets = [7], sizes = [1], strides = [1]} : vector<16xi32> to vector<1xi32>
          %squeeze3A_827 = vector.extract %slice3A_826[0] : i32 from vector<1xi32>
          %eq3A_828 = vector.broadcast %squeeze3A_827 : i32 to vector<16xi32>
          %eq3A_829 = arith.cmpi eq, %iota3A, %eq3A_828 : vector<16xi32>
          %jit3A_830 = arith.constant 1.000000e+00 : f32
          %jit3A_831 = arith.constant 0.000000e+00 : f32
          %broadcast_in_dim3A_832 = vector.broadcast %jit3A_830 : f32 to vector<16xf32>
          %broadcast_in_dim3A_833 = vector.broadcast %jit3A_831 : f32 to vector<16xf32>
          %select_n3A_834 = arith.select %eq3A_829, %broadcast_in_dim3A_832, %broadcast_in_dim3A_833 : vector<16xi1>, vector<16xf32>
          %swap3A_835 = arith.constant 39 : i32
          %swap3A_836 = arith.index_cast %rem3A_143 : i32 to index
          %swap3A_837 = arith.index_cast %swap3A_835 : i32 to index
          %swap3A_838 = arith.constant 0 : index
          %swap3A_839 = tpu.vector_load %arg17[%swap3A_836, %swap3A_837, %swap3A_838] {strides = array<i32>} : memref<5x80x16xf32, #tpu.memory_space<vmem>>, vector<1x1x16xf32>,
          %swap3A_840 = vector.shape_cast %swap3A_839 : vector<1x1x16xf32> to vector<16xf32>
          %swap3A_841 = vector.shape_cast %select_n3A_834 : vector<16xf32> to vector<1x1x16xf32>
          tpu.vector_store %arg17[%swap3A_836, %swap3A_837, %swap3A_838], %swap3A_841 {strides = array<i32>} : memref<5x80x16xf32, #tpu.memory_space<vmem>>, vector<1x1x16xf32>,
          %slice3A_842 = vector.extract_strided_slice %get3A_713 {offsets = [8], sizes = [1], strides = [1]} : vector<16xi32> to vector<1xi32>
          %squeeze3A_843 = vector.extract %slice3A_842[0] : i32 from vector<1xi32>
          %eq3A_844 = vector.broadcast %squeeze3A_843 : i32 to vector<16xi32>
          %eq3A_845 = arith.cmpi eq, %iota3A, %eq3A_844 : vector<16xi32>
          %jit3A_846 = arith.constant 1.000000e+00 : f32
          %jit3A_847 = arith.constant 0.000000e+00 : f32
          %broadcast_in_dim3A_848 = vector.broadcast %jit3A_846 : f32 to vector<16xf32>
          %broadcast_in_dim3A_849 = vector.broadcast %jit3A_847 : f32 to vector<16xf32>
          %select_n3A_850 = arith.select %eq3A_845, %broadcast_in_dim3A_848, %broadcast_in_dim3A_849 : vector<16xi1>, vector<16xf32>
          %swap3A_851 = arith.constant 40 : i32
          %swap3A_852 = arith.index_cast %rem3A_143 : i32 to index
          %swap3A_853 = arith.index_cast %swap3A_851 : i32 to index
          %swap3A_854 = arith.constant 0 : index
          %swap3A_855 = tpu.vector_load %arg17[%swap3A_852, %swap3A_853, %swap3A_854] {strides = array<i32>} : memref<5x80x16xf32, #tpu.memory_space<vmem>>, vector<1x1x16xf32>,
          %swap3A_856 = vector.shape_cast %swap3A_855 : vector<1x1x16xf32> to vector<16xf32>
          %swap3A_857 = vector.shape_cast %select_n3A_850 : vector<16xf32> to vector<1x1x16xf32>
          tpu.vector_store %arg17[%swap3A_852, %swap3A_853, %swap3A_854], %swap3A_857 {strides = array<i32>} : memref<5x80x16xf32, #tpu.memory_space<vmem>>, vector<1x1x16xf32>,
          %slice3A_858 = vector.extract_strided_slice %get3A_713 {offsets = [9], sizes = [1], strides = [1]} : vector<16xi32> to vector<1xi32>
          %squeeze3A_859 = vector.extract %slice3A_858[0] : i32 from vector<1xi32>
          %eq3A_860 = vector.broadcast %squeeze3A_859 : i32 to vector<16xi32>
          %eq3A_861 = arith.cmpi eq, %iota3A, %eq3A_860 : vector<16xi32>
          %jit3A_862 = arith.constant 1.000000e+00 : f32
          %jit3A_863 = arith.constant 0.000000e+00 : f32
          %broadcast_in_dim3A_864 = vector.broadcast %jit3A_862 : f32 to vector<16xf32>
          %broadcast_in_dim3A_865 = vector.broadcast %jit3A_863 : f32 to vector<16xf32>
          %select_n3A_866 = arith.select %eq3A_861, %broadcast_in_dim3A_864, %broadcast_in_dim3A_865 : vector<16xi1>, vector<16xf32>
          %swap3A_867 = arith.constant 41 : i32
          %swap3A_868 = arith.index_cast %rem3A_143 : i32 to index
          %swap3A_869 = arith.index_cast %swap3A_867 : i32 to index
          %swap3A_870 = arith.constant 0 : index
          %swap3A_871 = tpu.vector_load %arg17[%swap3A_868, %swap3A_869, %swap3A_870] {strides = array<i32>} : memref<5x80x16xf32, #tpu.memory_space<vmem>>, vector<1x1x16xf32>,
          %swap3A_872 = vector.shape_cast %swap3A_871 : vector<1x1x16xf32> to vector<16xf32>
          %swap3A_873 = vector.shape_cast %select_n3A_866 : vector<16xf32> to vector<1x1x16xf32>
          tpu.vector_store %arg17[%swap3A_868, %swap3A_869, %swap3A_870], %swap3A_873 {strides = array<i32>} : memref<5x80x16xf32, #tpu.memory_space<vmem>>, vector<1x1x16xf32>,
          %slice3A_874 = vector.extract_strided_slice %get3A_713 {offsets = [10], sizes = [1], strides = [1]} : vector<16xi32> to vector<1xi32>
          %squeeze3A_875 = vector.extract %slice3A_874[0] : i32 from vector<1xi32>
          %eq3A_876 = vector.broadcast %squeeze3A_875 : i32 to vector<16xi32>
          %eq3A_877 = arith.cmpi eq, %iota3A, %eq3A_876 : vector<16xi32>
          %jit3A_878 = arith.constant 1.000000e+00 : f32
          %jit3A_879 = arith.constant 0.000000e+00 : f32
          %broadcast_in_dim3A_880 = vector.broadcast %jit3A_878 : f32 to vector<16xf32>
          %broadcast_in_dim3A_881 = vector.broadcast %jit3A_879 : f32 to vector<16xf32>
          %select_n3A_882 = arith.select %eq3A_877, %broadcast_in_dim3A_880, %broadcast_in_dim3A_881 : vector<16xi1>, vector<16xf32>
          %swap3A_883 = arith.constant 42 : i32
          %swap3A_884 = arith.index_cast %rem3A_143 : i32 to index
          %swap3A_885 = arith.index_cast %swap3A_883 : i32 to index
          %swap3A_886 = arith.constant 0 : index
          %swap3A_887 = tpu.vector_load %arg17[%swap3A_884, %swap3A_885, %swap3A_886] {strides = array<i32>} : memref<5x80x16xf32, #tpu.memory_space<vmem>>, vector<1x1x16xf32>,
          %swap3A_888 = vector.shape_cast %swap3A_887 : vector<1x1x16xf32> to vector<16xf32>
          %swap3A_889 = vector.shape_cast %select_n3A_882 : vector<16xf32> to vector<1x1x16xf32>
          tpu.vector_store %arg17[%swap3A_884, %swap3A_885, %swap3A_886], %swap3A_889 {strides = array<i32>} : memref<5x80x16xf32, #tpu.memory_space<vmem>>, vector<1x1x16xf32>,
          %slice3A_890 = vector.extract_strided_slice %get3A_713 {offsets = [11], sizes = [1], strides = [1]} : vector<16xi32> to vector<1xi32>
          %squeeze3A_891 = vector.extract %slice3A_890[0] : i32 from vector<1xi32>
          %eq3A_892 = vector.broadcast %squeeze3A_891 : i32 to vector<16xi32>
          %eq3A_893 = arith.cmpi eq, %iota3A, %eq3A_892 : vector<16xi32>
          %jit3A_894 = arith.constant 1.000000e+00 : f32
          %jit3A_895 = arith.constant 0.000000e+00 : f32
          %broadcast_in_dim3A_896 = vector.broadcast %jit3A_894 : f32 to vector<16xf32>
          %broadcast_in_dim3A_897 = vector.broadcast %jit3A_895 : f32 to vector<16xf32>
          %select_n3A_898 = arith.select %eq3A_893, %broadcast_in_dim3A_896, %broadcast_in_dim3A_897 : vector<16xi1>, vector<16xf32>
          %swap3A_899 = arith.constant 43 : i32
          %swap3A_900 = arith.index_cast %rem3A_143 : i32 to index
          %swap3A_901 = arith.index_cast %swap3A_899 : i32 to index
          %swap3A_902 = arith.constant 0 : index
          %swap3A_903 = tpu.vector_load %arg17[%swap3A_900, %swap3A_901, %swap3A_902] {strides = array<i32>} : memref<5x80x16xf32, #tpu.memory_space<vmem>>, vector<1x1x16xf32>,
          %swap3A_904 = vector.shape_cast %swap3A_903 : vector<1x1x16xf32> to vector<16xf32>
          %swap3A_905 = vector.shape_cast %select_n3A_898 : vector<16xf32> to vector<1x1x16xf32>
          tpu.vector_store %arg17[%swap3A_900, %swap3A_901, %swap3A_902], %swap3A_905 {strides = array<i32>} : memref<5x80x16xf32, #tpu.memory_space<vmem>>, vector<1x1x16xf32>,
          %slice3A_906 = vector.extract_strided_slice %get3A_713 {offsets = [12], sizes = [1], strides = [1]} : vector<16xi32> to vector<1xi32>
          %squeeze3A_907 = vector.extract %slice3A_906[0] : i32 from vector<1xi32>
          %eq3A_908 = vector.broadcast %squeeze3A_907 : i32 to vector<16xi32>
          %eq3A_909 = arith.cmpi eq, %iota3A, %eq3A_908 : vector<16xi32>
          %jit3A_910 = arith.constant 1.000000e+00 : f32
          %jit3A_911 = arith.constant 0.000000e+00 : f32
          %broadcast_in_dim3A_912 = vector.broadcast %jit3A_910 : f32 to vector<16xf32>
          %broadcast_in_dim3A_913 = vector.broadcast %jit3A_911 : f32 to vector<16xf32>
          %select_n3A_914 = arith.select %eq3A_909, %broadcast_in_dim3A_912, %broadcast_in_dim3A_913 : vector<16xi1>, vector<16xf32>
          %swap3A_915 = arith.constant 44 : i32
          %swap3A_916 = arith.index_cast %rem3A_143 : i32 to index
          %swap3A_917 = arith.index_cast %swap3A_915 : i32 to index
          %swap3A_918 = arith.constant 0 : index
          %swap3A_919 = tpu.vector_load %arg17[%swap3A_916, %swap3A_917, %swap3A_918] {strides = array<i32>} : memref<5x80x16xf32, #tpu.memory_space<vmem>>, vector<1x1x16xf32>,
          %swap3A_920 = vector.shape_cast %swap3A_919 : vector<1x1x16xf32> to vector<16xf32>
          %swap3A_921 = vector.shape_cast %select_n3A_914 : vector<16xf32> to vector<1x1x16xf32>
          tpu.vector_store %arg17[%swap3A_916, %swap3A_917, %swap3A_918], %swap3A_921 {strides = array<i32>} : memref<5x80x16xf32, #tpu.memory_space<vmem>>, vector<1x1x16xf32>,
          %slice3A_922 = vector.extract_strided_slice %get3A_713 {offsets = [13], sizes = [1], strides = [1]} : vector<16xi32> to vector<1xi32>
          %squeeze3A_923 = vector.extract %slice3A_922[0] : i32 from vector<1xi32>
          %eq3A_924 = vector.broadcast %squeeze3A_923 : i32 to vector<16xi32>
          %eq3A_925 = arith.cmpi eq, %iota3A, %eq3A_924 : vector<16xi32>
          %jit3A_926 = arith.constant 1.000000e+00 : f32
          %jit3A_927 = arith.constant 0.000000e+00 : f32
          %broadcast_in_dim3A_928 = vector.broadcast %jit3A_926 : f32 to vector<16xf32>
          %broadcast_in_dim3A_929 = vector.broadcast %jit3A_927 : f32 to vector<16xf32>
          %select_n3A_930 = arith.select %eq3A_925, %broadcast_in_dim3A_928, %broadcast_in_dim3A_929 : vector<16xi1>, vector<16xf32>
          %swap3A_931 = arith.constant 45 : i32
          %swap3A_932 = arith.index_cast %rem3A_143 : i32 to index
          %swap3A_933 = arith.index_cast %swap3A_931 : i32 to index
          %swap3A_934 = arith.constant 0 : index
          %swap3A_935 = tpu.vector_load %arg17[%swap3A_932, %swap3A_933, %swap3A_934] {strides = array<i32>} : memref<5x80x16xf32, #tpu.memory_space<vmem>>, vector<1x1x16xf32>,
          %swap3A_936 = vector.shape_cast %swap3A_935 : vector<1x1x16xf32> to vector<16xf32>
          %swap3A_937 = vector.shape_cast %select_n3A_930 : vector<16xf32> to vector<1x1x16xf32>
          tpu.vector_store %arg17[%swap3A_932, %swap3A_933, %swap3A_934], %swap3A_937 {strides = array<i32>} : memref<5x80x16xf32, #tpu.memory_space<vmem>>, vector<1x1x16xf32>,
          %slice3A_938 = vector.extract_strided_slice %get3A_713 {offsets = [14], sizes = [1], strides = [1]} : vector<16xi32> to vector<1xi32>
          %squeeze3A_939 = vector.extract %slice3A_938[0] : i32 from vector<1xi32>
          %eq3A_940 = vector.broadcast %squeeze3A_939 : i32 to vector<16xi32>
          %eq3A_941 = arith.cmpi eq, %iota3A, %eq3A_940 : vector<16xi32>
          %jit3A_942 = arith.constant 1.000000e+00 : f32
          %jit3A_943 = arith.constant 0.000000e+00 : f32
          %broadcast_in_dim3A_944 = vector.broadcast %jit3A_942 : f32 to vector<16xf32>
          %broadcast_in_dim3A_945 = vector.broadcast %jit3A_943 : f32 to vector<16xf32>
          %select_n3A_946 = arith.select %eq3A_941, %broadcast_in_dim3A_944, %broadcast_in_dim3A_945 : vector<16xi1>, vector<16xf32>
          %swap3A_947 = arith.constant 46 : i32
          %swap3A_948 = arith.index_cast %rem3A_143 : i32 to index
          %swap3A_949 = arith.index_cast %swap3A_947 : i32 to index
          %swap3A_950 = arith.constant 0 : index
          %swap3A_951 = tpu.vector_load %arg17[%swap3A_948, %swap3A_949, %swap3A_950] {strides = array<i32>} : memref<5x80x16xf32, #tpu.memory_space<vmem>>, vector<1x1x16xf32>,
          %swap3A_952 = vector.shape_cast %swap3A_951 : vector<1x1x16xf32> to vector<16xf32>
          %swap3A_953 = vector.shape_cast %select_n3A_946 : vector<16xf32> to vector<1x1x16xf32>
          tpu.vector_store %arg17[%swap3A_948, %swap3A_949, %swap3A_950], %swap3A_953 {strides = array<i32>} : memref<5x80x16xf32, #tpu.memory_space<vmem>>, vector<1x1x16xf32>,
          %slice3A_954 = vector.extract_strided_slice %get3A_713 {offsets = [15], sizes = [1], strides = [1]} : vector<16xi32> to vector<1xi32>
          %squeeze3A_955 = vector.extract %slice3A_954[0] : i32 from vector<1xi32>
          %eq3A_956 = vector.broadcast %squeeze3A_955 : i32 to vector<16xi32>
          %eq3A_957 = arith.cmpi eq, %iota3A, %eq3A_956 : vector<16xi32>
          %jit3A_958 = arith.constant 1.000000e+00 : f32
          %jit3A_959 = arith.constant 0.000000e+00 : f32
          %broadcast_in_dim3A_960 = vector.broadcast %jit3A_958 : f32 to vector<16xf32>
          %broadcast_in_dim3A_961 = vector.broadcast %jit3A_959 : f32 to vector<16xf32>
          %select_n3A_962 = arith.select %eq3A_957, %broadcast_in_dim3A_960, %broadcast_in_dim3A_961 : vector<16xi1>, vector<16xf32>
          %swap3A_963 = arith.constant 47 : i32
          %swap3A_964 = arith.index_cast %rem3A_143 : i32 to index
          %swap3A_965 = arith.index_cast %swap3A_963 : i32 to index
          %swap3A_966 = arith.constant 0 : index
          %swap3A_967 = tpu.vector_load %arg17[%swap3A_964, %swap3A_965, %swap3A_966] {strides = array<i32>} : memref<5x80x16xf32, #tpu.memory_space<vmem>>, vector<1x1x16xf32>,
          %swap3A_968 = vector.shape_cast %swap3A_967 : vector<1x1x16xf32> to vector<16xf32>
          %swap3A_969 = vector.shape_cast %select_n3A_962 : vector<16xf32> to vector<1x1x16xf32>
          tpu.vector_store %arg17[%swap3A_964, %swap3A_965, %swap3A_966], %swap3A_969 {strides = array<i32>} : memref<5x80x16xf32, #tpu.memory_space<vmem>>, vector<1x1x16xf32>,
          %get3A_970 = arith.index_cast %scan3A_142 : i32 to index
          %get3A_971 = arith.constant 48 : index
          %get3A_972 = tpu.vector_load %arg15[%get3A_970, %get3A_971] {strides = array<i32>} : memref<125x80xi32, #tpu.memory_space<vmem>>, vector<1x16xi32>,
          %get3A_973 = vector.shape_cast %get3A_972 : vector<1x16xi32> to vector<16xi32>
          %slice3A_974 = vector.extract_strided_slice %get3A_973 {offsets = [0], sizes = [1], strides = [1]} : vector<16xi32> to vector<1xi32>
          %squeeze3A_975 = vector.extract %slice3A_974[0] : i32 from vector<1xi32>
          %eq3A_976 = vector.broadcast %squeeze3A_975 : i32 to vector<16xi32>
          %eq3A_977 = arith.cmpi eq, %iota3A, %eq3A_976 : vector<16xi32>
          %jit3A_978 = arith.constant 1.000000e+00 : f32
          %jit3A_979 = arith.constant 0.000000e+00 : f32
          %broadcast_in_dim3A_980 = vector.broadcast %jit3A_978 : f32 to vector<16xf32>
          %broadcast_in_dim3A_981 = vector.broadcast %jit3A_979 : f32 to vector<16xf32>
          %select_n3A_982 = arith.select %eq3A_977, %broadcast_in_dim3A_980, %broadcast_in_dim3A_981 : vector<16xi1>, vector<16xf32>
          %swap3A_983 = arith.constant 48 : i32
          %swap3A_984 = arith.index_cast %rem3A_143 : i32 to index
          %swap3A_985 = arith.index_cast %swap3A_983 : i32 to index
          %swap3A_986 = arith.constant 0 : index
          %swap3A_987 = tpu.vector_load %arg17[%swap3A_984, %swap3A_985, %swap3A_986] {strides = array<i32>} : memref<5x80x16xf32, #tpu.memory_space<vmem>>, vector<1x1x16xf32>,
          %swap3A_988 = vector.shape_cast %swap3A_987 : vector<1x1x16xf32> to vector<16xf32>
          %swap3A_989 = vector.shape_cast %select_n3A_982 : vector<16xf32> to vector<1x1x16xf32>
          tpu.vector_store %arg17[%swap3A_984, %swap3A_985, %swap3A_986], %swap3A_989 {strides = array<i32>} : memref<5x80x16xf32, #tpu.memory_space<vmem>>, vector<1x1x16xf32>,
          %slice3A_990 = vector.extract_strided_slice %get3A_973 {offsets = [1], sizes = [1], strides = [1]} : vector<16xi32> to vector<1xi32>
          %squeeze3A_991 = vector.extract %slice3A_990[0] : i32 from vector<1xi32>
          %eq3A_992 = vector.broadcast %squeeze3A_991 : i32 to vector<16xi32>
          %eq3A_993 = arith.cmpi eq, %iota3A, %eq3A_992 : vector<16xi32>
          %jit3A_994 = arith.constant 1.000000e+00 : f32
          %jit3A_995 = arith.constant 0.000000e+00 : f32
          %broadcast_in_dim3A_996 = vector.broadcast %jit3A_994 : f32 to vector<16xf32>
          %broadcast_in_dim3A_997 = vector.broadcast %jit3A_995 : f32 to vector<16xf32>
          %select_n3A_998 = arith.select %eq3A_993, %broadcast_in_dim3A_996, %broadcast_in_dim3A_997 : vector<16xi1>, vector<16xf32>
          %swap3A_999 = arith.constant 49 : i32
          %swap3A_1000 = arith.index_cast %rem3A_143 : i32 to index
          %swap3A_1001 = arith.index_cast %swap3A_999 : i32 to index
          %swap3A_1002 = arith.constant 0 : index
          %swap3A_1003 = tpu.vector_load %arg17[%swap3A_1000, %swap3A_1001, %swap3A_1002] {strides = array<i32>} : memref<5x80x16xf32, #tpu.memory_space<vmem>>, vector<1x1x16xf32>,
          %swap3A_1004 = vector.shape_cast %swap3A_1003 : vector<1x1x16xf32> to vector<16xf32>
          %swap3A_1005 = vector.shape_cast %select_n3A_998 : vector<16xf32> to vector<1x1x16xf32>
          tpu.vector_store %arg17[%swap3A_1000, %swap3A_1001, %swap3A_1002], %swap3A_1005 {strides = array<i32>} : memref<5x80x16xf32, #tpu.memory_space<vmem>>, vector<1x1x16xf32>,
          %slice3A_1006 = vector.extract_strided_slice %get3A_973 {offsets = [2], sizes = [1], strides = [1]} : vector<16xi32> to vector<1xi32>
          %squeeze3A_1007 = vector.extract %slice3A_1006[0] : i32 from vector<1xi32>
          %eq3A_1008 = vector.broadcast %squeeze3A_1007 : i32 to vector<16xi32>
          %eq3A_1009 = arith.cmpi eq, %iota3A, %eq3A_1008 : vector<16xi32>
          %jit3A_1010 = arith.constant 1.000000e+00 : f32
          %jit3A_1011 = arith.constant 0.000000e+00 : f32
          %broadcast_in_dim3A_1012 = vector.broadcast %jit3A_1010 : f32 to vector<16xf32>
          %broadcast_in_dim3A_1013 = vector.broadcast %jit3A_1011 : f32 to vector<16xf32>
          %select_n3A_1014 = arith.select %eq3A_1009, %broadcast_in_dim3A_1012, %broadcast_in_dim3A_1013 : vector<16xi1>, vector<16xf32>
          %swap3A_1015 = arith.constant 50 : i32
          %swap3A_1016 = arith.index_cast %rem3A_143 : i32 to index
          %swap3A_1017 = arith.index_cast %swap3A_1015 : i32 to index
          %swap3A_1018 = arith.constant 0 : index
          %swap3A_1019 = tpu.vector_load %arg17[%swap3A_1016, %swap3A_1017, %swap3A_1018] {strides = array<i32>} : memref<5x80x16xf32, #tpu.memory_space<vmem>>, vector<1x1x16xf32>,
          %swap3A_1020 = vector.shape_cast %swap3A_1019 : vector<1x1x16xf32> to vector<16xf32>
          %swap3A_1021 = vector.shape_cast %select_n3A_1014 : vector<16xf32> to vector<1x1x16xf32>
          tpu.vector_store %arg17[%swap3A_1016, %swap3A_1017, %swap3A_1018], %swap3A_1021 {strides = array<i32>} : memref<5x80x16xf32, #tpu.memory_space<vmem>>, vector<1x1x16xf32>,
          %slice3A_1022 = vector.extract_strided_slice %get3A_973 {offsets = [3], sizes = [1], strides = [1]} : vector<16xi32> to vector<1xi32>
          %squeeze3A_1023 = vector.extract %slice3A_1022[0] : i32 from vector<1xi32>
          %eq3A_1024 = vector.broadcast %squeeze3A_1023 : i32 to vector<16xi32>
          %eq3A_1025 = arith.cmpi eq, %iota3A, %eq3A_1024 : vector<16xi32>
          %jit3A_1026 = arith.constant 1.000000e+00 : f32
          %jit3A_1027 = arith.constant 0.000000e+00 : f32
          %broadcast_in_dim3A_1028 = vector.broadcast %jit3A_1026 : f32 to vector<16xf32>
          %broadcast_in_dim3A_1029 = vector.broadcast %jit3A_1027 : f32 to vector<16xf32>
          %select_n3A_1030 = arith.select %eq3A_1025, %broadcast_in_dim3A_1028, %broadcast_in_dim3A_1029 : vector<16xi1>, vector<16xf32>
          %swap3A_1031 = arith.constant 51 : i32
          %swap3A_1032 = arith.index_cast %rem3A_143 : i32 to index
          %swap3A_1033 = arith.index_cast %swap3A_1031 : i32 to index
          %swap3A_1034 = arith.constant 0 : index
          %swap3A_1035 = tpu.vector_load %arg17[%swap3A_1032, %swap3A_1033, %swap3A_1034] {strides = array<i32>} : memref<5x80x16xf32, #tpu.memory_space<vmem>>, vector<1x1x16xf32>,
          %swap3A_1036 = vector.shape_cast %swap3A_1035 : vector<1x1x16xf32> to vector<16xf32>
          %swap3A_1037 = vector.shape_cast %select_n3A_1030 : vector<16xf32> to vector<1x1x16xf32>
          tpu.vector_store %arg17[%swap3A_1032, %swap3A_1033, %swap3A_1034], %swap3A_1037 {strides = array<i32>} : memref<5x80x16xf32, #tpu.memory_space<vmem>>, vector<1x1x16xf32>,
          %slice3A_1038 = vector.extract_strided_slice %get3A_973 {offsets = [4], sizes = [1], strides = [1]} : vector<16xi32> to vector<1xi32>
          %squeeze3A_1039 = vector.extract %slice3A_1038[0] : i32 from vector<1xi32>
          %eq3A_1040 = vector.broadcast %squeeze3A_1039 : i32 to vector<16xi32>
          %eq3A_1041 = arith.cmpi eq, %iota3A, %eq3A_1040 : vector<16xi32>
          %jit3A_1042 = arith.constant 1.000000e+00 : f32
          %jit3A_1043 = arith.constant 0.000000e+00 : f32
          %broadcast_in_dim3A_1044 = vector.broadcast %jit3A_1042 : f32 to vector<16xf32>
          %broadcast_in_dim3A_1045 = vector.broadcast %jit3A_1043 : f32 to vector<16xf32>
          %select_n3A_1046 = arith.select %eq3A_1041, %broadcast_in_dim3A_1044, %broadcast_in_dim3A_1045 : vector<16xi1>, vector<16xf32>
          %swap3A_1047 = arith.constant 52 : i32
          %swap3A_1048 = arith.index_cast %rem3A_143 : i32 to index
          %swap3A_1049 = arith.index_cast %swap3A_1047 : i32 to index
          %swap3A_1050 = arith.constant 0 : index
          %swap3A_1051 = tpu.vector_load %arg17[%swap3A_1048, %swap3A_1049, %swap3A_1050] {strides = array<i32>} : memref<5x80x16xf32, #tpu.memory_space<vmem>>, vector<1x1x16xf32>,
          %swap3A_1052 = vector.shape_cast %swap3A_1051 : vector<1x1x16xf32> to vector<16xf32>
          %swap3A_1053 = vector.shape_cast %select_n3A_1046 : vector<16xf32> to vector<1x1x16xf32>
          tpu.vector_store %arg17[%swap3A_1048, %swap3A_1049, %swap3A_1050], %swap3A_1053 {strides = array<i32>} : memref<5x80x16xf32, #tpu.memory_space<vmem>>, vector<1x1x16xf32>,
          %slice3A_1054 = vector.extract_strided_slice %get3A_973 {offsets = [5], sizes = [1], strides = [1]} : vector<16xi32> to vector<1xi32>
          %squeeze3A_1055 = vector.extract %slice3A_1054[0] : i32 from vector<1xi32>
          %eq3A_1056 = vector.broadcast %squeeze3A_1055 : i32 to vector<16xi32>
          %eq3A_1057 = arith.cmpi eq, %iota3A, %eq3A_1056 : vector<16xi32>
          %jit3A_1058 = arith.constant 1.000000e+00 : f32
          %jit3A_1059 = arith.constant 0.000000e+00 : f32
          %broadcast_in_dim3A_1060 = vector.broadcast %jit3A_1058 : f32 to vector<16xf32>
          %broadcast_in_dim3A_1061 = vector.broadcast %jit3A_1059 : f32 to vector<16xf32>
          %select_n3A_1062 = arith.select %eq3A_1057, %broadcast_in_dim3A_1060, %broadcast_in_dim3A_1061 : vector<16xi1>, vector<16xf32>
          %swap3A_1063 = arith.constant 53 : i32
          %swap3A_1064 = arith.index_cast %rem3A_143 : i32 to index
          %swap3A_1065 = arith.index_cast %swap3A_1063 : i32 to index
          %swap3A_1066 = arith.constant 0 : index
          %swap3A_1067 = tpu.vector_load %arg17[%swap3A_1064, %swap3A_1065, %swap3A_1066] {strides = array<i32>} : memref<5x80x16xf32, #tpu.memory_space<vmem>>, vector<1x1x16xf32>,
          %swap3A_1068 = vector.shape_cast %swap3A_1067 : vector<1x1x16xf32> to vector<16xf32>
          %swap3A_1069 = vector.shape_cast %select_n3A_1062 : vector<16xf32> to vector<1x1x16xf32>
          tpu.vector_store %arg17[%swap3A_1064, %swap3A_1065, %swap3A_1066], %swap3A_1069 {strides = array<i32>} : memref<5x80x16xf32, #tpu.memory_space<vmem>>, vector<1x1x16xf32>,
          %slice3A_1070 = vector.extract_strided_slice %get3A_973 {offsets = [6], sizes = [1], strides = [1]} : vector<16xi32> to vector<1xi32>
          %squeeze3A_1071 = vector.extract %slice3A_1070[0] : i32 from vector<1xi32>
          %eq3A_1072 = vector.broadcast %squeeze3A_1071 : i32 to vector<16xi32>
          %eq3A_1073 = arith.cmpi eq, %iota3A, %eq3A_1072 : vector<16xi32>
          %jit3A_1074 = arith.constant 1.000000e+00 : f32
          %jit3A_1075 = arith.constant 0.000000e+00 : f32
          %broadcast_in_dim3A_1076 = vector.broadcast %jit3A_1074 : f32 to vector<16xf32>
          %broadcast_in_dim3A_1077 = vector.broadcast %jit3A_1075 : f32 to vector<16xf32>
          %select_n3A_1078 = arith.select %eq3A_1073, %broadcast_in_dim3A_1076, %broadcast_in_dim3A_1077 : vector<16xi1>, vector<16xf32>
          %swap3A_1079 = arith.constant 54 : i32
          %swap3A_1080 = arith.index_cast %rem3A_143 : i32 to index
          %swap3A_1081 = arith.index_cast %swap3A_1079 : i32 to index
          %swap3A_1082 = arith.constant 0 : index
          %swap3A_1083 = tpu.vector_load %arg17[%swap3A_1080, %swap3A_1081, %swap3A_1082] {strides = array<i32>} : memref<5x80x16xf32, #tpu.memory_space<vmem>>, vector<1x1x16xf32>,
          %swap3A_1084 = vector.shape_cast %swap3A_1083 : vector<1x1x16xf32> to vector<16xf32>
          %swap3A_1085 = vector.shape_cast %select_n3A_1078 : vector<16xf32> to vector<1x1x16xf32>
          tpu.vector_store %arg17[%swap3A_1080, %swap3A_1081, %swap3A_1082], %swap3A_1085 {strides = array<i32>} : memref<5x80x16xf32, #tpu.memory_space<vmem>>, vector<1x1x16xf32>,
          %slice3A_1086 = vector.extract_strided_slice %get3A_973 {offsets = [7], sizes = [1], strides = [1]} : vector<16xi32> to vector<1xi32>
          %squeeze3A_1087 = vector.extract %slice3A_1086[0] : i32 from vector<1xi32>
          %eq3A_1088 = vector.broadcast %squeeze3A_1087 : i32 to vector<16xi32>
          %eq3A_1089 = arith.cmpi eq, %iota3A, %eq3A_1088 : vector<16xi32>
          %jit3A_1090 = arith.constant 1.000000e+00 : f32
          %jit3A_1091 = arith.constant 0.000000e+00 : f32
          %broadcast_in_dim3A_1092 = vector.broadcast %jit3A_1090 : f32 to vector<16xf32>
          %broadcast_in_dim3A_1093 = vector.broadcast %jit3A_1091 : f32 to vector<16xf32>
          %select_n3A_1094 = arith.select %eq3A_1089, %broadcast_in_dim3A_1092, %broadcast_in_dim3A_1093 : vector<16xi1>, vector<16xf32>
          %swap3A_1095 = arith.constant 55 : i32
          %swap3A_1096 = arith.index_cast %rem3A_143 : i32 to index
          %swap3A_1097 = arith.index_cast %swap3A_1095 : i32 to index
          %swap3A_1098 = arith.constant 0 : index
          %swap3A_1099 = tpu.vector_load %arg17[%swap3A_1096, %swap3A_1097, %swap3A_1098] {strides = array<i32>} : memref<5x80x16xf32, #tpu.memory_space<vmem>>, vector<1x1x16xf32>,
          %swap3A_1100 = vector.shape_cast %swap3A_1099 : vector<1x1x16xf32> to vector<16xf32>
          %swap3A_1101 = vector.shape_cast %select_n3A_1094 : vector<16xf32> to vector<1x1x16xf32>
          tpu.vector_store %arg17[%swap3A_1096, %swap3A_1097, %swap3A_1098], %swap3A_1101 {strides = array<i32>} : memref<5x80x16xf32, #tpu.memory_space<vmem>>, vector<1x1x16xf32>,
          %slice3A_1102 = vector.extract_strided_slice %get3A_973 {offsets = [8], sizes = [1], strides = [1]} : vector<16xi32> to vector<1xi32>
          %squeeze3A_1103 = vector.extract %slice3A_1102[0] : i32 from vector<1xi32>
          %eq3A_1104 = vector.broadcast %squeeze3A_1103 : i32 to vector<16xi32>
          %eq3A_1105 = arith.cmpi eq, %iota3A, %eq3A_1104 : vector<16xi32>
          %jit3A_1106 = arith.constant 1.000000e+00 : f32
          %jit3A_1107 = arith.constant 0.000000e+00 : f32
          %broadcast_in_dim3A_1108 = vector.broadcast %jit3A_1106 : f32 to vector<16xf32>
          %broadcast_in_dim3A_1109 = vector.broadcast %jit3A_1107 : f32 to vector<16xf32>
          %select_n3A_1110 = arith.select %eq3A_1105, %broadcast_in_dim3A_1108, %broadcast_in_dim3A_1109 : vector<16xi1>, vector<16xf32>
          %swap3A_1111 = arith.constant 56 : i32
          %swap3A_1112 = arith.index_cast %rem3A_143 : i32 to index
          %swap3A_1113 = arith.index_cast %swap3A_1111 : i32 to index
          %swap3A_1114 = arith.constant 0 : index
          %swap3A_1115 = tpu.vector_load %arg17[%swap3A_1112, %swap3A_1113, %swap3A_1114] {strides = array<i32>} : memref<5x80x16xf32, #tpu.memory_space<vmem>>, vector<1x1x16xf32>,
          %swap3A_1116 = vector.shape_cast %swap3A_1115 : vector<1x1x16xf32> to vector<16xf32>
          %swap3A_1117 = vector.shape_cast %select_n3A_1110 : vector<16xf32> to vector<1x1x16xf32>
          tpu.vector_store %arg17[%swap3A_1112, %swap3A_1113, %swap3A_1114], %swap3A_1117 {strides = array<i32>} : memref<5x80x16xf32, #tpu.memory_space<vmem>>, vector<1x1x16xf32>,
          %slice3A_1118 = vector.extract_strided_slice %get3A_973 {offsets = [9], sizes = [1], strides = [1]} : vector<16xi32> to vector<1xi32>
          %squeeze3A_1119 = vector.extract %slice3A_1118[0] : i32 from vector<1xi32>
          %eq3A_1120 = vector.broadcast %squeeze3A_1119 : i32 to vector<16xi32>
          %eq3A_1121 = arith.cmpi eq, %iota3A, %eq3A_1120 : vector<16xi32>
          %jit3A_1122 = arith.constant 1.000000e+00 : f32
          %jit3A_1123 = arith.constant 0.000000e+00 : f32
          %broadcast_in_dim3A_1124 = vector.broadcast %jit3A_1122 : f32 to vector<16xf32>
          %broadcast_in_dim3A_1125 = vector.broadcast %jit3A_1123 : f32 to vector<16xf32>
          %select_n3A_1126 = arith.select %eq3A_1121, %broadcast_in_dim3A_1124, %broadcast_in_dim3A_1125 : vector<16xi1>, vector<16xf32>
          %swap3A_1127 = arith.constant 57 : i32
          %swap3A_1128 = arith.index_cast %rem3A_143 : i32 to index
          %swap3A_1129 = arith.index_cast %swap3A_1127 : i32 to index
          %swap3A_1130 = arith.constant 0 : index
          %swap3A_1131 = tpu.vector_load %arg17[%swap3A_1128, %swap3A_1129, %swap3A_1130] {strides = array<i32>} : memref<5x80x16xf32, #tpu.memory_space<vmem>>, vector<1x1x16xf32>,
          %swap3A_1132 = vector.shape_cast %swap3A_1131 : vector<1x1x16xf32> to vector<16xf32>
          %swap3A_1133 = vector.shape_cast %select_n3A_1126 : vector<16xf32> to vector<1x1x16xf32>
          tpu.vector_store %arg17[%swap3A_1128, %swap3A_1129, %swap3A_1130], %swap3A_1133 {strides = array<i32>} : memref<5x80x16xf32, #tpu.memory_space<vmem>>, vector<1x1x16xf32>,
          %slice3A_1134 = vector.extract_strided_slice %get3A_973 {offsets = [10], sizes = [1], strides = [1]} : vector<16xi32> to vector<1xi32>
          %squeeze3A_1135 = vector.extract %slice3A_1134[0] : i32 from vector<1xi32>
          %eq3A_1136 = vector.broadcast %squeeze3A_1135 : i32 to vector<16xi32>
          %eq3A_1137 = arith.cmpi eq, %iota3A, %eq3A_1136 : vector<16xi32>
          %jit3A_1138 = arith.constant 1.000000e+00 : f32
          %jit3A_1139 = arith.constant 0.000000e+00 : f32
          %broadcast_in_dim3A_1140 = vector.broadcast %jit3A_1138 : f32 to vector<16xf32>
          %broadcast_in_dim3A_1141 = vector.broadcast %jit3A_1139 : f32 to vector<16xf32>
          %select_n3A_1142 = arith.select %eq3A_1137, %broadcast_in_dim3A_1140, %broadcast_in_dim3A_1141 : vector<16xi1>, vector<16xf32>
          %swap3A_1143 = arith.constant 58 : i32
          %swap3A_1144 = arith.index_cast %rem3A_143 : i32 to index
          %swap3A_1145 = arith.index_cast %swap3A_1143 : i32 to index
          %swap3A_1146 = arith.constant 0 : index
          %swap3A_1147 = tpu.vector_load %arg17[%swap3A_1144, %swap3A_1145, %swap3A_1146] {strides = array<i32>} : memref<5x80x16xf32, #tpu.memory_space<vmem>>, vector<1x1x16xf32>,
          %swap3A_1148 = vector.shape_cast %swap3A_1147 : vector<1x1x16xf32> to vector<16xf32>
          %swap3A_1149 = vector.shape_cast %select_n3A_1142 : vector<16xf32> to vector<1x1x16xf32>
          tpu.vector_store %arg17[%swap3A_1144, %swap3A_1145, %swap3A_1146], %swap3A_1149 {strides = array<i32>} : memref<5x80x16xf32, #tpu.memory_space<vmem>>, vector<1x1x16xf32>,
          %slice3A_1150 = vector.extract_strided_slice %get3A_973 {offsets = [11], sizes = [1], strides = [1]} : vector<16xi32> to vector<1xi32>
          %squeeze3A_1151 = vector.extract %slice3A_1150[0] : i32 from vector<1xi32>
          %eq3A_1152 = vector.broadcast %squeeze3A_1151 : i32 to vector<16xi32>
          %eq3A_1153 = arith.cmpi eq, %iota3A, %eq3A_1152 : vector<16xi32>
          %jit3A_1154 = arith.constant 1.000000e+00 : f32
          %jit3A_1155 = arith.constant 0.000000e+00 : f32
          %broadcast_in_dim3A_1156 = vector.broadcast %jit3A_1154 : f32 to vector<16xf32>
          %broadcast_in_dim3A_1157 = vector.broadcast %jit3A_1155 : f32 to vector<16xf32>
          %select_n3A_1158 = arith.select %eq3A_1153, %broadcast_in_dim3A_1156, %broadcast_in_dim3A_1157 : vector<16xi1>, vector<16xf32>
          %swap3A_1159 = arith.constant 59 : i32
          %swap3A_1160 = arith.index_cast %rem3A_143 : i32 to index
          %swap3A_1161 = arith.index_cast %swap3A_1159 : i32 to index
          %swap3A_1162 = arith.constant 0 : index
          %swap3A_1163 = tpu.vector_load %arg17[%swap3A_1160, %swap3A_1161, %swap3A_1162] {strides = array<i32>} : memref<5x80x16xf32, #tpu.memory_space<vmem>>, vector<1x1x16xf32>,
          %swap3A_1164 = vector.shape_cast %swap3A_1163 : vector<1x1x16xf32> to vector<16xf32>
          %swap3A_1165 = vector.shape_cast %select_n3A_1158 : vector<16xf32> to vector<1x1x16xf32>
          tpu.vector_store %arg17[%swap3A_1160, %swap3A_1161, %swap3A_1162], %swap3A_1165 {strides = array<i32>} : memref<5x80x16xf32, #tpu.memory_space<vmem>>, vector<1x1x16xf32>,
          %slice3A_1166 = vector.extract_strided_slice %get3A_973 {offsets = [12], sizes = [1], strides = [1]} : vector<16xi32> to vector<1xi32>
          %squeeze3A_1167 = vector.extract %slice3A_1166[0] : i32 from vector<1xi32>
          %eq3A_1168 = vector.broadcast %squeeze3A_1167 : i32 to vector<16xi32>
          %eq3A_1169 = arith.cmpi eq, %iota3A, %eq3A_1168 : vector<16xi32>
          %jit3A_1170 = arith.constant 1.000000e+00 : f32
          %jit3A_1171 = arith.constant 0.000000e+00 : f32
          %broadcast_in_dim3A_1172 = vector.broadcast %jit3A_1170 : f32 to vector<16xf32>
          %broadcast_in_dim3A_1173 = vector.broadcast %jit3A_1171 : f32 to vector<16xf32>
          %select_n3A_1174 = arith.select %eq3A_1169, %broadcast_in_dim3A_1172, %broadcast_in_dim3A_1173 : vector<16xi1>, vector<16xf32>
          %swap3A_1175 = arith.constant 60 : i32
          %swap3A_1176 = arith.index_cast %rem3A_143 : i32 to index
          %swap3A_1177 = arith.index_cast %swap3A_1175 : i32 to index
          %swap3A_1178 = arith.constant 0 : index
          %swap3A_1179 = tpu.vector_load %arg17[%swap3A_1176, %swap3A_1177, %swap3A_1178] {strides = array<i32>} : memref<5x80x16xf32, #tpu.memory_space<vmem>>, vector<1x1x16xf32>,
          %swap3A_1180 = vector.shape_cast %swap3A_1179 : vector<1x1x16xf32> to vector<16xf32>
          %swap3A_1181 = vector.shape_cast %select_n3A_1174 : vector<16xf32> to vector<1x1x16xf32>
          tpu.vector_store %arg17[%swap3A_1176, %swap3A_1177, %swap3A_1178], %swap3A_1181 {strides = array<i32>} : memref<5x80x16xf32, #tpu.memory_space<vmem>>, vector<1x1x16xf32>,
          %slice3A_1182 = vector.extract_strided_slice %get3A_973 {offsets = [13], sizes = [1], strides = [1]} : vector<16xi32> to vector<1xi32>
          %squeeze3A_1183 = vector.extract %slice3A_1182[0] : i32 from vector<1xi32>
          %eq3A_1184 = vector.broadcast %squeeze3A_1183 : i32 to vector<16xi32>
          %eq3A_1185 = arith.cmpi eq, %iota3A, %eq3A_1184 : vector<16xi32>
          %jit3A_1186 = arith.constant 1.000000e+00 : f32
          %jit3A_1187 = arith.constant 0.000000e+00 : f32
          %broadcast_in_dim3A_1188 = vector.broadcast %jit3A_1186 : f32 to vector<16xf32>
          %broadcast_in_dim3A_1189 = vector.broadcast %jit3A_1187 : f32 to vector<16xf32>
          %select_n3A_1190 = arith.select %eq3A_1185, %broadcast_in_dim3A_1188, %broadcast_in_dim3A_1189 : vector<16xi1>, vector<16xf32>
          %swap3A_1191 = arith.constant 61 : i32
          %swap3A_1192 = arith.index_cast %rem3A_143 : i32 to index
          %swap3A_1193 = arith.index_cast %swap3A_1191 : i32 to index
          %swap3A_1194 = arith.constant 0 : index
          %swap3A_1195 = tpu.vector_load %arg17[%swap3A_1192, %swap3A_1193, %swap3A_1194] {strides = array<i32>} : memref<5x80x16xf32, #tpu.memory_space<vmem>>, vector<1x1x16xf32>,
          %swap3A_1196 = vector.shape_cast %swap3A_1195 : vector<1x1x16xf32> to vector<16xf32>
          %swap3A_1197 = vector.shape_cast %select_n3A_1190 : vector<16xf32> to vector<1x1x16xf32>
          tpu.vector_store %arg17[%swap3A_1192, %swap3A_1193, %swap3A_1194], %swap3A_1197 {strides = array<i32>} : memref<5x80x16xf32, #tpu.memory_space<vmem>>, vector<1x1x16xf32>,
          %slice3A_1198 = vector.extract_strided_slice %get3A_973 {offsets = [14], sizes = [1], strides = [1]} : vector<16xi32> to vector<1xi32>
          %squeeze3A_1199 = vector.extract %slice3A_1198[0] : i32 from vector<1xi32>
          %eq3A_1200 = vector.broadcast %squeeze3A_1199 : i32 to vector<16xi32>
          %eq3A_1201 = arith.cmpi eq, %iota3A, %eq3A_1200 : vector<16xi32>
          %jit3A_1202 = arith.constant 1.000000e+00 : f32
          %jit3A_1203 = arith.constant 0.000000e+00 : f32
          %broadcast_in_dim3A_1204 = vector.broadcast %jit3A_1202 : f32 to vector<16xf32>
          %broadcast_in_dim3A_1205 = vector.broadcast %jit3A_1203 : f32 to vector<16xf32>
          %select_n3A_1206 = arith.select %eq3A_1201, %broadcast_in_dim3A_1204, %broadcast_in_dim3A_1205 : vector<16xi1>, vector<16xf32>
          %swap3A_1207 = arith.constant 62 : i32
          %swap3A_1208 = arith.index_cast %rem3A_143 : i32 to index
          %swap3A_1209 = arith.index_cast %swap3A_1207 : i32 to index
          %swap3A_1210 = arith.constant 0 : index
          %swap3A_1211 = tpu.vector_load %arg17[%swap3A_1208, %swap3A_1209, %swap3A_1210] {strides = array<i32>} : memref<5x80x16xf32, #tpu.memory_space<vmem>>, vector<1x1x16xf32>,
          %swap3A_1212 = vector.shape_cast %swap3A_1211 : vector<1x1x16xf32> to vector<16xf32>
          %swap3A_1213 = vector.shape_cast %select_n3A_1206 : vector<16xf32> to vector<1x1x16xf32>
          tpu.vector_store %arg17[%swap3A_1208, %swap3A_1209, %swap3A_1210], %swap3A_1213 {strides = array<i32>} : memref<5x80x16xf32, #tpu.memory_space<vmem>>, vector<1x1x16xf32>,
          %slice3A_1214 = vector.extract_strided_slice %get3A_973 {offsets = [15], sizes = [1], strides = [1]} : vector<16xi32> to vector<1xi32>
          %squeeze3A_1215 = vector.extract %slice3A_1214[0] : i32 from vector<1xi32>
          %eq3A_1216 = vector.broadcast %squeeze3A_1215 : i32 to vector<16xi32>
          %eq3A_1217 = arith.cmpi eq, %iota3A, %eq3A_1216 : vector<16xi32>
          %jit3A_1218 = arith.constant 1.000000e+00 : f32
          %jit3A_1219 = arith.constant 0.000000e+00 : f32
          %broadcast_in_dim3A_1220 = vector.broadcast %jit3A_1218 : f32 to vector<16xf32>
          %broadcast_in_dim3A_1221 = vector.broadcast %jit3A_1219 : f32 to vector<16xf32>
          %select_n3A_1222 = arith.select %eq3A_1217, %broadcast_in_dim3A_1220, %broadcast_in_dim3A_1221 : vector<16xi1>, vector<16xf32>
          %swap3A_1223 = arith.constant 63 : i32
          %swap3A_1224 = arith.index_cast %rem3A_143 : i32 to index
          %swap3A_1225 = arith.index_cast %swap3A_1223 : i32 to index
          %swap3A_1226 = arith.constant 0 : index
          %swap3A_1227 = tpu.vector_load %arg17[%swap3A_1224, %swap3A_1225, %swap3A_1226] {strides = array<i32>} : memref<5x80x16xf32, #tpu.memory_space<vmem>>, vector<1x1x16xf32>,
          %swap3A_1228 = vector.shape_cast %swap3A_1227 : vector<1x1x16xf32> to vector<16xf32>
          %swap3A_1229 = vector.shape_cast %select_n3A_1222 : vector<16xf32> to vector<1x1x16xf32>
          tpu.vector_store %arg17[%swap3A_1224, %swap3A_1225, %swap3A_1226], %swap3A_1229 {strides = array<i32>} : memref<5x80x16xf32, #tpu.memory_space<vmem>>, vector<1x1x16xf32>,
          %get3A_1230 = arith.index_cast %scan3A_142 : i32 to index
          %get3A_1231 = arith.constant 64 : index
          %get3A_1232 = tpu.vector_load %arg15[%get3A_1230, %get3A_1231] {strides = array<i32>} : memref<125x80xi32, #tpu.memory_space<vmem>>, vector<1x16xi32>,
          %get3A_1233 = vector.shape_cast %get3A_1232 : vector<1x16xi32> to vector<16xi32>
          %slice3A_1234 = vector.extract_strided_slice %get3A_1233 {offsets = [0], sizes = [1], strides = [1]} : vector<16xi32> to vector<1xi32>
          %squeeze3A_1235 = vector.extract %slice3A_1234[0] : i32 from vector<1xi32>
          %eq3A_1236 = vector.broadcast %squeeze3A_1235 : i32 to vector<16xi32>
          %eq3A_1237 = arith.cmpi eq, %iota3A, %eq3A_1236 : vector<16xi32>
          %jit3A_1238 = arith.constant 1.000000e+00 : f32
          %jit3A_1239 = arith.constant 0.000000e+00 : f32
          %broadcast_in_dim3A_1240 = vector.broadcast %jit3A_1238 : f32 to vector<16xf32>
          %broadcast_in_dim3A_1241 = vector.broadcast %jit3A_1239 : f32 to vector<16xf32>
          %select_n3A_1242 = arith.select %eq3A_1237, %broadcast_in_dim3A_1240, %broadcast_in_dim3A_1241 : vector<16xi1>, vector<16xf32>
          %swap3A_1243 = arith.constant 64 : i32
          %swap3A_1244 = arith.index_cast %rem3A_143 : i32 to index
          %swap3A_1245 = arith.index_cast %swap3A_1243 : i32 to index
          %swap3A_1246 = arith.constant 0 : index
          %swap3A_1247 = tpu.vector_load %arg17[%swap3A_1244, %swap3A_1245, %swap3A_1246] {strides = array<i32>} : memref<5x80x16xf32, #tpu.memory_space<vmem>>, vector<1x1x16xf32>,
          %swap3A_1248 = vector.shape_cast %swap3A_1247 : vector<1x1x16xf32> to vector<16xf32>
          %swap3A_1249 = vector.shape_cast %select_n3A_1242 : vector<16xf32> to vector<1x1x16xf32>
          tpu.vector_store %arg17[%swap3A_1244, %swap3A_1245, %swap3A_1246], %swap3A_1249 {strides = array<i32>} : memref<5x80x16xf32, #tpu.memory_space<vmem>>, vector<1x1x16xf32>,
          %slice3A_1250 = vector.extract_strided_slice %get3A_1233 {offsets = [1], sizes = [1], strides = [1]} : vector<16xi32> to vector<1xi32>
          %squeeze3A_1251 = vector.extract %slice3A_1250[0] : i32 from vector<1xi32>
          %eq3A_1252 = vector.broadcast %squeeze3A_1251 : i32 to vector<16xi32>
          %eq3A_1253 = arith.cmpi eq, %iota3A, %eq3A_1252 : vector<16xi32>
          %jit3A_1254 = arith.constant 1.000000e+00 : f32
          %jit3A_1255 = arith.constant 0.000000e+00 : f32
          %broadcast_in_dim3A_1256 = vector.broadcast %jit3A_1254 : f32 to vector<16xf32>
          %broadcast_in_dim3A_1257 = vector.broadcast %jit3A_1255 : f32 to vector<16xf32>
          %select_n3A_1258 = arith.select %eq3A_1253, %broadcast_in_dim3A_1256, %broadcast_in_dim3A_1257 : vector<16xi1>, vector<16xf32>
          %swap3A_1259 = arith.constant 65 : i32
          %swap3A_1260 = arith.index_cast %rem3A_143 : i32 to index
          %swap3A_1261 = arith.index_cast %swap3A_1259 : i32 to index
          %swap3A_1262 = arith.constant 0 : index
          %swap3A_1263 = tpu.vector_load %arg17[%swap3A_1260, %swap3A_1261, %swap3A_1262] {strides = array<i32>} : memref<5x80x16xf32, #tpu.memory_space<vmem>>, vector<1x1x16xf32>,
          %swap3A_1264 = vector.shape_cast %swap3A_1263 : vector<1x1x16xf32> to vector<16xf32>
          %swap3A_1265 = vector.shape_cast %select_n3A_1258 : vector<16xf32> to vector<1x1x16xf32>
          tpu.vector_store %arg17[%swap3A_1260, %swap3A_1261, %swap3A_1262], %swap3A_1265 {strides = array<i32>} : memref<5x80x16xf32, #tpu.memory_space<vmem>>, vector<1x1x16xf32>,
          %slice3A_1266 = vector.extract_strided_slice %get3A_1233 {offsets = [2], sizes = [1], strides = [1]} : vector<16xi32> to vector<1xi32>
          %squeeze3A_1267 = vector.extract %slice3A_1266[0] : i32 from vector<1xi32>
          %eq3A_1268 = vector.broadcast %squeeze3A_1267 : i32 to vector<16xi32>
          %eq3A_1269 = arith.cmpi eq, %iota3A, %eq3A_1268 : vector<16xi32>
          %jit3A_1270 = arith.constant 1.000000e+00 : f32
          %jit3A_1271 = arith.constant 0.000000e+00 : f32
          %broadcast_in_dim3A_1272 = vector.broadcast %jit3A_1270 : f32 to vector<16xf32>
          %broadcast_in_dim3A_1273 = vector.broadcast %jit3A_1271 : f32 to vector<16xf32>
          %select_n3A_1274 = arith.select %eq3A_1269, %broadcast_in_dim3A_1272, %broadcast_in_dim3A_1273 : vector<16xi1>, vector<16xf32>
          %swap3A_1275 = arith.constant 66 : i32
          %swap3A_1276 = arith.index_cast %rem3A_143 : i32 to index
          %swap3A_1277 = arith.index_cast %swap3A_1275 : i32 to index
          %swap3A_1278 = arith.constant 0 : index
          %swap3A_1279 = tpu.vector_load %arg17[%swap3A_1276, %swap3A_1277, %swap3A_1278] {strides = array<i32>} : memref<5x80x16xf32, #tpu.memory_space<vmem>>, vector<1x1x16xf32>,
          %swap3A_1280 = vector.shape_cast %swap3A_1279 : vector<1x1x16xf32> to vector<16xf32>
          %swap3A_1281 = vector.shape_cast %select_n3A_1274 : vector<16xf32> to vector<1x1x16xf32>
          tpu.vector_store %arg17[%swap3A_1276, %swap3A_1277, %swap3A_1278], %swap3A_1281 {strides = array<i32>} : memref<5x80x16xf32, #tpu.memory_space<vmem>>, vector<1x1x16xf32>,
          %slice3A_1282 = vector.extract_strided_slice %get3A_1233 {offsets = [3], sizes = [1], strides = [1]} : vector<16xi32> to vector<1xi32>
          %squeeze3A_1283 = vector.extract %slice3A_1282[0] : i32 from vector<1xi32>
          %eq3A_1284 = vector.broadcast %squeeze3A_1283 : i32 to vector<16xi32>
          %eq3A_1285 = arith.cmpi eq, %iota3A, %eq3A_1284 : vector<16xi32>
          %jit3A_1286 = arith.constant 1.000000e+00 : f32
          %jit3A_1287 = arith.constant 0.000000e+00 : f32
          %broadcast_in_dim3A_1288 = vector.broadcast %jit3A_1286 : f32 to vector<16xf32>
          %broadcast_in_dim3A_1289 = vector.broadcast %jit3A_1287 : f32 to vector<16xf32>
          %select_n3A_1290 = arith.select %eq3A_1285, %broadcast_in_dim3A_1288, %broadcast_in_dim3A_1289 : vector<16xi1>, vector<16xf32>
          %swap3A_1291 = arith.constant 67 : i32
          %swap3A_1292 = arith.index_cast %rem3A_143 : i32 to index
          %swap3A_1293 = arith.index_cast %swap3A_1291 : i32 to index
          %swap3A_1294 = arith.constant 0 : index
          %swap3A_1295 = tpu.vector_load %arg17[%swap3A_1292, %swap3A_1293, %swap3A_1294] {strides = array<i32>} : memref<5x80x16xf32, #tpu.memory_space<vmem>>, vector<1x1x16xf32>,
          %swap3A_1296 = vector.shape_cast %swap3A_1295 : vector<1x1x16xf32> to vector<16xf32>
          %swap3A_1297 = vector.shape_cast %select_n3A_1290 : vector<16xf32> to vector<1x1x16xf32>
          tpu.vector_store %arg17[%swap3A_1292, %swap3A_1293, %swap3A_1294], %swap3A_1297 {strides = array<i32>} : memref<5x80x16xf32, #tpu.memory_space<vmem>>, vector<1x1x16xf32>,
          %slice3A_1298 = vector.extract_strided_slice %get3A_1233 {offsets = [4], sizes = [1], strides = [1]} : vector<16xi32> to vector<1xi32>
          %squeeze3A_1299 = vector.extract %slice3A_1298[0] : i32 from vector<1xi32>
          %eq3A_1300 = vector.broadcast %squeeze3A_1299 : i32 to vector<16xi32>
          %eq3A_1301 = arith.cmpi eq, %iota3A, %eq3A_1300 : vector<16xi32>
          %jit3A_1302 = arith.constant 1.000000e+00 : f32
          %jit3A_1303 = arith.constant 0.000000e+00 : f32
          %broadcast_in_dim3A_1304 = vector.broadcast %jit3A_1302 : f32 to vector<16xf32>
          %broadcast_in_dim3A_1305 = vector.broadcast %jit3A_1303 : f32 to vector<16xf32>
          %select_n3A_1306 = arith.select %eq3A_1301, %broadcast_in_dim3A_1304, %broadcast_in_dim3A_1305 : vector<16xi1>, vector<16xf32>
          %swap3A_1307 = arith.constant 68 : i32
          %swap3A_1308 = arith.index_cast %rem3A_143 : i32 to index
          %swap3A_1309 = arith.index_cast %swap3A_1307 : i32 to index
          %swap3A_1310 = arith.constant 0 : index
          %swap3A_1311 = tpu.vector_load %arg17[%swap3A_1308, %swap3A_1309, %swap3A_1310] {strides = array<i32>} : memref<5x80x16xf32, #tpu.memory_space<vmem>>, vector<1x1x16xf32>,
          %swap3A_1312 = vector.shape_cast %swap3A_1311 : vector<1x1x16xf32> to vector<16xf32>
          %swap3A_1313 = vector.shape_cast %select_n3A_1306 : vector<16xf32> to vector<1x1x16xf32>
          tpu.vector_store %arg17[%swap3A_1308, %swap3A_1309, %swap3A_1310], %swap3A_1313 {strides = array<i32>} : memref<5x80x16xf32, #tpu.memory_space<vmem>>, vector<1x1x16xf32>,
          %slice3A_1314 = vector.extract_strided_slice %get3A_1233 {offsets = [5], sizes = [1], strides = [1]} : vector<16xi32> to vector<1xi32>
          %squeeze3A_1315 = vector.extract %slice3A_1314[0] : i32 from vector<1xi32>
          %eq3A_1316 = vector.broadcast %squeeze3A_1315 : i32 to vector<16xi32>
          %eq3A_1317 = arith.cmpi eq, %iota3A, %eq3A_1316 : vector<16xi32>
          %jit3A_1318 = arith.constant 1.000000e+00 : f32
          %jit3A_1319 = arith.constant 0.000000e+00 : f32
          %broadcast_in_dim3A_1320 = vector.broadcast %jit3A_1318 : f32 to vector<16xf32>
          %broadcast_in_dim3A_1321 = vector.broadcast %jit3A_1319 : f32 to vector<16xf32>
          %select_n3A_1322 = arith.select %eq3A_1317, %broadcast_in_dim3A_1320, %broadcast_in_dim3A_1321 : vector<16xi1>, vector<16xf32>
          %swap3A_1323 = arith.constant 69 : i32
          %swap3A_1324 = arith.index_cast %rem3A_143 : i32 to index
          %swap3A_1325 = arith.index_cast %swap3A_1323 : i32 to index
          %swap3A_1326 = arith.constant 0 : index
          %swap3A_1327 = tpu.vector_load %arg17[%swap3A_1324, %swap3A_1325, %swap3A_1326] {strides = array<i32>} : memref<5x80x16xf32, #tpu.memory_space<vmem>>, vector<1x1x16xf32>,
          %swap3A_1328 = vector.shape_cast %swap3A_1327 : vector<1x1x16xf32> to vector<16xf32>
          %swap3A_1329 = vector.shape_cast %select_n3A_1322 : vector<16xf32> to vector<1x1x16xf32>
          tpu.vector_store %arg17[%swap3A_1324, %swap3A_1325, %swap3A_1326], %swap3A_1329 {strides = array<i32>} : memref<5x80x16xf32, #tpu.memory_space<vmem>>, vector<1x1x16xf32>,
          %slice3A_1330 = vector.extract_strided_slice %get3A_1233 {offsets = [6], sizes = [1], strides = [1]} : vector<16xi32> to vector<1xi32>
          %squeeze3A_1331 = vector.extract %slice3A_1330[0] : i32 from vector<1xi32>
          %eq3A_1332 = vector.broadcast %squeeze3A_1331 : i32 to vector<16xi32>
          %eq3A_1333 = arith.cmpi eq, %iota3A, %eq3A_1332 : vector<16xi32>
          %jit3A_1334 = arith.constant 1.000000e+00 : f32
          %jit3A_1335 = arith.constant 0.000000e+00 : f32
          %broadcast_in_dim3A_1336 = vector.broadcast %jit3A_1334 : f32 to vector<16xf32>
          %broadcast_in_dim3A_1337 = vector.broadcast %jit3A_1335 : f32 to vector<16xf32>
          %select_n3A_1338 = arith.select %eq3A_1333, %broadcast_in_dim3A_1336, %broadcast_in_dim3A_1337 : vector<16xi1>, vector<16xf32>
          %swap3A_1339 = arith.constant 70 : i32
          %swap3A_1340 = arith.index_cast %rem3A_143 : i32 to index
          %swap3A_1341 = arith.index_cast %swap3A_1339 : i32 to index
          %swap3A_1342 = arith.constant 0 : index
          %swap3A_1343 = tpu.vector_load %arg17[%swap3A_1340, %swap3A_1341, %swap3A_1342] {strides = array<i32>} : memref<5x80x16xf32, #tpu.memory_space<vmem>>, vector<1x1x16xf32>,
          %swap3A_1344 = vector.shape_cast %swap3A_1343 : vector<1x1x16xf32> to vector<16xf32>
          %swap3A_1345 = vector.shape_cast %select_n3A_1338 : vector<16xf32> to vector<1x1x16xf32>
          tpu.vector_store %arg17[%swap3A_1340, %swap3A_1341, %swap3A_1342], %swap3A_1345 {strides = array<i32>} : memref<5x80x16xf32, #tpu.memory_space<vmem>>, vector<1x1x16xf32>,
          %slice3A_1346 = vector.extract_strided_slice %get3A_1233 {offsets = [7], sizes = [1], strides = [1]} : vector<16xi32> to vector<1xi32>
          %squeeze3A_1347 = vector.extract %slice3A_1346[0] : i32 from vector<1xi32>
          %eq3A_1348 = vector.broadcast %squeeze3A_1347 : i32 to vector<16xi32>
          %eq3A_1349 = arith.cmpi eq, %iota3A, %eq3A_1348 : vector<16xi32>
          %jit3A_1350 = arith.constant 1.000000e+00 : f32
          %jit3A_1351 = arith.constant 0.000000e+00 : f32
          %broadcast_in_dim3A_1352 = vector.broadcast %jit3A_1350 : f32 to vector<16xf32>
          %broadcast_in_dim3A_1353 = vector.broadcast %jit3A_1351 : f32 to vector<16xf32>
          %select_n3A_1354 = arith.select %eq3A_1349, %broadcast_in_dim3A_1352, %broadcast_in_dim3A_1353 : vector<16xi1>, vector<16xf32>
          %swap3A_1355 = arith.constant 71 : i32
          %swap3A_1356 = arith.index_cast %rem3A_143 : i32 to index
          %swap3A_1357 = arith.index_cast %swap3A_1355 : i32 to index
          %swap3A_1358 = arith.constant 0 : index
          %swap3A_1359 = tpu.vector_load %arg17[%swap3A_1356, %swap3A_1357, %swap3A_1358] {strides = array<i32>} : memref<5x80x16xf32, #tpu.memory_space<vmem>>, vector<1x1x16xf32>,
          %swap3A_1360 = vector.shape_cast %swap3A_1359 : vector<1x1x16xf32> to vector<16xf32>
          %swap3A_1361 = vector.shape_cast %select_n3A_1354 : vector<16xf32> to vector<1x1x16xf32>
          tpu.vector_store %arg17[%swap3A_1356, %swap3A_1357, %swap3A_1358], %swap3A_1361 {strides = array<i32>} : memref<5x80x16xf32, #tpu.memory_space<vmem>>, vector<1x1x16xf32>,
          %slice3A_1362 = vector.extract_strided_slice %get3A_1233 {offsets = [8], sizes = [1], strides = [1]} : vector<16xi32> to vector<1xi32>
          %squeeze3A_1363 = vector.extract %slice3A_1362[0] : i32 from vector<1xi32>
          %eq3A_1364 = vector.broadcast %squeeze3A_1363 : i32 to vector<16xi32>
          %eq3A_1365 = arith.cmpi eq, %iota3A, %eq3A_1364 : vector<16xi32>
          %jit3A_1366 = arith.constant 1.000000e+00 : f32
          %jit3A_1367 = arith.constant 0.000000e+00 : f32
          %broadcast_in_dim3A_1368 = vector.broadcast %jit3A_1366 : f32 to vector<16xf32>
          %broadcast_in_dim3A_1369 = vector.broadcast %jit3A_1367 : f32 to vector<16xf32>
          %select_n3A_1370 = arith.select %eq3A_1365, %broadcast_in_dim3A_1368, %broadcast_in_dim3A_1369 : vector<16xi1>, vector<16xf32>
          %swap3A_1371 = arith.constant 72 : i32
          %swap3A_1372 = arith.index_cast %rem3A_143 : i32 to index
          %swap3A_1373 = arith.index_cast %swap3A_1371 : i32 to index
          %swap3A_1374 = arith.constant 0 : index
          %swap3A_1375 = tpu.vector_load %arg17[%swap3A_1372, %swap3A_1373, %swap3A_1374] {strides = array<i32>} : memref<5x80x16xf32, #tpu.memory_space<vmem>>, vector<1x1x16xf32>,
          %swap3A_1376 = vector.shape_cast %swap3A_1375 : vector<1x1x16xf32> to vector<16xf32>
          %swap3A_1377 = vector.shape_cast %select_n3A_1370 : vector<16xf32> to vector<1x1x16xf32>
          tpu.vector_store %arg17[%swap3A_1372, %swap3A_1373, %swap3A_1374], %swap3A_1377 {strides = array<i32>} : memref<5x80x16xf32, #tpu.memory_space<vmem>>, vector<1x1x16xf32>,
          %slice3A_1378 = vector.extract_strided_slice %get3A_1233 {offsets = [9], sizes = [1], strides = [1]} : vector<16xi32> to vector<1xi32>
          %squeeze3A_1379 = vector.extract %slice3A_1378[0] : i32 from vector<1xi32>
          %eq3A_1380 = vector.broadcast %squeeze3A_1379 : i32 to vector<16xi32>
          %eq3A_1381 = arith.cmpi eq, %iota3A, %eq3A_1380 : vector<16xi32>
          %jit3A_1382 = arith.constant 1.000000e+00 : f32
          %jit3A_1383 = arith.constant 0.000000e+00 : f32
          %broadcast_in_dim3A_1384 = vector.broadcast %jit3A_1382 : f32 to vector<16xf32>
          %broadcast_in_dim3A_1385 = vector.broadcast %jit3A_1383 : f32 to vector<16xf32>
          %select_n3A_1386 = arith.select %eq3A_1381, %broadcast_in_dim3A_1384, %broadcast_in_dim3A_1385 : vector<16xi1>, vector<16xf32>
          %swap3A_1387 = arith.constant 73 : i32
          %swap3A_1388 = arith.index_cast %rem3A_143 : i32 to index
          %swap3A_1389 = arith.index_cast %swap3A_1387 : i32 to index
          %swap3A_1390 = arith.constant 0 : index
          %swap3A_1391 = tpu.vector_load %arg17[%swap3A_1388, %swap3A_1389, %swap3A_1390] {strides = array<i32>} : memref<5x80x16xf32, #tpu.memory_space<vmem>>, vector<1x1x16xf32>,
          %swap3A_1392 = vector.shape_cast %swap3A_1391 : vector<1x1x16xf32> to vector<16xf32>
          %swap3A_1393 = vector.shape_cast %select_n3A_1386 : vector<16xf32> to vector<1x1x16xf32>
          tpu.vector_store %arg17[%swap3A_1388, %swap3A_1389, %swap3A_1390], %swap3A_1393 {strides = array<i32>} : memref<5x80x16xf32, #tpu.memory_space<vmem>>, vector<1x1x16xf32>,
          %slice3A_1394 = vector.extract_strided_slice %get3A_1233 {offsets = [10], sizes = [1], strides = [1]} : vector<16xi32> to vector<1xi32>
          %squeeze3A_1395 = vector.extract %slice3A_1394[0] : i32 from vector<1xi32>
          %eq3A_1396 = vector.broadcast %squeeze3A_1395 : i32 to vector<16xi32>
          %eq3A_1397 = arith.cmpi eq, %iota3A, %eq3A_1396 : vector<16xi32>
          %jit3A_1398 = arith.constant 1.000000e+00 : f32
          %jit3A_1399 = arith.constant 0.000000e+00 : f32
          %broadcast_in_dim3A_1400 = vector.broadcast %jit3A_1398 : f32 to vector<16xf32>
          %broadcast_in_dim3A_1401 = vector.broadcast %jit3A_1399 : f32 to vector<16xf32>
          %select_n3A_1402 = arith.select %eq3A_1397, %broadcast_in_dim3A_1400, %broadcast_in_dim3A_1401 : vector<16xi1>, vector<16xf32>
          %swap3A_1403 = arith.constant 74 : i32
          %swap3A_1404 = arith.index_cast %rem3A_143 : i32 to index
          %swap3A_1405 = arith.index_cast %swap3A_1403 : i32 to index
          %swap3A_1406 = arith.constant 0 : index
          %swap3A_1407 = tpu.vector_load %arg17[%swap3A_1404, %swap3A_1405, %swap3A_1406] {strides = array<i32>} : memref<5x80x16xf32, #tpu.memory_space<vmem>>, vector<1x1x16xf32>,
          %swap3A_1408 = vector.shape_cast %swap3A_1407 : vector<1x1x16xf32> to vector<16xf32>
          %swap3A_1409 = vector.shape_cast %select_n3A_1402 : vector<16xf32> to vector<1x1x16xf32>
          tpu.vector_store %arg17[%swap3A_1404, %swap3A_1405, %swap3A_1406], %swap3A_1409 {strides = array<i32>} : memref<5x80x16xf32, #tpu.memory_space<vmem>>, vector<1x1x16xf32>,
          %slice3A_1410 = vector.extract_strided_slice %get3A_1233 {offsets = [11], sizes = [1], strides = [1]} : vector<16xi32> to vector<1xi32>
          %squeeze3A_1411 = vector.extract %slice3A_1410[0] : i32 from vector<1xi32>
          %eq3A_1412 = vector.broadcast %squeeze3A_1411 : i32 to vector<16xi32>
          %eq3A_1413 = arith.cmpi eq, %iota3A, %eq3A_1412 : vector<16xi32>
          %jit3A_1414 = arith.constant 1.000000e+00 : f32
          %jit3A_1415 = arith.constant 0.000000e+00 : f32
          %broadcast_in_dim3A_1416 = vector.broadcast %jit3A_1414 : f32 to vector<16xf32>
          %broadcast_in_dim3A_1417 = vector.broadcast %jit3A_1415 : f32 to vector<16xf32>
          %select_n3A_1418 = arith.select %eq3A_1413, %broadcast_in_dim3A_1416, %broadcast_in_dim3A_1417 : vector<16xi1>, vector<16xf32>
          %swap3A_1419 = arith.constant 75 : i32
          %swap3A_1420 = arith.index_cast %rem3A_143 : i32 to index
          %swap3A_1421 = arith.index_cast %swap3A_1419 : i32 to index
          %swap3A_1422 = arith.constant 0 : index
          %swap3A_1423 = tpu.vector_load %arg17[%swap3A_1420, %swap3A_1421, %swap3A_1422] {strides = array<i32>} : memref<5x80x16xf32, #tpu.memory_space<vmem>>, vector<1x1x16xf32>,
          %swap3A_1424 = vector.shape_cast %swap3A_1423 : vector<1x1x16xf32> to vector<16xf32>
          %swap3A_1425 = vector.shape_cast %select_n3A_1418 : vector<16xf32> to vector<1x1x16xf32>
          tpu.vector_store %arg17[%swap3A_1420, %swap3A_1421, %swap3A_1422], %swap3A_1425 {strides = array<i32>} : memref<5x80x16xf32, #tpu.memory_space<vmem>>, vector<1x1x16xf32>,
          %slice3A_1426 = vector.extract_strided_slice %get3A_1233 {offsets = [12], sizes = [1], strides = [1]} : vector<16xi32> to vector<1xi32>
          %squeeze3A_1427 = vector.extract %slice3A_1426[0] : i32 from vector<1xi32>
          %eq3A_1428 = vector.broadcast %squeeze3A_1427 : i32 to vector<16xi32>
          %eq3A_1429 = arith.cmpi eq, %iota3A, %eq3A_1428 : vector<16xi32>
          %jit3A_1430 = arith.constant 1.000000e+00 : f32
          %jit3A_1431 = arith.constant 0.000000e+00 : f32
          %broadcast_in_dim3A_1432 = vector.broadcast %jit3A_1430 : f32 to vector<16xf32>
          %broadcast_in_dim3A_1433 = vector.broadcast %jit3A_1431 : f32 to vector<16xf32>
          %select_n3A_1434 = arith.select %eq3A_1429, %broadcast_in_dim3A_1432, %broadcast_in_dim3A_1433 : vector<16xi1>, vector<16xf32>
          %swap3A_1435 = arith.constant 76 : i32
          %swap3A_1436 = arith.index_cast %rem3A_143 : i32 to index
          %swap3A_1437 = arith.index_cast %swap3A_1435 : i32 to index
          %swap3A_1438 = arith.constant 0 : index
          %swap3A_1439 = tpu.vector_load %arg17[%swap3A_1436, %swap3A_1437, %swap3A_1438] {strides = array<i32>} : memref<5x80x16xf32, #tpu.memory_space<vmem>>, vector<1x1x16xf32>,
          %swap3A_1440 = vector.shape_cast %swap3A_1439 : vector<1x1x16xf32> to vector<16xf32>
          %swap3A_1441 = vector.shape_cast %select_n3A_1434 : vector<16xf32> to vector<1x1x16xf32>
          tpu.vector_store %arg17[%swap3A_1436, %swap3A_1437, %swap3A_1438], %swap3A_1441 {strides = array<i32>} : memref<5x80x16xf32, #tpu.memory_space<vmem>>, vector<1x1x16xf32>,
          %slice3A_1442 = vector.extract_strided_slice %get3A_1233 {offsets = [13], sizes = [1], strides = [1]} : vector<16xi32> to vector<1xi32>
          %squeeze3A_1443 = vector.extract %slice3A_1442[0] : i32 from vector<1xi32>
          %eq3A_1444 = vector.broadcast %squeeze3A_1443 : i32 to vector<16xi32>
          %eq3A_1445 = arith.cmpi eq, %iota3A, %eq3A_1444 : vector<16xi32>
          %jit3A_1446 = arith.constant 1.000000e+00 : f32
          %jit3A_1447 = arith.constant 0.000000e+00 : f32
          %broadcast_in_dim3A_1448 = vector.broadcast %jit3A_1446 : f32 to vector<16xf32>
          %broadcast_in_dim3A_1449 = vector.broadcast %jit3A_1447 : f32 to vector<16xf32>
          %select_n3A_1450 = arith.select %eq3A_1445, %broadcast_in_dim3A_1448, %broadcast_in_dim3A_1449 : vector<16xi1>, vector<16xf32>
          %swap3A_1451 = arith.constant 77 : i32
          %swap3A_1452 = arith.index_cast %rem3A_143 : i32 to index
          %swap3A_1453 = arith.index_cast %swap3A_1451 : i32 to index
          %swap3A_1454 = arith.constant 0 : index
          %swap3A_1455 = tpu.vector_load %arg17[%swap3A_1452, %swap3A_1453, %swap3A_1454] {strides = array<i32>} : memref<5x80x16xf32, #tpu.memory_space<vmem>>, vector<1x1x16xf32>,
          %swap3A_1456 = vector.shape_cast %swap3A_1455 : vector<1x1x16xf32> to vector<16xf32>
          %swap3A_1457 = vector.shape_cast %select_n3A_1450 : vector<16xf32> to vector<1x1x16xf32>
          tpu.vector_store %arg17[%swap3A_1452, %swap3A_1453, %swap3A_1454], %swap3A_1457 {strides = array<i32>} : memref<5x80x16xf32, #tpu.memory_space<vmem>>, vector<1x1x16xf32>,
          %slice3A_1458 = vector.extract_strided_slice %get3A_1233 {offsets = [14], sizes = [1], strides = [1]} : vector<16xi32> to vector<1xi32>
          %squeeze3A_1459 = vector.extract %slice3A_1458[0] : i32 from vector<1xi32>
          %eq3A_1460 = vector.broadcast %squeeze3A_1459 : i32 to vector<16xi32>
          %eq3A_1461 = arith.cmpi eq, %iota3A, %eq3A_1460 : vector<16xi32>
          %jit3A_1462 = arith.constant 1.000000e+00 : f32
          %jit3A_1463 = arith.constant 0.000000e+00 : f32
          %broadcast_in_dim3A_1464 = vector.broadcast %jit3A_1462 : f32 to vector<16xf32>
          %broadcast_in_dim3A_1465 = vector.broadcast %jit3A_1463 : f32 to vector<16xf32>
          %select_n3A_1466 = arith.select %eq3A_1461, %broadcast_in_dim3A_1464, %broadcast_in_dim3A_1465 : vector<16xi1>, vector<16xf32>
          %swap3A_1467 = arith.constant 78 : i32
          %swap3A_1468 = arith.index_cast %rem3A_143 : i32 to index
          %swap3A_1469 = arith.index_cast %swap3A_1467 : i32 to index
          %swap3A_1470 = arith.constant 0 : index
          %swap3A_1471 = tpu.vector_load %arg17[%swap3A_1468, %swap3A_1469, %swap3A_1470] {strides = array<i32>} : memref<5x80x16xf32, #tpu.memory_space<vmem>>, vector<1x1x16xf32>,
          %swap3A_1472 = vector.shape_cast %swap3A_1471 : vector<1x1x16xf32> to vector<16xf32>
          %swap3A_1473 = vector.shape_cast %select_n3A_1466 : vector<16xf32> to vector<1x1x16xf32>
          tpu.vector_store %arg17[%swap3A_1468, %swap3A_1469, %swap3A_1470], %swap3A_1473 {strides = array<i32>} : memref<5x80x16xf32, #tpu.memory_space<vmem>>, vector<1x1x16xf32>,
          %slice3A_1474 = vector.extract_strided_slice %get3A_1233 {offsets = [15], sizes = [1], strides = [1]} : vector<16xi32> to vector<1xi32>
          %squeeze3A_1475 = vector.extract %slice3A_1474[0] : i32 from vector<1xi32>
          %eq3A_1476 = vector.broadcast %squeeze3A_1475 : i32 to vector<16xi32>
          %eq3A_1477 = arith.cmpi eq, %iota3A, %eq3A_1476 : vector<16xi32>
          %jit3A_1478 = arith.constant 1.000000e+00 : f32
          %jit3A_1479 = arith.constant 0.000000e+00 : f32
          %broadcast_in_dim3A_1480 = vector.broadcast %jit3A_1478 : f32 to vector<16xf32>
          %broadcast_in_dim3A_1481 = vector.broadcast %jit3A_1479 : f32 to vector<16xf32>
          %select_n3A_1482 = arith.select %eq3A_1477, %broadcast_in_dim3A_1480, %broadcast_in_dim3A_1481 : vector<16xi1>, vector<16xf32>
          %swap3A_1483 = arith.constant 79 : i32
          %swap3A_1484 = arith.index_cast %rem3A_143 : i32 to index
          %swap3A_1485 = arith.index_cast %swap3A_1483 : i32 to index
          %swap3A_1486 = arith.constant 0 : index
          %swap3A_1487 = tpu.vector_load %arg17[%swap3A_1484, %swap3A_1485, %swap3A_1486] {strides = array<i32>} : memref<5x80x16xf32, #tpu.memory_space<vmem>>, vector<1x1x16xf32>,
          %swap3A_1488 = vector.shape_cast %swap3A_1487 : vector<1x1x16xf32> to vector<16xf32>
          %swap3A_1489 = vector.shape_cast %select_n3A_1482 : vector<16xf32> to vector<1x1x16xf32>
          tpu.vector_store %arg17[%swap3A_1484, %swap3A_1485, %swap3A_1486], %swap3A_1489 {strides = array<i32>} : memref<5x80x16xf32, #tpu.memory_space<vmem>>, vector<1x1x16xf32>,
        } else {
        }
        %dma_wait3A_170 = arith.constant 0 : i32
        %dma_wait3A_171 = arith.constant 0 : i32
        %dma_wait3A_172 = tpu.memref_slice %arg16[%rem3A_143, %dma_wait3A_170, %dma_wait3A_171] : memref<5x80x64xf32, #tpu.memory_space<vmem>> -> memref<1x80x64xf32, #tpu.memory_space<vmem>>
        %dma_wait3A_173 = tpu.memref_squeeze %dma_wait3A_172 : memref<1x80x64xf32, #tpu.memory_space<vmem>> -> memref<80x64xf32, #tpu.memory_space<vmem>>
        %dma_wait3A_174 = arith.constant 0 : i32
        %dma_wait3A_175 = tpu.memref_slice %arg13[%scan3A_142, %dma_wait3A_174] : memref<125x80xi32, #tpu.memory_space<vmem>> -> memref<1x80xi32, #tpu.memory_space<vmem>>
        %dma_wait3A_176 = tpu.memref_squeeze %dma_wait3A_175 : memref<1x80xi32, #tpu.memory_space<vmem>> -> memref<80xi32, #tpu.memory_space<vmem>>
        %dma_wait3A_177 = arith.constant 0 : i32
        %dma_wait3A_178 = arith.constant 0 : i32
        %dma_wait3A_179 = tpu.memref_slice %arg2[%dma_wait3A_177, %dma_wait3A_178] : memref<20000x64xf32, #tpu.memory_space<hbm>> -> memref<20000x64xf32, #tpu.memory_space<hbm>>
        %dma_wait3A_180 = tpu.memref_slice %arg18[%rem3A_143] : memref<5x!tpu.dma_semaphore, #tpu.memory_space<semaphore_mem>> -> memref<1x!tpu.dma_semaphore, #tpu.memory_space<semaphore_mem>>
        %dma_wait3A_181 = tpu.memref_squeeze %dma_wait3A_180 : memref<1x!tpu.dma_semaphore, #tpu.memory_space<semaphore_mem>> -> memref<!tpu.dma_semaphore, #tpu.memory_space<semaphore_mem>>
        tpu.wait_indirect_dma semaphore(%dma_wait3A_181 : memref<!tpu.dma_semaphore, #tpu.memory_space<semaphore_mem>>) src(%dma_wait3A_179 : memref<20000x64xf32, #tpu.memory_space<hbm>>) dst(%dma_wait3A_173 : memref<80x64xf32, #tpu.memory_space<vmem>>)
        %dma_start3A_182 = arith.constant 0 : i32
        %dma_start3A_183 = arith.constant 0 : i32
        %dma_start3A_184 = tpu.memref_slice %arg16[%rem3A_143, %dma_start3A_182, %dma_start3A_183] : memref<5x80x64xf32, #tpu.memory_space<vmem>> -> memref<1x80x64xf32, #tpu.memory_space<vmem>>
        %dma_start3A_185 = tpu.memref_squeeze %dma_start3A_184 : memref<1x80x64xf32, #tpu.memory_space<vmem>> -> memref<80x64xf32, #tpu.memory_space<vmem>>
        %dma_start3A_186 = arith.constant 0 : i32
        %dma_start3A_187 = tpu.memref_slice %arg14[%scan3A_142, %dma_start3A_186] : memref<125x80xi32, #tpu.memory_space<vmem>> -> memref<1x80xi32, #tpu.memory_space<vmem>>
        %dma_start3A_188 = tpu.memref_squeeze %dma_start3A_187 : memref<1x80xi32, #tpu.memory_space<vmem>> -> memref<80xi32, #tpu.memory_space<vmem>>
        %dma_start3A_189 = arith.constant 0 : i32
        %dma_start3A_190 = arith.constant 0 : i32
        %dma_start3A_191 = tpu.memref_slice %arg11[%dma_start3A_189, %dma_start3A_190] : memref<10000x64xf32, #tpu.memory_space<vmem_shared>> -> memref<10000x64xf32, #tpu.memory_space<vmem_shared>>
        %dma_start3A_192 = tpu.memref_slice %arg19[%rem3A_143] : memref<5x!tpu.dma_semaphore, #tpu.memory_space<semaphore_mem>> -> memref<1x!tpu.dma_semaphore, #tpu.memory_space<semaphore_mem>>
        %dma_start3A_193 = tpu.memref_squeeze %dma_start3A_192 : memref<1x!tpu.dma_semaphore, #tpu.memory_space<semaphore_mem>> -> memref<!tpu.dma_semaphore, #tpu.memory_space<semaphore_mem>>
        tpu.enqueue_indirect_dma source(%dma_start3A_185 : memref<80x64xf32, #tpu.memory_space<vmem>>) target(%dma_start3A_191 : memref<10000x64xf32, #tpu.memory_space<vmem_shared>>) offsets(%dma_start3A_188 : memref<80xi32, #tpu.memory_space<vmem>>) semaphore(%dma_start3A_193 : memref<!tpu.dma_semaphore, #tpu.memory_space<semaphore_mem>>) {add = true}
        %convert_element_type3A_194 = arith.extui %eq3A_151 : i1 to i32
        %cond3A_195 = arith.constant 0 : i32
        %cond3A_196 = arith.cmpi ne, %convert_element_type3A_194, %cond3A_195 : i32
        scf.if %cond3A_196 {
          %dma_start3A_197 = arith.constant 0 : i32
          %dma_start3A_198 = arith.constant 0 : i32
          %dma_start3A_199 = tpu.memref_slice %arg17[%rem3A_143, %dma_start3A_197, %dma_start3A_198] : memref<5x80x16xf32, #tpu.memory_space<vmem>> -> memref<1x80x16xf32, #tpu.memory_space<vmem>>
          %dma_start3A_200 = tpu.memref_squeeze %dma_start3A_199 : memref<1x80x16xf32, #tpu.memory_space<vmem>> -> memref<80x16xf32, #tpu.memory_space<vmem>>
          %dma_start3A_201 = arith.constant 0 : i32
          %dma_start3A_202 = tpu.memref_slice %arg14[%scan3A_142, %dma_start3A_201] : memref<125x80xi32, #tpu.memory_space<vmem>> -> memref<1x80xi32, #tpu.memory_space<vmem>>
          %dma_start3A_203 = tpu.memref_squeeze %dma_start3A_202 : memref<1x80xi32, #tpu.memory_space<vmem>> -> memref<80xi32, #tpu.memory_space<vmem>>
          %dma_start3A_204 = arith.constant 0 : i32
          %dma_start3A_205 = arith.constant 0 : i32
          %dma_start3A_206 = tpu.memref_slice %arg12[%dma_start3A_204, %dma_start3A_205] : memref<10000x16xf32, #tpu.memory_space<vmem_shared>> -> memref<10000x16xf32, #tpu.memory_space<vmem_shared>>
          %dma_start3A_207 = tpu.memref_slice %arg19[%rem3A_143] : memref<5x!tpu.dma_semaphore, #tpu.memory_space<semaphore_mem>> -> memref<1x!tpu.dma_semaphore, #tpu.memory_space<semaphore_mem>>
          %dma_start3A_208 = tpu.memref_squeeze %dma_start3A_207 : memref<1x!tpu.dma_semaphore, #tpu.memory_space<semaphore_mem>> -> memref<!tpu.dma_semaphore, #tpu.memory_space<semaphore_mem>>
          tpu.enqueue_indirect_dma source(%dma_start3A_200 : memref<80x16xf32, #tpu.memory_space<vmem>>) target(%dma_start3A_206 : memref<10000x16xf32, #tpu.memory_space<vmem_shared>>) offsets(%dma_start3A_203 : memref<80xi32, #tpu.memory_space<vmem>>) semaphore(%dma_start3A_208 : memref<!tpu.dma_semaphore, #tpu.memory_space<semaphore_mem>>) {add = true}
        } else {
        }
      }
      %scan3A_141 = arith.constant 125 : i32
    }
    %scan3A_12 = arith.constant 2 : i32
    %dma_wait3A = arith.constant 1 : i32
    %dma_wait3A_13 = arith.constant 0 : i32
    %dma_wait3A_14 = arith.constant 1 : i32
    %dma_wait3A_15 = arith.constant 0 : i32
    %dma_wait3A_16 = arith.constant 0 : i32
    %dma_wait3A_17 = tpu.memref_slice %arg16[%dma_wait3A, %dma_wait3A_15, %dma_wait3A_16] : memref<5x80x64xf32, #tpu.memory_space<vmem>> -> memref<1x80x64xf32, #tpu.memory_space<vmem>>
    %dma_wait3A_18 = tpu.memref_squeeze %dma_wait3A_17 : memref<1x80x64xf32, #tpu.memory_space<vmem>> -> memref<80x64xf32, #tpu.memory_space<vmem>>
    %dma_wait3A_19 = arith.constant 0 : i32
    %dma_wait3A_20 = tpu.memref_slice %arg14[%dma_wait3A_13, %dma_wait3A_19] : memref<125x80xi32, #tpu.memory_space<vmem>> -> memref<1x80xi32, #tpu.memory_space<vmem>>
    %dma_wait3A_21 = tpu.memref_squeeze %dma_wait3A_20 : memref<1x80xi32, #tpu.memory_space<vmem>> -> memref<80xi32, #tpu.memory_space<vmem>>
    %dma_wait3A_22 = arith.constant 0 : i32
    %dma_wait3A_23 = arith.constant 0 : i32
    %dma_wait3A_24 = tpu.memref_slice %arg11[%dma_wait3A_22, %dma_wait3A_23] : memref<10000x64xf32, #tpu.memory_space<vmem_shared>> -> memref<10000x64xf32, #tpu.memory_space<vmem_shared>>
    %dma_wait3A_25 = tpu.memref_slice %arg19[%dma_wait3A_14] : memref<5x!tpu.dma_semaphore, #tpu.memory_space<semaphore_mem>> -> memref<1x!tpu.dma_semaphore, #tpu.memory_space<semaphore_mem>>
    %dma_wait3A_26 = tpu.memref_squeeze %dma_wait3A_25 : memref<1x!tpu.dma_semaphore, #tpu.memory_space<semaphore_mem>> -> memref<!tpu.dma_semaphore, #tpu.memory_space<semaphore_mem>>
    tpu.wait_indirect_dma semaphore(%dma_wait3A_26 : memref<!tpu.dma_semaphore, #tpu.memory_space<semaphore_mem>>) src(%dma_wait3A_18 : memref<80x64xf32, #tpu.memory_space<vmem>>) dst(%dma_wait3A_24 : memref<10000x64xf32, #tpu.memory_space<vmem_shared>>)
    %eq3A_27 = arith.constant 0 : i32
    %eq3A_28 = arith.cmpi eq, %arg0, %eq3A_27 : i32
    %convert_element_type3A_29 = arith.extui %eq3A_28 : i1 to i32
    %cond3A_30 = arith.constant 0 : i32
    %cond3A_31 = arith.cmpi ne, %convert_element_type3A_29, %cond3A_30 : i32
    scf.if %cond3A_31 {
      %dma_wait3A_103 = arith.constant 1 : i32
      %dma_wait3A_104 = arith.constant 0 : i32
      %dma_wait3A_105 = arith.constant 1 : i32
      %dma_wait3A_106 = arith.constant 0 : i32
      %dma_wait3A_107 = arith.constant 0 : i32
      %dma_wait3A_108 = tpu.memref_slice %arg17[%dma_wait3A_103, %dma_wait3A_106, %dma_wait3A_107] : memref<5x80x16xf32, #tpu.memory_space<vmem>> -> memref<1x80x16xf32, #tpu.memory_space<vmem>>
      %dma_wait3A_109 = tpu.memref_squeeze %dma_wait3A_108 : memref<1x80x16xf32, #tpu.memory_space<vmem>> -> memref<80x16xf32, #tpu.memory_space<vmem>>
      %dma_wait3A_110 = arith.constant 0 : i32
      %dma_wait3A_111 = tpu.memref_slice %arg14[%dma_wait3A_104, %dma_wait3A_110] : memref<125x80xi32, #tpu.memory_space<vmem>> -> memref<1x80xi32, #tpu.memory_space<vmem>>
      %dma_wait3A_112 = tpu.memref_squeeze %dma_wait3A_111 : memref<1x80xi32, #tpu.memory_space<vmem>> -> memref<80xi32, #tpu.memory_space<vmem>>
      %dma_wait3A_113 = arith.constant 0 : i32
      %dma_wait3A_114 = arith.constant 0 : i32
      %dma_wait3A_115 = tpu.memref_slice %arg12[%dma_wait3A_113, %dma_wait3A_114] : memref<10000x16xf32, #tpu.memory_space<vmem_shared>> -> memref<10000x16xf32, #tpu.memory_space<vmem_shared>>
      %dma_wait3A_116 = tpu.memref_slice %arg19[%dma_wait3A_105] : memref<5x!tpu.dma_semaphore, #tpu.memory_space<semaphore_mem>> -> memref<1x!tpu.dma_semaphore, #tpu.memory_space<semaphore_mem>>
      %dma_wait3A_117 = tpu.memref_squeeze %dma_wait3A_116 : memref<1x!tpu.dma_semaphore, #tpu.memory_space<semaphore_mem>> -> memref<!tpu.dma_semaphore, #tpu.memory_space<semaphore_mem>>
      tpu.wait_indirect_dma semaphore(%dma_wait3A_117 : memref<!tpu.dma_semaphore, #tpu.memory_space<semaphore_mem>>) src(%dma_wait3A_109 : memref<80x16xf32, #tpu.memory_space<vmem>>) dst(%dma_wait3A_115 : memref<10000x16xf32, #tpu.memory_space<vmem_shared>>)
    } else {
    }
    %dma_wait3A_32 = arith.constant 2 : i32
    %dma_wait3A_33 = arith.constant 0 : i32
    %dma_wait3A_34 = arith.constant 2 : i32
    %dma_wait3A_35 = arith.constant 0 : i32
    %dma_wait3A_36 = arith.constant 0 : i32
    %dma_wait3A_37 = tpu.memref_slice %arg16[%dma_wait3A_32, %dma_wait3A_35, %dma_wait3A_36] : memref<5x80x64xf32, #tpu.memory_space<vmem>> -> memref<1x80x64xf32, #tpu.memory_space<vmem>>
    %dma_wait3A_38 = tpu.memref_squeeze %dma_wait3A_37 : memref<1x80x64xf32, #tpu.memory_space<vmem>> -> memref<80x64xf32, #tpu.memory_space<vmem>>
    %dma_wait3A_39 = arith.constant 0 : i32
    %dma_wait3A_40 = tpu.memref_slice %arg14[%dma_wait3A_33, %dma_wait3A_39] : memref<125x80xi32, #tpu.memory_space<vmem>> -> memref<1x80xi32, #tpu.memory_space<vmem>>
    %dma_wait3A_41 = tpu.memref_squeeze %dma_wait3A_40 : memref<1x80xi32, #tpu.memory_space<vmem>> -> memref<80xi32, #tpu.memory_space<vmem>>
    %dma_wait3A_42 = arith.constant 0 : i32
    %dma_wait3A_43 = arith.constant 0 : i32
    %dma_wait3A_44 = tpu.memref_slice %arg11[%dma_wait3A_42, %dma_wait3A_43] : memref<10000x64xf32, #tpu.memory_space<vmem_shared>> -> memref<10000x64xf32, #tpu.memory_space<vmem_shared>>
    %dma_wait3A_45 = tpu.memref_slice %arg19[%dma_wait3A_34] : memref<5x!tpu.dma_semaphore, #tpu.memory_space<semaphore_mem>> -> memref<1x!tpu.dma_semaphore, #tpu.memory_space<semaphore_mem>>
    %dma_wait3A_46 = tpu.memref_squeeze %dma_wait3A_45 : memref<1x!tpu.dma_semaphore, #tpu.memory_space<semaphore_mem>> -> memref<!tpu.dma_semaphore, #tpu.memory_space<semaphore_mem>>
    tpu.wait_indirect_dma semaphore(%dma_wait3A_46 : memref<!tpu.dma_semaphore, #tpu.memory_space<semaphore_mem>>) src(%dma_wait3A_38 : memref<80x64xf32, #tpu.memory_space<vmem>>) dst(%dma_wait3A_44 : memref<10000x64xf32, #tpu.memory_space<vmem_shared>>)
    %eq3A_47 = arith.constant 1 : i32
    %eq3A_48 = arith.cmpi eq, %arg0, %eq3A_47 : i32
    %convert_element_type3A_49 = arith.extui %eq3A_48 : i1 to i32
    %cond3A_50 = arith.constant 0 : i32
    %cond3A_51 = arith.cmpi ne, %convert_element_type3A_49, %cond3A_50 : i32
    scf.if %cond3A_51 {
      %dma_wait3A_103 = arith.constant 2 : i32
      %dma_wait3A_104 = arith.constant 0 : i32
      %dma_wait3A_105 = arith.constant 2 : i32
      %dma_wait3A_106 = arith.constant 0 : i32
      %dma_wait3A_107 = arith.constant 0 : i32
      %dma_wait3A_108 = tpu.memref_slice %arg17[%dma_wait3A_103, %dma_wait3A_106, %dma_wait3A_107] : memref<5x80x16xf32, #tpu.memory_space<vmem>> -> memref<1x80x16xf32, #tpu.memory_space<vmem>>
      %dma_wait3A_109 = tpu.memref_squeeze %dma_wait3A_108 : memref<1x80x16xf32, #tpu.memory_space<vmem>> -> memref<80x16xf32, #tpu.memory_space<vmem>>
      %dma_wait3A_110 = arith.constant 0 : i32
      %dma_wait3A_111 = tpu.memref_slice %arg14[%dma_wait3A_104, %dma_wait3A_110] : memref<125x80xi32, #tpu.memory_space<vmem>> -> memref<1x80xi32, #tpu.memory_space<vmem>>
      %dma_wait3A_112 = tpu.memref_squeeze %dma_wait3A_111 : memref<1x80xi32, #tpu.memory_space<vmem>> -> memref<80xi32, #tpu.memory_space<vmem>>
      %dma_wait3A_113 = arith.constant 0 : i32
      %dma_wait3A_114 = arith.constant 0 : i32
      %dma_wait3A_115 = tpu.memref_slice %arg12[%dma_wait3A_113, %dma_wait3A_114] : memref<10000x16xf32, #tpu.memory_space<vmem_shared>> -> memref<10000x16xf32, #tpu.memory_space<vmem_shared>>
      %dma_wait3A_116 = tpu.memref_slice %arg19[%dma_wait3A_105] : memref<5x!tpu.dma_semaphore, #tpu.memory_space<semaphore_mem>> -> memref<1x!tpu.dma_semaphore, #tpu.memory_space<semaphore_mem>>
      %dma_wait3A_117 = tpu.memref_squeeze %dma_wait3A_116 : memref<1x!tpu.dma_semaphore, #tpu.memory_space<semaphore_mem>> -> memref<!tpu.dma_semaphore, #tpu.memory_space<semaphore_mem>>
      tpu.wait_indirect_dma semaphore(%dma_wait3A_117 : memref<!tpu.dma_semaphore, #tpu.memory_space<semaphore_mem>>) src(%dma_wait3A_109 : memref<80x16xf32, #tpu.memory_space<vmem>>) dst(%dma_wait3A_115 : memref<10000x16xf32, #tpu.memory_space<vmem_shared>>)
    } else {
    }
    %dma_wait3A_52 = arith.constant 3 : i32
    %dma_wait3A_53 = arith.constant 0 : i32
    %dma_wait3A_54 = arith.constant 3 : i32
    %dma_wait3A_55 = arith.constant 0 : i32
    %dma_wait3A_56 = arith.constant 0 : i32
    %dma_wait3A_57 = tpu.memref_slice %arg16[%dma_wait3A_52, %dma_wait3A_55, %dma_wait3A_56] : memref<5x80x64xf32, #tpu.memory_space<vmem>> -> memref<1x80x64xf32, #tpu.memory_space<vmem>>
    %dma_wait3A_58 = tpu.memref_squeeze %dma_wait3A_57 : memref<1x80x64xf32, #tpu.memory_space<vmem>> -> memref<80x64xf32, #tpu.memory_space<vmem>>
    %dma_wait3A_59 = arith.constant 0 : i32
    %dma_wait3A_60 = tpu.memref_slice %arg14[%dma_wait3A_53, %dma_wait3A_59] : memref<125x80xi32, #tpu.memory_space<vmem>> -> memref<1x80xi32, #tpu.memory_space<vmem>>
    %dma_wait3A_61 = tpu.memref_squeeze %dma_wait3A_60 : memref<1x80xi32, #tpu.memory_space<vmem>> -> memref<80xi32, #tpu.memory_space<vmem>>
    %dma_wait3A_62 = arith.constant 0 : i32
    %dma_wait3A_63 = arith.constant 0 : i32
    %dma_wait3A_64 = tpu.memref_slice %arg11[%dma_wait3A_62, %dma_wait3A_63] : memref<10000x64xf32, #tpu.memory_space<vmem_shared>> -> memref<10000x64xf32, #tpu.memory_space<vmem_shared>>
    %dma_wait3A_65 = tpu.memref_slice %arg19[%dma_wait3A_54] : memref<5x!tpu.dma_semaphore, #tpu.memory_space<semaphore_mem>> -> memref<1x!tpu.dma_semaphore, #tpu.memory_space<semaphore_mem>>
    %dma_wait3A_66 = tpu.memref_squeeze %dma_wait3A_65 : memref<1x!tpu.dma_semaphore, #tpu.memory_space<semaphore_mem>> -> memref<!tpu.dma_semaphore, #tpu.memory_space<semaphore_mem>>
    tpu.wait_indirect_dma semaphore(%dma_wait3A_66 : memref<!tpu.dma_semaphore, #tpu.memory_space<semaphore_mem>>) src(%dma_wait3A_58 : memref<80x64xf32, #tpu.memory_space<vmem>>) dst(%dma_wait3A_64 : memref<10000x64xf32, #tpu.memory_space<vmem_shared>>)
    %eq3A_67 = arith.constant 0 : i32
    %eq3A_68 = arith.cmpi eq, %arg0, %eq3A_67 : i32
    %convert_element_type3A_69 = arith.extui %eq3A_68 : i1 to i32
    %cond3A_70 = arith.constant 0 : i32
    %cond3A_71 = arith.cmpi ne, %convert_element_type3A_69, %cond3A_70 : i32
    scf.if %cond3A_71 {
      %dma_wait3A_103 = arith.constant 3 : i32
      %dma_wait3A_104 = arith.constant 0 : i32
      %dma_wait3A_105 = arith.constant 3 : i32
      %dma_wait3A_106 = arith.constant 0 : i32
      %dma_wait3A_107 = arith.constant 0 : i32
      %dma_wait3A_108 = tpu.memref_slice %arg17[%dma_wait3A_103, %dma_wait3A_106, %dma_wait3A_107] : memref<5x80x16xf32, #tpu.memory_space<vmem>> -> memref<1x80x16xf32, #tpu.memory_space<vmem>>
      %dma_wait3A_109 = tpu.memref_squeeze %dma_wait3A_108 : memref<1x80x16xf32, #tpu.memory_space<vmem>> -> memref<80x16xf32, #tpu.memory_space<vmem>>
      %dma_wait3A_110 = arith.constant 0 : i32
      %dma_wait3A_111 = tpu.memref_slice %arg14[%dma_wait3A_104, %dma_wait3A_110] : memref<125x80xi32, #tpu.memory_space<vmem>> -> memref<1x80xi32, #tpu.memory_space<vmem>>
      %dma_wait3A_112 = tpu.memref_squeeze %dma_wait3A_111 : memref<1x80xi32, #tpu.memory_space<vmem>> -> memref<80xi32, #tpu.memory_space<vmem>>
      %dma_wait3A_113 = arith.constant 0 : i32
      %dma_wait3A_114 = arith.constant 0 : i32
      %dma_wait3A_115 = tpu.memref_slice %arg12[%dma_wait3A_113, %dma_wait3A_114] : memref<10000x16xf32, #tpu.memory_space<vmem_shared>> -> memref<10000x16xf32, #tpu.memory_space<vmem_shared>>
      %dma_wait3A_116 = tpu.memref_slice %arg19[%dma_wait3A_105] : memref<5x!tpu.dma_semaphore, #tpu.memory_space<semaphore_mem>> -> memref<1x!tpu.dma_semaphore, #tpu.memory_space<semaphore_mem>>
      %dma_wait3A_117 = tpu.memref_squeeze %dma_wait3A_116 : memref<1x!tpu.dma_semaphore, #tpu.memory_space<semaphore_mem>> -> memref<!tpu.dma_semaphore, #tpu.memory_space<semaphore_mem>>
      tpu.wait_indirect_dma semaphore(%dma_wait3A_117 : memref<!tpu.dma_semaphore, #tpu.memory_space<semaphore_mem>>) src(%dma_wait3A_109 : memref<80x16xf32, #tpu.memory_space<vmem>>) dst(%dma_wait3A_115 : memref<10000x16xf32, #tpu.memory_space<vmem_shared>>)
    } else {
    }
    %dma_wait3A_72 = arith.constant 4 : i32
    %dma_wait3A_73 = arith.constant 0 : i32
    %dma_wait3A_74 = arith.constant 4 : i32
    %dma_wait3A_75 = arith.constant 0 : i32
    %dma_wait3A_76 = arith.constant 0 : i32
    %dma_wait3A_77 = tpu.memref_slice %arg16[%dma_wait3A_72, %dma_wait3A_75, %dma_wait3A_76] : memref<5x80x64xf32, #tpu.memory_space<vmem>> -> memref<1x80x64xf32, #tpu.memory_space<vmem>>
    %dma_wait3A_78 = tpu.memref_squeeze %dma_wait3A_77 : memref<1x80x64xf32, #tpu.memory_space<vmem>> -> memref<80x64xf32, #tpu.memory_space<vmem>>
    %dma_wait3A_79 = arith.constant 0 : i32
    %dma_wait3A_80 = tpu.memref_slice %arg14[%dma_wait3A_73, %dma_wait3A_79] : memref<125x80xi32, #tpu.memory_space<vmem>> -> memref<1x80xi32, #tpu.memory_space<vmem>>
    %dma_wait3A_81 = tpu.memref_squeeze %dma_wait3A_80 : memref<1x80xi32, #tpu.memory_space<vmem>> -> memref<80xi32, #tpu.memory_space<vmem>>
    %dma_wait3A_82 = arith.constant 0 : i32
    %dma_wait3A_83 = arith.constant 0 : i32
    %dma_wait3A_84 = tpu.memref_slice %arg11[%dma_wait3A_82, %dma_wait3A_83] : memref<10000x64xf32, #tpu.memory_space<vmem_shared>> -> memref<10000x64xf32, #tpu.memory_space<vmem_shared>>
    %dma_wait3A_85 = tpu.memref_slice %arg19[%dma_wait3A_74] : memref<5x!tpu.dma_semaphore, #tpu.memory_space<semaphore_mem>> -> memref<1x!tpu.dma_semaphore, #tpu.memory_space<semaphore_mem>>
    %dma_wait3A_86 = tpu.memref_squeeze %dma_wait3A_85 : memref<1x!tpu.dma_semaphore, #tpu.memory_space<semaphore_mem>> -> memref<!tpu.dma_semaphore, #tpu.memory_space<semaphore_mem>>
    tpu.wait_indirect_dma semaphore(%dma_wait3A_86 : memref<!tpu.dma_semaphore, #tpu.memory_space<semaphore_mem>>) src(%dma_wait3A_78 : memref<80x64xf32, #tpu.memory_space<vmem>>) dst(%dma_wait3A_84 : memref<10000x64xf32, #tpu.memory_space<vmem_shared>>)
    %eq3A_87 = arith.constant 1 : i32
    %eq3A_88 = arith.cmpi eq, %arg0, %eq3A_87 : i32
    %convert_element_type3A_89 = arith.extui %eq3A_88 : i1 to i32
    %cond3A_90 = arith.constant 0 : i32
    %cond3A_91 = arith.cmpi ne, %convert_element_type3A_89, %cond3A_90 : i32
    scf.if %cond3A_91 {
      %dma_wait3A_103 = arith.constant 4 : i32
      %dma_wait3A_104 = arith.constant 0 : i32
      %dma_wait3A_105 = arith.constant 4 : i32
      %dma_wait3A_106 = arith.constant 0 : i32
      %dma_wait3A_107 = arith.constant 0 : i32
      %dma_wait3A_108 = tpu.memref_slice %arg17[%dma_wait3A_103, %dma_wait3A_106, %dma_wait3A_107] : memref<5x80x16xf32, #tpu.memory_space<vmem>> -> memref<1x80x16xf32, #tpu.memory_space<vmem>>
      %dma_wait3A_109 = tpu.memref_squeeze %dma_wait3A_108 : memref<1x80x16xf32, #tpu.memory_space<vmem>> -> memref<80x16xf32, #tpu.memory_space<vmem>>
      %dma_wait3A_110 = arith.constant 0 : i32
      %dma_wait3A_111 = tpu.memref_slice %arg14[%dma_wait3A_104, %dma_wait3A_110] : memref<125x80xi32, #tpu.memory_space<vmem>> -> memref<1x80xi32, #tpu.memory_space<vmem>>
      %dma_wait3A_112 = tpu.memref_squeeze %dma_wait3A_111 : memref<1x80xi32, #tpu.memory_space<vmem>> -> memref<80xi32, #tpu.memory_space<vmem>>
      %dma_wait3A_113 = arith.constant 0 : i32
      %dma_wait3A_114 = arith.constant 0 : i32
      %dma_wait3A_115 = tpu.memref_slice %arg12[%dma_wait3A_113, %dma_wait3A_114] : memref<10000x16xf32, #tpu.memory_space<vmem_shared>> -> memref<10000x16xf32, #tpu.memory_space<vmem_shared>>
      %dma_wait3A_116 = tpu.memref_slice %arg19[%dma_wait3A_105] : memref<5x!tpu.dma_semaphore, #tpu.memory_space<semaphore_mem>> -> memref<1x!tpu.dma_semaphore, #tpu.memory_space<semaphore_mem>>
      %dma_wait3A_117 = tpu.memref_squeeze %dma_wait3A_116 : memref<1x!tpu.dma_semaphore, #tpu.memory_space<semaphore_mem>> -> memref<!tpu.dma_semaphore, #tpu.memory_space<semaphore_mem>>
      tpu.wait_indirect_dma semaphore(%dma_wait3A_117 : memref<!tpu.dma_semaphore, #tpu.memory_space<semaphore_mem>>) src(%dma_wait3A_109 : memref<80x16xf32, #tpu.memory_space<vmem>>) dst(%dma_wait3A_115 : memref<10000x16xf32, #tpu.memory_space<vmem_shared>>)
    } else {
    }
    %barrier3A_92 = arith.constant 0 : index
    tpu.barrier barrier_id(%barrier3A_92)
    "tpu.region"() ({
      %run_scoped3A = tpu.sem_alloc : memref<!tpu.dma_semaphore, #tpu.memory_space<semaphore_mem>>
      %dma_start3A = arith.constant 0 : i32
      %dma_start3A_103 = tpu.memref_slice %arg9[%arg0, %mul3A_0, %dma_start3A] : memref<2x10000x64xf32, #tpu.memory_space<hbm>> -> memref<1x624x64xf32, #tpu.memory_space<hbm>>
      %dma_start3A_104 = tpu.memref_squeeze %dma_start3A_103 : memref<1x624x64xf32, #tpu.memory_space<hbm>> -> memref<624x64xf32, #tpu.memory_space<hbm>>
      %dma_start3A_105 = arith.constant 0 : i32
      %dma_start3A_106 = tpu.memref_slice %arg11[%mul3A_0, %dma_start3A_105] : memref<10000x64xf32, #tpu.memory_space<vmem_shared>> -> memref<624x64xf32, #tpu.memory_space<vmem_shared>>
      tpu.enqueue_dma source(%dma_start3A_106 : memref<624x64xf32, #tpu.memory_space<vmem_shared>>) target(%dma_start3A_104 : memref<624x64xf32, #tpu.memory_space<hbm>>) target_semaphore(%run_scoped3A : memref<!tpu.dma_semaphore, #tpu.memory_space<semaphore_mem>>)
      %dma_wait3A_107 = arith.constant 0 : i32
      %dma_wait3A_108 = tpu.memref_slice %arg9[%arg0, %mul3A_0, %dma_wait3A_107] : memref<2x10000x64xf32, #tpu.memory_space<hbm>> -> memref<1x624x64xf32, #tpu.memory_space<hbm>>
      %dma_wait3A_109 = tpu.memref_squeeze %dma_wait3A_108 : memref<1x624x64xf32, #tpu.memory_space<hbm>> -> memref<624x64xf32, #tpu.memory_space<hbm>>
      %dma_wait3A_110 = arith.constant 0 : i32
      %dma_wait3A_111 = tpu.memref_slice %arg11[%mul3A_0, %dma_wait3A_110] : memref<10000x64xf32, #tpu.memory_space<vmem_shared>> -> memref<624x64xf32, #tpu.memory_space<vmem_shared>>
      tpu.wait_dma2 semaphore(%run_scoped3A : memref<!tpu.dma_semaphore, #tpu.memory_space<semaphore_mem>>) src(%dma_wait3A_111 : memref<624x64xf32, #tpu.memory_space<vmem_shared>>) dst(%dma_wait3A_109 : memref<624x64xf32, #tpu.memory_space<hbm>>)
      tpu.yield
    }) : () -> ()
    %eq3A_93 = arith.constant 0 : i32
    %eq3A_94 = arith.cmpi eq, %arg1, %eq3A_93 : i32
    %convert_element_type3A_95 = arith.extui %eq3A_94 : i1 to i32
    %cond3A_96 = arith.constant 0 : i32
    %cond3A_97 = arith.cmpi ne, %convert_element_type3A_95, %cond3A_96 : i32
    scf.if %cond3A_97 {
      "tpu.region"() ({
        %run_scoped3A = tpu.sem_alloc : memref<!tpu.dma_semaphore, #tpu.memory_space<semaphore_mem>>
        %dma_start3A = arith.constant 9984 : i32
        %dma_start3A_103 = arith.constant 0 : i32
        %dma_start3A_104 = tpu.memref_slice %arg9[%arg0, %dma_start3A, %dma_start3A_103] : memref<2x10000x64xf32, #tpu.memory_space<hbm>> -> memref<1x16x64xf32, #tpu.memory_space<hbm>>
        %dma_start3A_105 = tpu.memref_squeeze %dma_start3A_104 : memref<1x16x64xf32, #tpu.memory_space<hbm>> -> memref<16x64xf32, #tpu.memory_space<hbm>>
        %dma_start3A_106 = arith.constant 9984 : i32
        %dma_start3A_107 = arith.constant 0 : i32
        %dma_start3A_108 = tpu.memref_slice %arg11[%dma_start3A_106, %dma_start3A_107] : memref<10000x64xf32, #tpu.memory_space<vmem_shared>> -> memref<16x64xf32, #tpu.memory_space<vmem_shared>>
        tpu.enqueue_dma source(%dma_start3A_108 : memref<16x64xf32, #tpu.memory_space<vmem_shared>>) target(%dma_start3A_105 : memref<16x64xf32, #tpu.memory_space<hbm>>) target_semaphore(%run_scoped3A : memref<!tpu.dma_semaphore, #tpu.memory_space<semaphore_mem>>)
        %dma_wait3A_109 = arith.constant 9984 : i32
        %dma_wait3A_110 = arith.constant 0 : i32
        %dma_wait3A_111 = tpu.memref_slice %arg9[%arg0, %dma_wait3A_109, %dma_wait3A_110] : memref<2x10000x64xf32, #tpu.memory_space<hbm>> -> memref<1x16x64xf32, #tpu.memory_space<hbm>>
        %dma_wait3A_112 = tpu.memref_squeeze %dma_wait3A_111 : memref<1x16x64xf32, #tpu.memory_space<hbm>> -> memref<16x64xf32, #tpu.memory_space<hbm>>
        %dma_wait3A_113 = arith.constant 9984 : i32
        %dma_wait3A_114 = arith.constant 0 : i32
        %dma_wait3A_115 = tpu.memref_slice %arg11[%dma_wait3A_113, %dma_wait3A_114] : memref<10000x64xf32, #tpu.memory_space<vmem_shared>> -> memref<16x64xf32, #tpu.memory_space<vmem_shared>>
        tpu.wait_dma2 semaphore(%run_scoped3A : memref<!tpu.dma_semaphore, #tpu.memory_space<semaphore_mem>>) src(%dma_wait3A_115 : memref<16x64xf32, #tpu.memory_space<vmem_shared>>) dst(%dma_wait3A_112 : memref<16x64xf32, #tpu.memory_space<hbm>>)
        tpu.yield
      }) : () -> ()
    } else {
    }
    "tpu.region"() ({
      %run_scoped3A = tpu.sem_alloc : memref<!tpu.dma_semaphore, #tpu.memory_space<semaphore_mem>>
      %dma_start3A = arith.constant 0 : i32
      %dma_start3A_103 = tpu.memref_slice %arg10[%arg0, %mul3A_0, %dma_start3A] : memref<2x10000x16xf32, #tpu.memory_space<hbm>> -> memref<1x624x16xf32, #tpu.memory_space<hbm>>
      %dma_start3A_104 = tpu.memref_squeeze %dma_start3A_103 : memref<1x624x16xf32, #tpu.memory_space<hbm>> -> memref<624x16xf32, #tpu.memory_space<hbm>>
      %dma_start3A_105 = arith.constant 0 : i32
      %dma_start3A_106 = tpu.memref_slice %arg12[%mul3A_0, %dma_start3A_105] : memref<10000x16xf32, #tpu.memory_space<vmem_shared>> -> memref<624x16xf32, #tpu.memory_space<vmem_shared>>
      tpu.enqueue_dma source(%dma_start3A_106 : memref<624x16xf32, #tpu.memory_space<vmem_shared>>) target(%dma_start3A_104 : memref<624x16xf32, #tpu.memory_space<hbm>>) target_semaphore(%run_scoped3A : memref<!tpu.dma_semaphore, #tpu.memory_space<semaphore_mem>>)
      %dma_wait3A_107 = arith.constant 0 : i32
      %dma_wait3A_108 = tpu.memref_slice %arg10[%arg0, %mul3A_0, %dma_wait3A_107] : memref<2x10000x16xf32, #tpu.memory_space<hbm>> -> memref<1x624x16xf32, #tpu.memory_space<hbm>>
      %dma_wait3A_109 = tpu.memref_squeeze %dma_wait3A_108 : memref<1x624x16xf32, #tpu.memory_space<hbm>> -> memref<624x16xf32, #tpu.memory_space<hbm>>
      %dma_wait3A_110 = arith.constant 0 : i32
      %dma_wait3A_111 = tpu.memref_slice %arg12[%mul3A_0, %dma_wait3A_110] : memref<10000x16xf32, #tpu.memory_space<vmem_shared>> -> memref<624x16xf32, #tpu.memory_space<vmem_shared>>
      tpu.wait_dma2 semaphore(%run_scoped3A : memref<!tpu.dma_semaphore, #tpu.memory_space<semaphore_mem>>) src(%dma_wait3A_111 : memref<624x16xf32, #tpu.memory_space<vmem_shared>>) dst(%dma_wait3A_109 : memref<624x16xf32, #tpu.memory_space<hbm>>)
      tpu.yield
    }) : () -> ()
    %eq3A_98 = arith.constant 0 : i32
    %eq3A_99 = arith.cmpi eq, %arg1, %eq3A_98 : i32
    %convert_element_type3A_100 = arith.extui %eq3A_99 : i1 to i32
    %cond3A_101 = arith.constant 0 : i32
    %cond3A_102 = arith.cmpi ne, %convert_element_type3A_100, %cond3A_101 : i32
    scf.if %cond3A_102 {
      "tpu.region"() ({
        %run_scoped3A = tpu.sem_alloc : memref<!tpu.dma_semaphore, #tpu.memory_space<semaphore_mem>>
        %dma_start3A = arith.constant 9984 : i32
        %dma_start3A_103 = arith.constant 0 : i32
        %dma_start3A_104 = tpu.memref_slice %arg10[%arg0, %dma_start3A, %dma_start3A_103] : memref<2x10000x16xf32, #tpu.memory_space<hbm>> -> memref<1x16x16xf32, #tpu.memory_space<hbm>>
        %dma_start3A_105 = tpu.memref_squeeze %dma_start3A_104 : memref<1x16x16xf32, #tpu.memory_space<hbm>> -> memref<16x16xf32, #tpu.memory_space<hbm>>
        %dma_start3A_106 = arith.constant 9984 : i32
        %dma_start3A_107 = arith.constant 0 : i32
        %dma_start3A_108 = tpu.memref_slice %arg12[%dma_start3A_106, %dma_start3A_107] : memref<10000x16xf32, #tpu.memory_space<vmem_shared>> -> memref<16x16xf32, #tpu.memory_space<vmem_shared>>
        tpu.enqueue_dma source(%dma_start3A_108 : memref<16x16xf32, #tpu.memory_space<vmem_shared>>) target(%dma_start3A_105 : memref<16x16xf32, #tpu.memory_space<hbm>>) target_semaphore(%run_scoped3A : memref<!tpu.dma_semaphore, #tpu.memory_space<semaphore_mem>>)
        %dma_wait3A_109 = arith.constant 9984 : i32
        %dma_wait3A_110 = arith.constant 0 : i32
        %dma_wait3A_111 = tpu.memref_slice %arg10[%arg0, %dma_wait3A_109, %dma_wait3A_110] : memref<2x10000x16xf32, #tpu.memory_space<hbm>> -> memref<1x16x16xf32, #tpu.memory_space<hbm>>
        %dma_wait3A_112 = tpu.memref_squeeze %dma_wait3A_111 : memref<1x16x16xf32, #tpu.memory_space<hbm>> -> memref<16x16xf32, #tpu.memory_space<hbm>>
        %dma_wait3A_113 = arith.constant 9984 : i32
        %dma_wait3A_114 = arith.constant 0 : i32
        %dma_wait3A_115 = tpu.memref_slice %arg12[%dma_wait3A_113, %dma_wait3A_114] : memref<10000x16xf32, #tpu.memory_space<vmem_shared>> -> memref<16x16xf32, #tpu.memory_space<vmem_shared>>
        tpu.wait_dma2 semaphore(%run_scoped3A : memref<!tpu.dma_semaphore, #tpu.memory_space<semaphore_mem>>) src(%dma_wait3A_115 : memref<16x16xf32, #tpu.memory_space<vmem_shared>>) dst(%dma_wait3A_112 : memref<16x16xf32, #tpu.memory_space<hbm>>)
        tpu.yield
      }) : () -> ()
    } else {
    }
    return
  }
}

module attributes {stable_mosaic.version = 14 : i64} {
  func.func @body(%arg0: i32, %arg1: memref<1xi32, #tpu.memory_space<smem>>, %arg2: memref<2x1000x64xf32, #tpu.memory_space<vmem>>, %arg3: memref<2x1000x16xf32, #tpu.memory_space<vmem>>, %arg4: memref<1000x128xf32, #tpu.memory_space<vmem>>, %arg5: memref<128x128xf32, #tpu.memory_space<vmem>>, %arg6: memref<16x128xf32, #tpu.memory_space<vmem>>, %arg7: memref<1x128xf32, #tpu.memory_space<vmem>>, %arg8: memref<384x128xf32, #tpu.memory_space<vmem>>, %arg9: memref<384x128xf32, #tpu.memory_space<vmem>>, %arg10: memref<1x384xf32, #tpu.memory_space<vmem>>, %arg11: memref<1x384xf32, #tpu.memory_space<vmem>>, %arg12: memref<1000x128xf32, #tpu.memory_space<vmem>>) attributes {dimension_semantics = [#tpu.dimension_semantics<arbitrary>], iteration_bounds = array<i64: 10>, scalar_prefetch = 0 : i64, scratch_operands = 0 : i64, tpu.core_type = #tpu.core_type<tc>, window_params = [{transform_indices = @transform_0, window_bounds = array<i64: 1>}, {transform_indices = @transform_1, window_bounds = array<i64: 2, 1000, 64>}, {transform_indices = @transform_2, window_bounds = array<i64: 2, 1000, 16>}, {transform_indices = @transform_3, window_bounds = array<i64: 1000, 128>}, {pipeline_mode = #tpu.pipeline_mode<synchronous>, transform_indices = @transform_4, window_bounds = array<i64: 128, 128>}, {pipeline_mode = #tpu.pipeline_mode<synchronous>, transform_indices = @transform_5, window_bounds = array<i64: 16, 128>}, {pipeline_mode = #tpu.pipeline_mode<synchronous>, transform_indices = @transform_6, window_bounds = array<i64: 1, 128>}, {pipeline_mode = #tpu.pipeline_mode<synchronous>, transform_indices = @transform_7, window_bounds = array<i64: 384, 128>}, {pipeline_mode = #tpu.pipeline_mode<synchronous>, transform_indices = @transform_8, window_bounds = array<i64: 384, 128>}, {pipeline_mode = #tpu.pipeline_mode<synchronous>, transform_indices = @transform_9, window_bounds = array<i64: 1, 384>}, {pipeline_mode = #tpu.pipeline_mode<synchronous>, transform_indices = @transform_10, window_bounds = array<i64: 1, 384>}, {transform_indices = @transform_11, window_bounds = array<i64: 1000, 128>}]} {
    %get3A = arith.constant 0 : index
    %get3A_0 = arith.constant 0 : index
    %get3A_1 = vector.load %arg4[%get3A, %get3A_0] : memref<1000x128xf32, #tpu.memory_space<vmem>>, vector<1000x128xf32>
    %iota3A = tpu.iota {dimensions = array<i32: 0>} : vector<16x128xi32>
    %get3A_2 = arith.constant 0 : index
    %get3A_3 = arith.constant 0 : index
    %get3A_4 = vector.load %arg6[%get3A_2, %get3A_3] : memref<16x128xf32, #tpu.memory_space<vmem>>, vector<16x128xf32>
    %lt3A = arith.constant 9 : i32
    %lt3A_5 = vector.broadcast %lt3A : i32 to vector<16x128xi32>
    %lt3A_6 = arith.cmpi slt, %iota3A, %lt3A_5 : vector<16x128xi32>
    %get3A_7 = arith.constant 0 : index
    %get3A_8 = arith.constant 0 : index
    %get3A_9 = vector.load %arg7[%get3A_7, %get3A_8] : memref<1x128xf32, #tpu.memory_space<vmem>>, vector<1x128xf32>
    %jit3A = arith.constant 0.000000e+00 : f32
    %broadcast_in_dim3A = vector.shape_cast %get3A_9 : vector<1x128xf32> to vector<1x128xf32>
    %broadcast_in_dim3A_10 = vector.broadcast %broadcast_in_dim3A : vector<1x128xf32> to vector<16x128xf32>
    %broadcast_in_dim3A_11 = vector.broadcast %jit3A : f32 to vector<16x128xf32>
    %select_n3A = arith.select %lt3A_6, %broadcast_in_dim3A_10, %broadcast_in_dim3A_11 : vector<16x128xi1>, vector<16x128xf32>
    %add3A = arith.addf %get3A_4, %select_n3A : vector<16x128xf32>
    %get3A_12 = arith.constant 0 : index
    %get3A_13 = arith.constant 0 : index
    %get3A_14 = arith.constant 0 : index
    %get3A_15 = vector.load %arg2[%get3A_12, %get3A_13, %get3A_14] : memref<2x1000x64xf32, #tpu.memory_space<vmem>>, vector<1x1000x64xf32>
    %get3A_16 = vector.shape_cast %get3A_15 : vector<1x1000x64xf32> to vector<1000x64xf32>
    %get3A_17 = arith.constant 0 : index
    %get3A_18 = arith.constant 0 : index
    %get3A_19 = vector.load %arg5[%get3A_17, %get3A_18] : memref<128x128xf32, #tpu.memory_space<vmem>>, vector<128x64xf32>
    %dot_general3A = arith.constant dense<0.000000e+00> : vector<1000x128xf32>
    %dot_general3A_20 = tpu.matmul %get3A_16, %get3A_19, %dot_general3A {dimension_numbers = #tpu.dot_dimension_numbers<[1], [1], [0], [0], [0, 0, 1, 0], [], []>, transpose_lhs_hint = false} : vector<1000x64xf32>, vector<128x64xf32>, vector<1000x128xf32> -> vector<1000x128xf32>
    %get3A_21 = arith.constant 1 : index
    %get3A_22 = arith.constant 0 : index
    %get3A_23 = arith.constant 0 : index
    %get3A_24 = vector.load %arg2[%get3A_21, %get3A_22, %get3A_23] : memref<2x1000x64xf32, #tpu.memory_space<vmem>>, vector<1x1000x64xf32>
    %get3A_25 = vector.shape_cast %get3A_24 : vector<1x1000x64xf32> to vector<1000x64xf32>
    %get3A_26 = arith.constant 0 : index
    %get3A_27 = arith.constant 64 : index
    %get3A_28 = vector.load %arg5[%get3A_26, %get3A_27] : memref<128x128xf32, #tpu.memory_space<vmem>>, vector<128x64xf32>
    %dot_general3A_29 = arith.constant dense<0.000000e+00> : vector<1000x128xf32>
    %dot_general3A_30 = tpu.matmul %get3A_25, %get3A_28, %dot_general3A_29 {dimension_numbers = #tpu.dot_dimension_numbers<[1], [1], [0], [0], [0, 0, 1, 0], [], []>, transpose_lhs_hint = false} : vector<1000x64xf32>, vector<128x64xf32>, vector<1000x128xf32> -> vector<1000x128xf32>
    %add3A_31 = arith.addf %dot_general3A_20, %dot_general3A_30 : vector<1000x128xf32>
    %get3A_32 = arith.constant 0 : index
    %get3A_33 = arith.constant 0 : index
    %get3A_34 = arith.constant 0 : index
    %get3A_35 = vector.load %arg3[%get3A_32, %get3A_33, %get3A_34] : memref<2x1000x16xf32, #tpu.memory_space<vmem>>, vector<1x1000x16xf32>
    %get3A_36 = vector.shape_cast %get3A_35 : vector<1x1000x16xf32> to vector<1000x16xf32>
    %get3A_37 = arith.constant 1 : index
    %get3A_38 = arith.constant 0 : index
    %get3A_39 = arith.constant 0 : index
    %get3A_40 = vector.load %arg3[%get3A_37, %get3A_38, %get3A_39] : memref<2x1000x16xf32, #tpu.memory_space<vmem>>, vector<1x1000x16xf32>
    %get3A_41 = vector.shape_cast %get3A_40 : vector<1x1000x16xf32> to vector<1000x16xf32>
    %add3A_42 = arith.addf %get3A_36, %get3A_41 : vector<1000x16xf32>
    %dot_general3A_43 = arith.constant dense<0.000000e+00> : vector<1000x128xf32>
    %dot_general3A_44 = tpu.matmul %add3A_42, %add3A, %dot_general3A_43 {dimension_numbers = #tpu.dot_dimension_numbers<[1], [0], [0], [1], [0, 0, 1, 1], [], []>, transpose_lhs_hint = false} : vector<1000x16xf32>, vector<16x128xf32>, vector<1000x128xf32> -> vector<1000x128xf32>
    %add3A_45 = arith.addf %add3A_31, %dot_general3A_44 : vector<1000x128xf32>
    %get3A_46 = arith.constant 0 : index
    %get3A_47 = arith.constant 0 : index
    %get3A_48 = vector.load %arg8[%get3A_46, %get3A_47] : memref<384x128xf32, #tpu.memory_space<vmem>>, vector<384x128xf32>
    %dot_general3A_49 = arith.constant dense<0.000000e+00> : vector<1000x384xf32>
    %dot_general3A_50 = tpu.matmul %add3A_45, %get3A_48, %dot_general3A_49 {dimension_numbers = #tpu.dot_dimension_numbers<[1], [1], [0], [0], [0, 0, 1, 0], [], []>, transpose_lhs_hint = false} : vector<1000x128xf32>, vector<384x128xf32>, vector<1000x384xf32> -> vector<1000x384xf32>
    %get3A_51 = arith.constant 0 : index
    %get3A_52 = arith.constant 0 : index
    %get3A_53 = vector.load %arg10[%get3A_51, %get3A_52] : memref<1x384xf32, #tpu.memory_space<vmem>>, vector<1x384xf32>
    %add3A_54 = vector.broadcast %get3A_53 : vector<1x384xf32> to vector<1000x384xf32>
    %add3A_55 = arith.addf %dot_general3A_50, %add3A_54 : vector<1000x384xf32>
    %get3A_56 = arith.constant 0 : index
    %get3A_57 = arith.constant 0 : index
    %get3A_58 = vector.load %arg9[%get3A_56, %get3A_57] : memref<384x128xf32, #tpu.memory_space<vmem>>, vector<384x128xf32>
    %dot_general3A_59 = arith.constant dense<0.000000e+00> : vector<1000x384xf32>
    %dot_general3A_60 = tpu.matmul %get3A_1, %get3A_58, %dot_general3A_59 {dimension_numbers = #tpu.dot_dimension_numbers<[1], [1], [0], [0], [0, 0, 1, 0], [], []>, transpose_lhs_hint = false} : vector<1000x128xf32>, vector<384x128xf32>, vector<1000x384xf32> -> vector<1000x384xf32>
    %get3A_61 = arith.constant 0 : index
    %get3A_62 = arith.constant 0 : index
    %get3A_63 = vector.load %arg11[%get3A_61, %get3A_62] : memref<1x384xf32, #tpu.memory_space<vmem>>, vector<1x384xf32>
    %add3A_64 = vector.broadcast %get3A_63 : vector<1x384xf32> to vector<1000x384xf32>
    %add3A_65 = arith.addf %dot_general3A_60, %add3A_64 : vector<1000x384xf32>
    %slice3A = vector.extract_strided_slice %add3A_55 {offsets = [0, 0], sizes = [1000, 128], strides = [1, 1]} : vector<1000x384xf32> to vector<1000x128xf32>
    %slice3A_66 = vector.extract_strided_slice %add3A_65 {offsets = [0, 0], sizes = [1000, 128], strides = [1, 1]} : vector<1000x384xf32> to vector<1000x128xf32>
    %add3A_67 = arith.addf %slice3A, %slice3A_66 : vector<1000x128xf32>
    %logistic3A = arith.negf %add3A_67 : vector<1000x128xf32>
    %logistic3A_68 = math.exp %logistic3A : vector<1000x128xf32>
    %logistic3A_69 = arith.constant 1.000000e+00 : f32
    %logistic3A_70 = vector.broadcast %logistic3A_69 : f32 to vector<1000x128xf32>
    %logistic3A_71 = arith.addf %logistic3A_70, %logistic3A_68 : vector<1000x128xf32>
    %logistic3A_72 = arith.divf %logistic3A_70, %logistic3A_71 : vector<1000x128xf32>
    %slice3A_73 = vector.extract_strided_slice %add3A_55 {offsets = [0, 128], sizes = [1000, 128], strides = [1, 1]} : vector<1000x384xf32> to vector<1000x128xf32>
    %slice3A_74 = vector.extract_strided_slice %add3A_65 {offsets = [0, 128], sizes = [1000, 128], strides = [1, 1]} : vector<1000x384xf32> to vector<1000x128xf32>
    %add3A_75 = arith.addf %slice3A_73, %slice3A_74 : vector<1000x128xf32>
    %logistic3A_76 = arith.negf %add3A_75 : vector<1000x128xf32>
    %logistic3A_77 = math.exp %logistic3A_76 : vector<1000x128xf32>
    %logistic3A_78 = arith.constant 1.000000e+00 : f32
    %logistic3A_79 = vector.broadcast %logistic3A_78 : f32 to vector<1000x128xf32>
    %logistic3A_80 = arith.addf %logistic3A_79, %logistic3A_77 : vector<1000x128xf32>
    %logistic3A_81 = arith.divf %logistic3A_79, %logistic3A_80 : vector<1000x128xf32>
    %slice3A_82 = vector.extract_strided_slice %add3A_55 {offsets = [0, 256], sizes = [1000, 128], strides = [1, 1]} : vector<1000x384xf32> to vector<1000x128xf32>
    %slice3A_83 = vector.extract_strided_slice %add3A_65 {offsets = [0, 256], sizes = [1000, 128], strides = [1, 1]} : vector<1000x384xf32> to vector<1000x128xf32>
    %mul3A = arith.mulf %logistic3A_72, %slice3A_83 : vector<1000x128xf32>
    %add3A_84 = arith.addf %slice3A_82, %mul3A : vector<1000x128xf32>
    %tanh3A = math.tanh %add3A_84 : vector<1000x128xf32>
    %sub3A = arith.constant 1.000000e+00 : f32
    %sub3A_85 = vector.broadcast %sub3A : f32 to vector<1000x128xf32>
    %sub3A_86 = arith.subf %sub3A_85, %logistic3A_81 : vector<1000x128xf32>
    %mul3A_87 = arith.mulf %sub3A_86, %tanh3A : vector<1000x128xf32>
    %mul3A_88 = arith.mulf %logistic3A_81, %get3A_1 : vector<1000x128xf32>
    %add3A_89 = arith.addf %mul3A_87, %mul3A_88 : vector<1000x128xf32>
    %mul3A_90 = arith.constant 1000 : i32
    %mul3A_91 = arith.muli %arg0, %mul3A_90 : i32
    %iota3A_92 = tpu.iota {dimensions = array<i32: 0>} : vector<1000x128xi32>
    %add3A_93 = vector.broadcast %mul3A_91 : i32 to vector<1000x128xi32>
    %add3A_94 = arith.addi %add3A_93, %iota3A_92 : vector<1000x128xi32>
    %get3A_95 = arith.constant 0 : index
    %get3A_96 = memref.load %arg1[%get3A_95] : memref<1xi32, #tpu.memory_space<smem>>
    %lt3A_97 = vector.broadcast %get3A_96 : i32 to vector<1000x128xi32>
    %lt3A_98 = arith.cmpi slt, %add3A_94, %lt3A_97 : vector<1000x128xi32>
    %jit3A_99 = arith.constant 0.000000e+00 : f32
    %broadcast_in_dim3A_100 = vector.broadcast %jit3A_99 : f32 to vector<1000x128xf32>
    %select_n3A_101 = arith.select %lt3A_98, %add3A_89, %broadcast_in_dim3A_100 : vector<1000x128xi1>, vector<1000x128xf32>
    %swap3A = arith.constant 0 : index
    %swap3A_102 = arith.constant 0 : index
    %swap3A_103 = vector.load %arg12[%swap3A, %swap3A_102] : memref<1000x128xf32, #tpu.memory_space<vmem>>, vector<1000x128xf32>
    tpu.vector_store %arg12[%swap3A, %swap3A_102], %select_n3A_101 {strides = array<i32>} : memref<1000x128xf32, #tpu.memory_space<vmem>>, vector<1000x128xf32>,
    return
  }
  func.func @transform_0(%arg0: i32) -> i32 {
    %c0_i32 = arith.constant 0 : i32
    %c0_i32_0 = arith.constant 0 : i32
    return %c0_i32 : i32
  }
  func.func @transform_1(%arg0: i32) -> (i32, i32, i32) {
    %c0_i32 = arith.constant 0 : i32
    %c0_i32_0 = arith.constant 0 : i32
    %c0_i32_1 = arith.constant 0 : i32
    return %c0_i32, %arg0, %c0_i32_0 : i32, i32, i32
  }
  func.func @transform_2(%arg0: i32) -> (i32, i32, i32) {
    %c0_i32 = arith.constant 0 : i32
    %c0_i32_0 = arith.constant 0 : i32
    %c0_i32_1 = arith.constant 0 : i32
    return %c0_i32, %arg0, %c0_i32_0 : i32, i32, i32
  }
  func.func @transform_3(%arg0: i32) -> (i32, i32) {
    %c0_i32 = arith.constant 0 : i32
    %c0_i32_0 = arith.constant 0 : i32
    return %arg0, %c0_i32 : i32, i32
  }
  func.func @transform_4(%arg0: i32) -> (i32, i32) {
    %c0_i32 = arith.constant 0 : i32
    %c0_i32_0 = arith.constant 0 : i32
    %c0_i32_1 = arith.constant 0 : i32
    return %c0_i32, %c0_i32_0 : i32, i32
  }
  func.func @transform_5(%arg0: i32) -> (i32, i32) {
    %c0_i32 = arith.constant 0 : i32
    %c0_i32_0 = arith.constant 0 : i32
    %c0_i32_1 = arith.constant 0 : i32
    return %c0_i32, %c0_i32_0 : i32, i32
  }
  func.func @transform_6(%arg0: i32) -> (i32, i32) {
    %c0_i32 = arith.constant 0 : i32
    %c0_i32_0 = arith.constant 0 : i32
    %c0_i32_1 = arith.constant 0 : i32
    return %c0_i32, %c0_i32_0 : i32, i32
  }
  func.func @transform_7(%arg0: i32) -> (i32, i32) {
    %c0_i32 = arith.constant 0 : i32
    %c0_i32_0 = arith.constant 0 : i32
    %c0_i32_1 = arith.constant 0 : i32
    return %c0_i32, %c0_i32_0 : i32, i32
  }
  func.func @transform_8(%arg0: i32) -> (i32, i32) {
    %c0_i32 = arith.constant 0 : i32
    %c0_i32_0 = arith.constant 0 : i32
    %c0_i32_1 = arith.constant 0 : i32
    return %c0_i32, %c0_i32_0 : i32, i32
  }
  func.func @transform_9(%arg0: i32) -> (i32, i32) {
    %c0_i32 = arith.constant 0 : i32
    %c0_i32_0 = arith.constant 0 : i32
    %c0_i32_1 = arith.constant 0 : i32
    return %c0_i32, %c0_i32_0 : i32, i32
  }
  func.func @transform_10(%arg0: i32) -> (i32, i32) {
    %c0_i32 = arith.constant 0 : i32
    %c0_i32_0 = arith.constant 0 : i32
    %c0_i32_1 = arith.constant 0 : i32
    return %c0_i32, %c0_i32_0 : i32, i32
  }
  func.func @transform_11(%arg0: i32) -> (i32, i32) {
    %c0_i32 = arith.constant 0 : i32
    %c0_i32_0 = arith.constant 0 : i32
    return %arg0, %c0_i32 : i32, i32
  }
}

</mosaic_0001>

<sc_bundles>
// kernel: kernel.4.cloned.1.call-start
scs
__scs_entry_jumppad:
0x0: {  	(pc) =	sbr.rel $0x88, $3  }
0x1: {  	(tag) =	ssettag $0x0;
	lr =	simm.s32 $0x1  }
0x2: {  	[smem:$0x3F96] =	sst lr;
	_ =	strace $0xD0000000  }
0x3: {  	_ = 	snop  }
0x4: {  	_ = 	snop  }
0x5: {  	_ = 	snop  }
0x6: {  	_ = 	snop  }
0x7: {  	_ = 	snop  }
__scs_overlays_trampoline_lowered:
0x8: {  	[smem:$0x3FA5] =	sst s0  }
0x9: {  	[smem:$0x3FA6] =	sst s1  }
0xa: {  	[smem:$0x3FA7] =	sst s2  }
0xb: {  	[smem:$0x3FA8] =	sst s3  }
0xc: {  	[smem:$0x3FA9] =	sst s4  }
0xd: {  	[smem:$0x3FAA] =	sst s5  }
0xe: {  	[smem:$0x3FAB] =	sst s6  }
0xf: {  	[smem:$0x3FAC] =	sst s7  }
0x10: {  	[smem:$0x3FAD] =	sst s8  }
0x11: {  	[smem:$0x3FAE] =	sst s9;
	s0 =	simm.s32 @!p0 $0x0  }
0x12: {  	s1 =	sld [smem:$0x3F94];
	s0 =	simm.s32 @p0 $0x1  }
0x13: {  	[smem:$0x3FAF] =	sst s0;
	s0 =	simm.s32 @!p1 $0x0  }
0x14: {  	s2 =	sld [smem:$0x3F93];
	s0 =	simm.s32 @p1 $0x1  }
0x15: {  	[smem:$0x3FB0] =	sst s0;
	s0 =	simm.s32 @!p2 $0x0  }
0x16: {  	s3 =	sld [smem:$0x3FDB];
	s0 =	simm.s32 @p2 $0x1  }
0x17: {  	s4 =	simm.s32 $0x1BF5;
	[smem:$0x3FB2] =	sst s0  }
0x18: {  	s0 =	sld [smem:$0x3F95];
	_ =	swait.ge [sflag:s4], $0x0  }
0x19: {  	s7 =	sld [smem:$0x3F96]  }
0x1a: {  	s8 =	sadd.s32 $0xFFFFE003, lr  }
0x1b: {  	s9 =	sadd.s32 $0xFFFFFEF7, lr;
	s5 =	simm.s32 $0xFFFFFFFF;
	p2 =	slt.u32 s8, $0xFFFFF086  }
0x1c: {  	p1 =	slt.u32 s9, $0xF7A;
	s5 =	simm.s32 @!p2 $0x0  }
0x1d: {  	s5 =	simm.s32 @p1 $0x1;
	p0 =	seq.s32 s7, s2  }
0x1e: {  	s7 =	smul.u32 @!p0 $0xF7A, s2;
	p2 =	seq.s32 @!p0 s5, $0x0  }
0x1f: {  	s9 =	smul.u32 $0xF7A, s1;
	s8 =	simm.s32 @!p0 $0x1BF5;
	p2 =	por !p2, p0  }
0x20: {  	[sflag:s8] =	ssyncset.s32 @!p0 $0xFFFFF086;
	s6 =	sadd.s32 @!p0 s3, s7;
	s7 =	simm.s32 @!p0 $0x108  }
0x21: {  	s3 =	sadd.s32 s3, s9;
	s6 =	sadd.s32 @!p0 $0x88, s6;
	s7 =	simm.s32 @p2 $0x1082  }
0x22: {  	[simem:s7], [sflag:s8] =	dma.local @!p0 [hbm:s6], $0xF7A  }
0x23: {  	s9 =	sor.u32 $0xD0000000, s2;
	s6 =	simm.s32 $0x108;
	_ =	swait.ge @!p0 [sflag:s8], $0x0  }
0x24: {  	s3 =	sadd.s32 $0x88, s3;
	s6 =	simm.s32 @!p1 $0x1082;
	[sflag:s4] =	ssyncset.s32 $0xFFFFF086  }
0x25: {  	[simem:s6], [sflag:s4] =	dma.local [hbm:s3], $0xF7A  }
0x26: {  	[smem:$0x3F96] =	sst s1;
	(tag) =	ssettag s2;
	_ =	strace s9  }
0x27: {  	s1 =	sld [smem:$0x3FA6]  }
0x28: {  	s2 =	sld [smem:$0x3FA7]  }
0x29: {  	s4 =	sld [smem:$0x3FA9]  }
0x2a: {  	p0 =	seq.s32 s5, $0x0;
	s5 =	sld [smem:$0x3FAA]  }
0x2b: {  	s6 =	sld [smem:$0x3FAB]  }
0x2c: {  	s7 =	sld [smem:$0x3FAC]  }
0x2d: {  	s3 =	simm.s32 $0x108;
	s8 =	sld [smem:$0x3FAD]  }
0x2e: {  	s3 =	simm.s32 @!p0 $0x1082;
	s9 =	sld [smem:$0x3FAE]  }
0x2f: {  	lr =	sadd.s32 s0, s3;
	s0 =	sld [smem:$0x3FA5]  }
0x30: {  	s3 =	sld [smem:$0x3FA8]  }
0x31: {  	[smem:$0x3FB1] =	sst s10  }
0x32: {  	s10 =	sld [smem:$0x3FAF];
	_ =	sdelay $0x3  }
0x33: {  	p0 =	seq.s32 s10, $0x1;
	s10 =	sld [smem:$0x3FB1];
	_ =	sdelay $0x3  }
0x34: {  	[smem:$0x3FB1] =	sst s10  }
0x35: {  	s10 =	sld [smem:$0x3FB0];
	_ =	sdelay $0x3  }
0x36: {  	p1 =	seq.s32 s10, $0x1;
	s10 =	sld [smem:$0x3FB1];
	_ =	sdelay $0x3  }
0x37: {  	[smem:$0x3FB1] =	sst s10  }
0x38: {  	s10 =	sld [smem:$0x3FB2]  }
0x39: {  	_ = 	snop;
	(pc) =	sbr.ind lr, $3  }
0x3a: {  	_ = 	snop  }
0x3b: {  	_ = 	snop  }
0x3c: {  	p2 =	seq.s32 s10, $0x1;
	s10 =	sld [smem:$0x3FB1]  }
0x3d: {  	_ =	shalt  }
0x3e: {  	_ =	shalt  }
0x3f: {  	_ =	shalt  }
0x40: {  	_ =	shalt  }
0x41: {  	_ =	shalt  }
0x42: {  	_ =	shalt  }
0x43: {  	_ =	shalt  }
0x44: {  	_ =	shalt  }
0x45: {  	_ =	shalt  }
0x46: {  	_ =	shalt  }
0x47: {  	_ =	shalt  }
0x48: {  	_ =	shalt  }
0x49: {  	_ =	shalt  }
0x4a: {  	_ =	shalt  }
0x4b: {  	_ =	shalt  }
0x4c: {  	_ =	shalt  }
0x4d: {  	_ =	shalt  }
0x4e: {  	_ =	shalt  }
0x4f: {  	_ =	shalt  }
0x50: {  	_ =	shalt  }
0x51: {  	_ =	shalt  }
0x52: {  	_ =	shalt  }
0x53: {  	_ =	shalt  }
0x54: {  	_ =	shalt  }
0x55: {  	_ =	shalt  }
0x56: {  	_ =	shalt  }
0x57: {  	_ =	shalt  }
0x58: {  	_ =	shalt  }
0x59: {  	_ =	shalt  }
0x5a: {  	_ =	shalt  }
0x5b: {  	_ =	shalt  }
0x5c: {  	_ =	shalt  }
0x5d: {  	_ =	shalt  }
0x5e: {  	_ =	shalt  }
0x5f: {  	_ =	shalt  }
0x60: {  	_ =	shalt  }
0x61: {  	_ =	shalt  }
0x62: {  	_ =	shalt  }
0x63: {  	_ =	shalt  }
0x64: {  	_ =	shalt  }
0x65: {  	_ =	shalt  }
0x66: {  	_ =	shalt  }
0x67: {  	_ =	shalt  }
0x68: {  	_ =	shalt  }
0x69: {  	_ =	shalt  }
0x6a: {  	_ =	shalt  }
0x6b: {  	_ =	shalt  }
0x6c: {  	_ =	shalt  }
0x6d: {  	_ =	shalt  }
0x6e: {  	_ =	shalt  }
0x6f: {  	_ =	shalt  }
0x70: {  	_ =	shalt  }
0x71: {  	_ =	shalt  }
0x72: {  	_ =	shalt  }
0x73: {  	_ =	shalt  }
0x74: {  	_ =	shalt  }
0x75: {  	_ =	shalt  }
0x76: {  	_ =	shalt  }
0x77: {  	_ =	shalt  }
0x78: {  	_ =	shalt  }
0x79: {  	_ =	shalt  }
0x7a: {  	_ =	shalt  }
0x7b: {  	_ =	shalt  }
0x7c: {  	_ =	shalt  }
0x7d: {  	_ =	shalt  }
0x7e: {  	_ =	shalt  }
0x7f: {  	_ =	shalt  }
0x80: {  	_ =	shalt  }
0x81: {  	_ =	shalt  }
0x82: {  	_ =	shalt  }
0x83: {  	_ =	shalt  }
0x84: {  	_ =	shalt  }
0x85: {  	_ =	shalt  }
0x86: {  	_ =	shalt  }
0x87: {  	_ =	shalt  }
.Lfunc_end0:
.L_simem_size_0:
called_computation_lowered:
.L_overlay_start_0:
0x88: {  	s2 =	sld [smem:$0x3FD9]  }
0x89: {  	s3 =	sld [smem:$0x3FFE];
	_ =	sdelay $0x1  }
0x8a: {  	s1 =	srdreg.scid  }
0x8b: {  	s0 =	sand.u32 $0x1, s1  }
0x8c: {  	s17 =	sshll.u32 s0, $0xA;
	s2 =	sadd.s32 s3, s2  }
0x8d: {  	s2 =	sadd.s32 s2, s17  }
0x8e: {  	[smem:$0x3FBD] =	sst s2  }
0x8f: {  	_ = 	snop  }
0x90: {  	s2 =	sld [smem:$0x3FC9]  }
0x91: {  	s18 =	sld [smem:$0x3FD0];
	(tm) =	ssettm $0x1  }
0x92: {  	s4 =	sld [smem:$0x3FFB];
	_ =	sdelay $0x3  }
0x93: {  	_ =	strace s4  }
0x94: {  	s4 =	sld [smem:$0x3FFC];
	_ =	sdelay $0x3  }
0x95: {  	_ =	strace s4  }
0x96: {  	s4 =	sld [smem:$0x3FFD];
	_ =	sdelay $0x3  }
0x97: {  	_ =	strace s4  }
0x98: {  	_ =	strace $0x8FFFFFFF  }
0x99: {  	s19 =	sld [smem:$0x3FDB];
	_ =	sdelay $0x1  }
0x9a: {  	s5 =	simm.s32 $_scs_section_size  }
0x9b: {  	s6 =	simm.s32 $_size__tile_overlayer_lowered;
	s7 =	simm.s32 $_tile_overlayer_lowered  }
0x9c: {  	s22 =	simm.s32 $0x1BFF;
	s21 =	sshll.u32 s7, $0x1;
	s4 =	sadd.s32 s5, s19  }
0x9d: {  	s8 =	simm.s32 $0x0;
	s20 =	sshll.u32 s6, $0x1;
	s6 =	sadd.s32 s21, s4  }
0x9e: {  	[timem:s8], [sflag:s22] =	dma.local [hbm:s6], s20  }
0x9f: {  	_ =	swait.ge [sflag:s22], s20  }
0xa0: {  	s5 =	ssub.s32 $0x0, s20;
	[sflag:s22] =	ssyncset.done $0x0  }
0xa1: {  	[sflag:s22] =	ssyncadd.s32 s5;
	_ =	sdelay $0x1  }
0xa2: {  	s23 =	simm.s32 $0x1B8B  }
0xa3: {  	_ =	swait.ge [sflag:s23], $0x1  }
0xa4: {  	[sflag:s23] =	ssyncset.done $0x0  }
0xa5: {  	s25 =	simm.s32 $0x1B8E;
	s24 =	sld [smem:$0x3FFE];
	[sflag:s23] =	ssyncadd.s32 $0xFFFFFFFF  }
0xa6: {  	s26 =	simm.s32 $execute0_lowered;
	[smem:$0x3FD2] =	sst s25  }
0xa7: {  	s6 =	sshll.u32 s26, $0x1;
	_ =	strace $0x80000046;
	[dreg:$0x1] =	wrdreg $0xFFFFFFFF  }
0xa8: {  	s28 =	simm.s32 $_size_execute0_lowered;
	s4 =	sadd.s32 s4, s6;
	[dreg:$0x0] =	wrdreg $0x0  }
0xa9: {  	s6 =	sshll.u32 s28, $0x1;
	[dreg:$0x2] =	wrdreg s4  }
0xaa: {  	[dreg:$0x3] =	wrdreg s6  }
0xab: {  	[dreg:$0x4] =	wrdreg $0xC0  }
0xac: {  	_ =	task [dreg:s8], $0x5FFFF  }
0xad: {  	[dreg:$0x1] =	wrdreg $0xFFFFFFFF  }
0xae: {  	[dreg:$0x0] =	wrdreg $0x60  }
0xaf: {  	[dreg:$0x2] =	wrdreg s2  }
0xb0: {  	[dreg:$0x3] =	wrdreg s24  }
0xb1: {  	[dreg:$0x4] =	wrdreg s18  }
0xb2: {  	[dreg:$0x5] =	wrdreg $0x0  }
0xb3: {  	[dreg:$0x6] =	wrdreg $0x9C400  }
0xb4: {  	[dreg:$0x7] =	wrdreg $0x9  }
0xb5: {  	_ =	task.clear_ibuf [dreg:s8], $0x8FFFF;
	_ =	strace $0x90000046  }
0xb6: {  	s29 =	simm.s32 $0x9;
	_ =	strace $0x80000048  }
0xb7: {  	_ =	swait.ge [sflag:s29], $0x1  }
0xb8: {  	[sflag:s29] =	ssyncadd.s32 $0xFFFFFFFF  }
0xb9: {  	_ =	strace $0x90000048  }
0xba: {  	_ =	sfence  }
0xbb: {  	s30 =	sld [smem:$0x0];
	_ =	sdelay $0x2  }
0xbc: {  	s31 =	sshll.u32 s1, $0xD;
	s1 =	sshrl.u32 s1, $0x2  }
0xbd: {  	s3 =	sand.u32 $0x4000, s31;
	s1 =	sadd.s32 s1, s30  }
0xbe: {  	s0 =	sor.u32 s3, s0;
	s1 =	sshll.u32 s1, $0x11  }
0xbf: {  	s0 =	sor.u32 s1, s0  }
0xc0: {  	s0 =	sadd.s32 $0x8F2B, s0  }
0xc1: {  	[sflag:s0] =	ssyncadd.remote.s32 $0x1  }
0xc2: {  	_ =	sfence.sel $0xFFFF  }
0xc3: {  	[dreg:$0x0] =	wrdreg $0xFFFFFFFF;
	(pc) =	sbr.abs _section_cstart, $3  }
0xc4: {  	[dreg:$0x1] =	wrdreg $0xFFFFFFFF  }
0xc5: {  	_ =	task.clear_ibuf [dreg:s8], $0x2FFFF;
	_ =	strace $0x9FFFFFFF  }
0xc6: {  	(tm) =	ssettm $0x7FFFFFFF  }
0xc7: {  	_ =	shalt  }
tec
execute0_lowered:
.L_overlay_start_1:
0x0: {  	(tag) =	ssettag $0x1  }
0x1: {  	s1 =	rddreg [dreg:$0x0]  }
0x2: {  	s0 =	rddreg [dreg:$0x1]  }
0x3: {  	s8 =	rddreg [dreg:$0x2]  }
0x4: {  	s2 =	rddreg [dreg:$0x3]  }
0x5: {  	s3 =	rddreg [dreg:$0x4];
	s4 =	simm.s32 $0x0;
	s9 =	stileid.u32  }
0x6: {  	s6 =	srdreg.scid;
	s28 =	simm.s32 $0xEA60;
	s29 =	simm.s32 $0x11170  }
0x7: {  	s30 =	simm.s32 $0x50;
	s31 =	simm.s32 $0x13880;
	s11 =	smul.u32 $0x9C00, s9  }
0x8: {  	[smem:$0x7FF] =	sst s4;
	s5 =	sadd.s32 $0xBA00, s0;
	s12 =	smul.u32 $0x2700, s9  }
0x9: {  	s6 =	sand.u32 $0x1, s6;
	s7 =	sadd.s32 $0x1C00, s0;
	s16 =	sadd.s32 $0x41E00, s0  }
0xa: {  	s24 =	sshll.u32 s9, $0x6;
	s25 =	sadd.s32 $0x9C000, s2;
	s17 =	sadd.s32 $0x41C00, s0  }
0xb: {  	s20 =	sadd.s32 $0x27000, s3;
	_ =	strace $0x80000047;
	[dreg:$0x8] =	wrdreg s25  }
0xc: {  	s21 =	sadd.s32 $0x2E200, s0;
	s26 =	smul.u32 $0x9C400, s6;
	[dreg:$0x9] =	wrdreg s17  }
0xd: {  	s13 =	ssub.s32 $0x2, s6;
	s19 =	smul.u32 $0x27100, s6;
	[dreg:$0xc] =	wrdreg s20  }
0xe: {  	[dreg:$0xd] =	wrdreg s21;
	p0 =	seq.s32 s6, $0x1;
	s20 =	smul.u32 $0xFA, s9  }
0xf: {  	s10 =	sshrl.u32 s11, $0x3;
	s14 =	sshrl.u32 s12, $0x3;
	s15 =	sshrl.u32 s13, $0x1  }
0x10: {  	s23 =	sadd.s32 s11, s2;
	s18 =	sadd.s32 s12, s3;
	s10 =	sadd.s32 s10, s0  }
0x11: {  	s14 =	sadd.s32 s14, s0;
	s13 =	ssub.s32 s13, s15;
	[dreg:$0x6] =	wrdreg s23  }
0x12: {  	[dreg:$0xa] =	wrdreg s18;
	s11 =	sadd.s32 s11, s26;
	s12 =	sadd.s32 s12, s19  }
0x13: {  	s23 =	sshrl.u32 s26, $0x3;
	s10 =	sadd.s32 $0x2E400, s10;
	s14 =	sadd.s32 $0x29400, s14  }
0x14: {  	s11 =	sshrl.u32 s11, $0x3;
	s22 =	sshrl.u32 s12, $0x3;
	[dreg:$0x7] =	wrdreg s10  }
0x15: {  	s26 =	smax.u32 s13, $0x1;
	s10 =	sor.u32 $0x1C0B, s24;
	[dreg:$0xb] =	wrdreg s14  }
0x16: {  	s11 =	sadd.s32 s8, s11;
	s24 =	sshrl.u32 s19, $0x3;
	[dreg:$0x13] =	wrdreg s26  }
0x17: {  	s8 =	sadd.s32 s8, s23;
	[dreg:$0xe] =	wrdreg s11;
	s11 =	sadd.s32 s16, s22  }
.Ltmp0:
0x18: {  	s8 =	sadd.s32 $0x13800, s8;
	[dreg:$0xf] =	wrdreg s11;
	(pc) =	sbr.rel .LBB2_1-.Ltmp0, $4  }
0x19: {  	p1 =	sne.s32 s6, $0x0;
	s12 =	sadd.s32 s16, s24;
	[dreg:$0x11] =	wrdreg s8  }
0x1a: {  	s11 =	simm.s32 $0x1F600;
	[dreg:$0x10] =	wrdreg s12;
	s25 =	sadd.s32 $0x4E00, s12  }
0x1b: {  	s26 =	simm.s32 $0xC350;
	s11 =	simm.s32 @!p0 $0x15800;
	[dreg:$0x12] =	wrdreg s25  }
0x1c: {  	v0 =	vlaneseq.u32;
	v1 =	vimm.f32 $0.0e+00;
	p0 =	sne.s32 s9, $0x0;
	s25 =	simm.s32 $0xB;
	s22 =	sadd.s32 s11, s0  }
.LBB2_8:
0x1d: {  	s0 =	simm.s32 $0x7  }
0x1e: {  	_ =	swait.ge [sflag:s0], $0x1400  }
0x1f: {  	[sflag:s0] =	ssyncset.done $0x0  }
0x20: {  	[sflag:s0] =	ssyncadd.s32 $0xFFFFEC00;
	s0 =	simm.s32 @p1 $0x8  }
0x21: {  	_ =	swait.ge @p1 [sflag:s0], $0x1400  }
0x22: {  	[sflag:s0] =	ssyncset.done @p1 $0x0  }
0x23: {  	[sflag:s0] =	ssyncadd.s32 @p1 $0xFFFFEC00  }
0x24: {  	_ =	swait.ge @p1 [sflag:s0], $0x500  }
0x25: {  	[sflag:s0] =	ssyncset.done @p1 $0x0  }
0x26: {  	[sflag:s0] =	ssyncadd.s32 @p1 $0xFFFFFB00;
	s0 =	simm.s32 @p1 $0x9  }
0x27: {  	_ =	swait.ge @p1 [sflag:s0], $0x1400  }
0x28: {  	[sflag:s0] =	ssyncset.done @p1 $0x0  }
0x29: {  	[sflag:s0] =	ssyncadd.s32 @p1 $0xFFFFEC00;
	s0 =	simm.s32 @p1 $0xA  }
0x2a: {  	_ =	swait.ge @p1 [sflag:s0], $0x1400  }
0x2b: {  	[sflag:s0] =	ssyncset.done @p1 $0x0  }
0x2c: {  	[sflag:s0] =	ssyncadd.s32 @p1 $0xFFFFEC00  }
0x2d: {  	_ =	swait.ge @p1 [sflag:s0], $0x500  }
0x2e: {  	[sflag:s0] =	ssyncset.done @p1 $0x0  }
0x2f: {  	[sflag:s0] =	ssyncadd.s32 @p1 $0xFFFFFB00;
	s0 =	simm.s32 @!p1 $0x7  }
0x30: {  	_ =	swait.ge @!p1 [sflag:s0], $0x500  }
0x31: {  	[sflag:s0] =	ssyncset.done @!p1 $0x0  }
0x32: {  	[sflag:s0] =	ssyncadd.s32 @!p1 $0xFFFFFB00;
	s0 =	simm.s32 @!p1 $0x8  }
0x33: {  	_ =	swait.ge @!p1 [sflag:s0], $0x1400  }
0x34: {  	[sflag:s0] =	ssyncset.done @!p1 $0x0  }
0x35: {  	[sflag:s0] =	ssyncadd.s32 @!p1 $0xFFFFEC00;
	s0 =	simm.s32 @!p1 $0x9  }
0x36: {  	_ =	swait.ge @!p1 [sflag:s0], $0x1400  }
0x37: {  	[sflag:s0] =	ssyncset.done @!p1 $0x0  }
0x38: {  	[sflag:s0] =	ssyncadd.s32 @!p1 $0xFFFFEC00  }
0x39: {  	_ =	swait.ge @!p1 [sflag:s0], $0x500  }
0x3a: {  	[sflag:s0] =	ssyncset.done @!p1 $0x0  }
0x3b: {  	[sflag:s0] =	ssyncadd.s32 @!p1 $0xFFFFFB00;
	s0 =	simm.s32 @!p1 $0xA  }
0x3c: {  	_ =	swait.ge @!p1 [sflag:s0], $0x1400  }
0x3d: {  	[sflag:s0] =	ssyncset.done @!p1 $0x0  }
0x3e: {  	[sflag:s0] =	ssyncadd.s32 @!p1 $0xFFFFEC00  }
0x3f: {  	[bflag:$0x0] =	sbarrier.arrive $0xFFFF  }
0x40: {  	s23 =	rddreg [dreg:$0xe]  }
0x41: {  	s8 =	rddreg [dreg:$0x14]  }
0x42: {  	[hbm:s23], [sflag:s10] =	dma.local [spmem:s8], $0x1380  }
0x43: {  	_ =	swait.ge [sflag:s25], $0x1380  }
0x44: {  	[sflag:s25] =	ssyncset.done $0x0;
	s0 =	rddreg [dreg:$0xf]  }
0x45: {  	s8 =	rddreg [dreg:$0x15];
	[sflag:s25] =	ssyncadd.s32 $0xFFFFEC80  }
0x46: {  	[hbm:s0], [sflag:s10] =	dma.local @p0 [spmem:s8], $0x4E0  }
0x47: {  	s0 =	simm.s32 @p0 $0xB  }
0x48: {  	_ =	swait.ge @p0 [sflag:s0], $0x4E0  }
0x49: {  	[sflag:s0] =	ssyncset.done @p0 $0x0  }
0x4a: {  	[sflag:s0] =	ssyncadd.s32 @p0 $0xFFFFFB20;
	s0 =	rddreg [dreg:$0x11]  }
0x4b: {  	[hbm:s0], [sflag:s10] =	dma.local @!p0 [spmem:s11], $0x80  }
0x4c: {  	s0 =	simm.s32 @!p0 $0xB  }
0x4d: {  	_ =	swait.ge @!p0 [sflag:s0], $0x80  }
0x4e: {  	[sflag:s0] =	ssyncset.done @!p0 $0x0  }
0x4f: {  	s8 =	rddreg [dreg:$0x10];
	[sflag:s0] =	ssyncadd.s32 @!p0 $0xFFFFFF80  }
0x50: {  	[hbm:s8], [sflag:s10] =	dma.local @!p0 [spmem:s12], $0x4E0  }
0x51: {  	_ =	swait.ge @!p0 [sflag:s0], $0x4E0  }
0x52: {  	[sflag:s0] =	ssyncset.done @!p0 $0x0  }
0x53: {  	s8 =	rddreg [dreg:$0x12];
	[sflag:s0] =	ssyncadd.s32 @!p0 $0xFFFFFB20  }
0x54: {  	[hbm:s8], [sflag:s10] =	dma.local @!p0 [spmem:s15], $0x20  }
0x55: {  	_ =	swait.ge @!p0 [sflag:s0], $0x20  }
0x56: {  	s4 =	sadd.s32 $0x1, s4;
	s24 =	rddreg [dreg:$0x13]  }
0x57: {  	p2 =	sne.s32 s4, s24  }
.Ltmp1:
0x58: {  	_ = 	snop;
	(pc) =	sbr.rel @!p2 .LBB2_9-.Ltmp1, $3  }
0x59: {  	_ =	sdelay $0x1  }
0x5a: {  	[sflag:s0] =	ssyncset.done @!p0 $0x0  }
0x5b: {  	[sflag:s0] =	ssyncadd.s32 @!p0 $0xFFFFFFE0  }
.LBB2_1:
0x5c: {  	s0 =	rddreg [dreg:$0x6]  }
0x5d: {  	s24 =	rddreg [dreg:$0x7];
	s8 =	sshrl.u32 s0, $0x3  }
0x5e: {  	[dreg:$0x14] =	wrdreg s8  }
0x5f: {  	[spmem:s8], [sflag:s10] =	dma.local [hbm:s24], $0x1380  }
0x60: {  	_ =	swait.ge [sflag:s25], $0x1380  }
0x61: {  	s8 =	rddreg [dreg:$0xa]  }
0x62: {  	[sflag:s25] =	ssyncset.done $0x0;
	s9 =	rddreg [dreg:$0xb];
	s0 =	sshrl.u32 @p0 s8, $0x3  }
0x63: {  	[sflag:s25] =	ssyncadd.s32 $0xFFFFEC80;
	[dreg:$0x15] =	wrdreg s0  }
0x64: {  	[spmem:s0], [sflag:s10] =	dma.local @p0 [hbm:s9], $0x4E0  }
0x65: {  	s0 =	simm.s32 @p0 $0xB  }
0x66: {  	_ =	swait.ge @p0 [sflag:s0], $0x4E0  }
0x67: {  	[sflag:s0] =	ssyncset.done @p0 $0x0  }
0x68: {  	[sflag:s0] =	ssyncadd.s32 @p0 $0xFFFFFB20;
	s0 =	rddreg [dreg:$0x8]  }
0x69: {  	s11 =	sshrl.u32 @!p0 s0, $0x3;
	s0 =	rddreg [dreg:$0x9]  }
0x6a: {  	[spmem:s11], [sflag:s10] =	dma.local @!p0 [hbm:s0], $0x80  }
0x6b: {  	s0 =	simm.s32 @!p0 $0xB  }
0x6c: {  	_ =	swait.ge @!p0 [sflag:s0], $0x80  }
0x6d: {  	[sflag:s0] =	ssyncset.done @!p0 $0x0  }
0x6e: {  	s12 =	sshrl.u32 @!p0 s8, $0x3;
	[sflag:s0] =	ssyncadd.s32 @!p0 $0xFFFFFF80  }
0x6f: {  	[spmem:s12], [sflag:s10] =	dma.local @!p0 [hbm:s9], $0x4E0  }
0x70: {  	_ =	swait.ge @!p0 [sflag:s0], $0x4E0  }
0x71: {  	[sflag:s0] =	ssyncset.done @!p0 $0x0;
	s8 =	rddreg [dreg:$0xc]  }
0x72: {  	[sflag:s0] =	ssyncadd.s32 @!p0 $0xFFFFFB20;
	s15 =	sshrl.u32 @!p0 s8, $0x3;
	s8 =	rddreg [dreg:$0xd]  }
0x73: {  	[spmem:s15], [sflag:s10] =	dma.local @!p0 [hbm:s8], $0x20  }
.Ltmp2:
0x74: {  	_ =	swait.ge @!p0 [sflag:s0], $0x20;
	(pc) =	sbr.rel .LBB2_2-.Ltmp2, $4  }
0x75: {  	[sflag:s0] =	ssyncset.done @!p0 $0x0  }
0x76: {  	[sflag:s0] =	ssyncadd.s32 @!p0 $0xFFFFFFE0  }
0x77: {  	[bflag:$0x0] =	sbarrier.arrive $0xFFFF  }
0x78: {  	p3 =	por $0x1, $0x1;
	p4 =	por $0x0, $0x0;
	s16 =	simm.s32 $0x0  }
.LBB2_7:
.Ltmp3:
0x79: {  	(pc) =	sbr.rel @!p2 .LBB2_8-.Ltmp3, $2  }
0x7a: {  	_ =	sdelay $0x2  }
0x7b: {  	s16 =	simm.s32 $0x1;
	p3 =	por $0x0, $0x0;
	p4 =	por $0x1, $0x1  }
.LBB2_2:
0x7c: {  	s0 =	simm.s32 @p4 $0x7  }
0x7d: {  	p2 =	seq.s32 @p4 s6, $0x0;
	_ =	swait.ge @p4 [sflag:s0], $0x1400  }
0x7e: {  	p5 =	por !p2, !p4;
	[sflag:s0] =	ssyncset.done @p4 $0x0  }
0x7f: {  	[sflag:s0] =	ssyncadd.s32 @p4 $0xFFFFEC00;
	s0 =	simm.s32 @!p5 $0x8  }
0x80: {  	_ =	swait.ge @!p5 [sflag:s0], $0x1400  }
0x81: {  	[sflag:s0] =	ssyncset.done @!p5 $0x0  }
0x82: {  	[sflag:s0] =	ssyncadd.s32 @!p5 $0xFFFFEC00  }
0x83: {  	_ =	swait.ge @!p5 [sflag:s0], $0x500  }
0x84: {  	[sflag:s0] =	ssyncset.done @!p5 $0x0  }
0x85: {  	[sflag:s0] =	ssyncadd.s32 @!p5 $0xFFFFFB00;
	s0 =	simm.s32 @!p5 $0x9  }
0x86: {  	_ =	swait.ge @!p5 [sflag:s0], $0x1400  }
0x87: {  	[sflag:s0] =	ssyncset.done @!p5 $0x0  }
0x88: {  	[sflag:s0] =	ssyncadd.s32 @!p5 $0xFFFFEC00;
	s0 =	simm.s32 @!p5 $0xA  }
0x89: {  	_ =	swait.ge @!p5 [sflag:s0], $0x1400  }
0x8a: {  	[sflag:s0] =	ssyncset.done @!p5 $0x0  }
0x8b: {  	[sflag:s0] =	ssyncadd.s32 @!p5 $0xFFFFEC00  }
0x8c: {  	_ =	swait.ge @!p5 [sflag:s0], $0x500  }
0x8d: {  	p2 =	por p2, !p4;
	[sflag:s0] =	ssyncset.done @!p5 $0x0  }
0x8e: {  	[sflag:s0] =	ssyncadd.s32 @!p5 $0xFFFFFB00;
	s0 =	simm.s32 @!p2 $0x7  }
0x8f: {  	_ =	swait.ge @!p2 [sflag:s0], $0x500  }
0x90: {  	[sflag:s0] =	ssyncset.done @!p2 $0x0  }
0x91: {  	[sflag:s0] =	ssyncadd.s32 @!p2 $0xFFFFFB00;
	s0 =	simm.s32 @!p2 $0x8  }
0x92: {  	_ =	swait.ge @!p2 [sflag:s0], $0x1400  }
0x93: {  	[sflag:s0] =	ssyncset.done @!p2 $0x0  }
0x94: {  	[sflag:s0] =	ssyncadd.s32 @!p2 $0xFFFFEC00;
	s0 =	simm.s32 @!p2 $0x9  }
0x95: {  	_ =	swait.ge @!p2 [sflag:s0], $0x1400  }
0x96: {  	[sflag:s0] =	ssyncset.done @!p2 $0x0  }
0x97: {  	[sflag:s0] =	ssyncadd.s32 @!p2 $0xFFFFEC00  }
0x98: {  	s13 =	smul.u32 $0x7D, s16;
	_ =	swait.ge @!p2 [sflag:s0], $0x500  }
0x99: {  	[sflag:s0] =	ssyncset.done @!p2 $0x0  }
0x9a: {  	s13 =	sadd.s32 s20, s13;
	[sflag:s0] =	ssyncadd.s32 @!p2 $0xFFFFFB00;
	s0 =	simm.s32 @!p2 $0xA  }
0x9b: {  	s13 =	smul.u32 $0xA, s13;
	_ =	swait.ge @!p2 [sflag:s0], $0x1400  }
0x9c: {  	[sflag:s0] =	ssyncset.done @!p2 $0x0  }
0x9d: {  	s17 =	simm.s32 $0x0;
	s21 =	sadd.s32 s22, s13;
	[sflag:s0] =	ssyncadd.s32 @!p2 $0xFFFFEC00  }
0x9e: {  	[tilespmem:s26], [sflag:$0xB] =	stream.linear.gather [hbm4b:s21+s17], $0x2710, $0x38;
	[tilespmem:$0x1B580] =	vst v63  }
0x9f: {  	_ =	swait.ge [sflag:s25], $0x2710  }
0xa0: {  	[sflag:s25] =	ssyncset.done $0x0  }
0xa1: {  	s23 =	sadd.s32 s5, s13;
	[sflag:s25] =	ssyncadd.s32 $0xFFFFD8F0  }
0xa2: {  	[tilespmem:s28], [sflag:$0xB] =	stream.linear.gather [hbm4b:s23+s17], $0x2710, $0x38;
	[tilespmem:$0x1B580] =	vst v63  }
0xa3: {  	_ =	swait.ge [sflag:s25], $0x2710  }
0xa4: {  	[sflag:s25] =	ssyncset.done $0x0  }
0xa5: {  	s24 =	sadd.s32 s7, s13;
	[sflag:s25] =	ssyncadd.s32 $0xFFFFD8F0  }
0xa6: {  	[tilespmem:s29], [sflag:$0xB] =	stream.linear.gather [hbm4b:s24+s17], $0x2710, $0x38;
	[tilespmem:$0x1B580] =	vst v63  }
.Ltmp4:
0xa7: {  	_ = 	snop;
	(pc) =	sbr.rel .LBB2_3-.Ltmp4, $4  }
0xa8: {  	s18 =	simm.s32 $0x7;
	s19 =	simm.s32 $0x0;
	_ =	swait.ge [sflag:s25], $0x2710  }
0xa9: {  	p2 =	por p3, p3;
	s21 =	simm.s32 $0x1;
	[sflag:s25] =	ssyncset.done $0x0  }
0xaa: {  	s23 =	simm.s32 $0x2;
	s24 =	simm.s32 $0x14C80;
	[sflag:s25] =	ssyncadd.s32 $0xFFFFD8F0  }
0xab: {  	[tilespmem:s31], [sflag:$0x1] =	stream.indirect.gather [hbm4b:s1+s30], $0x40, s26, s30, $0xb8;
	[tilespmem:$0x1B580] =	vst v63  }
.LBB2_5:
0xac: {  	s8 =	smul.u32 $0x5000, s0;
	s9 =	sadd.s32 $0x1, s0  }
0xad: {  	s13 =	sshra.s32 s17, $0x2;
	_ =	swait.ge [sflag:s9], $0x1400  }
0xae: {  	s14 =	sadd.s32 $0x6, s0;
	s8 =	sshrl.u32 s8, $0x2;
	[sflag:s9] =	ssyncset.done $0x0  }
0xaf: {  	s13 =	sadd.s32 $0xEA60, s13;
	s8 =	sadd.s32 $0x13880, s8;
	[sflag:s9] =	ssyncadd.s32 $0xFFFFEC00  }
0xb0: {  	[spmem:s2] =	stream.indirect.scatter.add.f32 [tilespmem:s8], [sflag:s14], $0x40, s13, s30, $0xb8;
	[tilespmem:$0x1B580] =	vst v63  }
.LBB2_6:
0xb1: {  	s17 =	sadd.s32 $0x140, s17  }
0xb2: {  	p3 =	sne.s32 s17, $0x9C40  }
.Ltmp5:
0xb3: {  	_ = 	snop;
	(pc) =	sbr.rel @!p3 .LBB2_7-.Ltmp5, $3  }
0xb4: {  	_ =	sdelay $0x1  }
0xb5: {  	s18 =	sadd.s32 $0x1, s18;
	s21 =	sadd.s32 $0x1, s21  }
0xb6: {  	s23 =	sadd.s32 $0x1, s23;
	s24 =	sadd.s32 $0x1400, s24;
	s19 =	sadd.s32 $0x1, s19  }
.LBB2_3:
0xb7: {  	s0 =	smulhi.u32 $0xCCCCCCCD, s21;
	_ =	sdelay $0x1  }
0xb8: {  	s14 =	sshrl.u32 s0, $0x2  }
0xb9: {  	s0 =	smul.u32 $0xFFFFFFEC, s14;
	_ =	sdelay $0x1  }
0xba: {  	s13 =	sshra.s32 s0, $0x2  }
0xbb: {  	s9 =	sadd.s32 s19, s16;
	p3 =	slt.u32 s19, $0x4;
	s8 =	sadd.s32 s13, s18  }
0xbc: {  	s0 =	sand.u32 $0x1, s9;
	_ =	swait.ge @!p3 [sflag:s8], $0x1400  }
0xbd: {  	p4 =	sne.s32 @!p3 s0, s6;
	[sflag:s8] =	ssyncset.done @!p3 $0x0  }
0xbe: {  	p4 =	por p4, p3;
	[sflag:s8] =	ssyncadd.s32 @!p3 $0xFFFFEC00  }
0xbf: {  	p5 =	seq.s32 @!p3 s17, $0x9B00;
	_ =	swait.ge @!p4 [sflag:s8], $0x500  }
0xc0: {  	p3 =	por p3, !p5;
	[sflag:s8] =	ssyncset.done @!p4 $0x0  }
0xc1: {  	[sflag:s8] =	ssyncadd.s32 @!p4 $0xFFFFFB00;
	s8 =	smul.u32 @p3 $0xFFFE7000, s14;
	_ =	sdelay $0x1  }
0xc2: {  	s14 =	sshra.s32 @p3 s17, $0x2;
	s8 =	sshra.s32 @p3 s8, $0x2  }
0xc3: {  	s13 =	sadd.s32 @p3 s13, s23;
	s14 =	sadd.s32 @p3 $0xC3A0, s14;
	s8 =	sadd.s32 @p3 s8, s24  }
0xc4: {  	[tilespmem:s8], [sflag:s13] =	stream.indirect.gather @p3 [hbm4b:s1+s30], $0x40, s14, s30, $0xb8;
	[tilespmem:$0x1B580] =	vst v63  }
0xc5: {  	s14 =	smul.u32 $0xCD, s19;
	_ =	sdelay $0x1  }
0xc6: {  	p3 =	sne.s32 s0, s6;
	s8 =	sshrl.u32 s14, $0xA  }
.Ltmp6:
0xc7: {  	s8 =	sand.u32 $0x3F, s8;
	(pc) =	sbr.rel @p3 .LBB2_5-.Ltmp6, $3  }
0xc8: {  	s8 =	smul.u32 $0x5, s8;
	_ =	sdelay $0x1  }
0xc9: {  	s8 =	ssub.s32 s19, s8  }
0xca: {  	s0 =	sand.u32 $0xFF, s8  }
0xcb: {  	s13 =	sshra.s32 s17, $0x2  }
0xcc: {  	v2 =	vld [tilespmem:s13+$0x11170];
	_ =	sdelay $0x4  }
0xcd: {  	v3 =	vbroadcast v2, $0x0  }
0xce: {  	v4 =	vbroadcast v2, $0x1;
	v22 =	vbroadcast v2, $0x3  }
0xcf: {  	v25 =	vbroadcast v2, $0x5;
	v28 =	vbroadcast v2, $0x7  }
0xd0: {  	s8 =	smul.u32 $0x1400, s0;
	v31 =	vbroadcast v2, $0x9;
	v34 =	vbroadcast v2, $0xB  }
0xd1: {  	v37 =	vbroadcast v2, $0xD;
	vm0 =	veq.s32 v3, v0;
	v3 =	vbroadcast v2, $0x2  }
0xd2: {  	s14 =	sshrl.u32 s8, $0x2;
	vm9 =	veq.s32 v4, v0;
	vm11 =	veq.s32 v22, v0;
	v5 =	vsel vm0, $0x3F800000, v1  }
0xd3: {  	v23 =	vsel vm9, $0x3F800000, v1;
	[tilespmem:s14+$0x19C80] =	vst v5;
	vm10 =	veq.s32 v3, v0;
	v3 =	vbroadcast v2, $0x4  }
0xd4: {  	vm13 =	veq.s32 v25, v0;
	vm15 =	veq.s32 v28, v0;
	v26 =	vsel vm11, $0x3F800000, v1;
	[tilespmem:s14+$0x19C90] =	vst v23  }
0xd5: {  	v29 =	vsel vm13, $0x3F800000, v1;
	[tilespmem:s14+$0x19CB0] =	vst v26;
	vm12 =	veq.s32 v3, v0;
	v3 =	vbroadcast v2, $0x6  }
0xd6: {  	vm5 =	veq.s32 v31, v0;
	vm7 =	veq.s32 v34, v0;
	v32 =	vsel vm15, $0x3F800000, v1;
	[tilespmem:s14+$0x19CD0] =	vst v29  }
0xd7: {  	v35 =	vsel vm5, $0x3F800000, v1;
	[tilespmem:s14+$0x19CF0] =	vst v32;
	vm14 =	veq.s32 v3, v0;
	v3 =	vbroadcast v2, $0x8  }
0xd8: {  	v38 =	vsel vm7, $0x3F800000, v1;
	vm9 =	veq.s32 v37, v0;
	[tilespmem:s14+$0x19D10] =	vst v35  }
0xd9: {  	[tilespmem:s14+$0x19D30] =	vst v38;
	v4 =	vsel vm9, $0x3F800000, v1;
	vm4 =	veq.s32 v3, v0;
	v3 =	vbroadcast v2, $0xA  }
0xda: {  	v24 =	vsel vm10, $0x3F800000, v1;
	[tilespmem:s14+$0x19D50] =	vst v4  }
0xdb: {  	[tilespmem:s14+$0x19CA0] =	vst v24;
	v27 =	vsel vm12, $0x3F800000, v1;
	vm6 =	veq.s32 v3, v0;
	v3 =	vbroadcast v2, $0xC  }
0xdc: {  	[tilespmem:s14+$0x19CC0] =	vst v27;
	v30 =	vsel vm14, $0x3F800000, v1  }
0xdd: {  	[tilespmem:s14+$0x19CE0] =	vst v30;
	v33 =	vsel vm4, $0x3F800000, v1;
	vm8 =	veq.s32 v3, v0;
	v3 =	vbroadcast v2, $0xE  }
0xde: {  	[tilespmem:s14+$0x19D00] =	vst v33;
	v36 =	vsel vm6, $0x3F800000, v1;
	v2 =	vbroadcast v2, $0xF  }
0xdf: {  	[tilespmem:s14+$0x19D20] =	vst v36;
	v39 =	vsel vm8, $0x3F800000, v1;
	vm10 =	veq.s32 v3, v0  }
0xe0: {  	[tilespmem:s14+$0x19D40] =	vst v39;
	vm11 =	veq.s32 v2, v0;
	v3 =	vsel vm10, $0x3F800000, v1  }
0xe1: {  	v2 =	vsel vm11, $0x3F800000, v1;
	[tilespmem:s14+$0x19D60] =	vst v3  }
0xe2: {  	[tilespmem:s14+$0x19D70] =	vst v2  }
0xe3: {  	v2 =	vld [tilespmem:s13+$0x11180];
	_ =	sdelay $0x4  }
0xe4: {  	v3 =	vbroadcast v2, $0x0  }
0xe5: {  	v40 =	vbroadcast v2, $0x1;
	v42 =	vbroadcast v2, $0x3  }
0xe6: {  	v45 =	vbroadcast v2, $0x5;
	v48 =	vbroadcast v2, $0x7  }
0xe7: {  	v51 =	vbroadcast v2, $0x9;
	v54 =	vbroadcast v2, $0xB  }
0xe8: {  	v57 =	vbroadcast v2, $0xD;
	vm12 =	veq.s32 v3, v0;
	v3 =	vbroadcast v2, $0x2  }
0xe9: {  	vm13 =	veq.s32 v40, v0;
	vm15 =	veq.s32 v42, v0;
	v41 =	vsel vm12, $0x3F800000, v1  }
0xea: {  	v43 =	vsel vm13, $0x3F800000, v1;
	[tilespmem:s14+$0x19D80] =	vst v41;
	vm14 =	veq.s32 v3, v0;
	v3 =	vbroadcast v2, $0x4  }
0xeb: {  	vm5 =	veq.s32 v45, v0;
	vm7 =	veq.s32 v48, v0;
	v46 =	vsel vm15, $0x3F800000, v1;
	[tilespmem:s14+$0x19D90] =	vst v43  }
0xec: {  	v49 =	vsel vm5, $0x3F800000, v1;
	[tilespmem:s14+$0x19DB0] =	vst v46;
	vm4 =	veq.s32 v3, v0;
	v3 =	vbroadcast v2, $0x6  }
0xed: {  	vm9 =	veq.s32 v51, v0;
	vm11 =	veq.s32 v54, v0;
	v52 =	vsel vm7, $0x3F800000, v1;
	[tilespmem:s14+$0x19DD0] =	vst v49  }
0xee: {  	v55 =	vsel vm9, $0x3F800000, v1;
	[tilespmem:s14+$0x19DF0] =	vst v52;
	vm6 =	veq.s32 v3, v0;
	v3 =	vbroadcast v2, $0x8  }
0xef: {  	v58 =	vsel vm11, $0x3F800000, v1;
	vm13 =	veq.s32 v57, v0;
	[tilespmem:s14+$0x19E10] =	vst v55  }
0xf0: {  	[tilespmem:s14+$0x19E30] =	vst v58;
	v4 =	vsel vm13, $0x3F800000, v1;
	vm8 =	veq.s32 v3, v0;
	v3 =	vbroadcast v2, $0xA  }
0xf1: {  	v44 =	vsel vm14, $0x3F800000, v1;
	[tilespmem:s14+$0x19E50] =	vst v4  }
0xf2: {  	[tilespmem:s14+$0x19DA0] =	vst v44;
	v47 =	vsel vm4, $0x3F800000, v1;
	vm10 =	veq.s32 v3, v0;
	v3 =	vbroadcast v2, $0xC  }
0xf3: {  	[tilespmem:s14+$0x19DC0] =	vst v47;
	v50 =	vsel vm6, $0x3F800000, v1  }
0xf4: {  	[tilespmem:s14+$0x19DE0] =	vst v50;
	v53 =	vsel vm8, $0x3F800000, v1;
	vm12 =	veq.s32 v3, v0;
	v3 =	vbroadcast v2, $0xE  }
0xf5: {  	[tilespmem:s14+$0x19E00] =	vst v53;
	v56 =	vsel vm10, $0x3F800000, v1;
	v2 =	vbroadcast v2, $0xF  }
0xf6: {  	[tilespmem:s14+$0x19E20] =	vst v56;
	v59 =	vsel vm12, $0x3F800000, v1;
	vm14 =	veq.s32 v3, v0  }
0xf7: {  	[tilespmem:s14+$0x19E40] =	vst v59;
	vm15 =	veq.s32 v2, v0;
	v3 =	vsel vm14, $0x3F800000, v1  }
0xf8: {  	v2 =	vsel vm15, $0x3F800000, v1;
	[tilespmem:s14+$0x19E60] =	vst v3  }
0xf9: {  	[tilespmem:s14+$0x19E70] =	vst v2  }
0xfa: {  	v2 =	vld [tilespmem:s13+$0x11190];
	_ =	sdelay $0x4  }
0xfb: {  	v3 =	vbroadcast v2, $0x0  }
0xfc: {  	v60 =	vbroadcast v2, $0x1;
	v62 =	vbroadcast v2, $0x3  }
0xfd: {  	v9 =	vbroadcast v2, $0x5;
	v12 =	vbroadcast v2, $0x7  }
0xfe: {  	v15 =	vbroadcast v2, $0x9;
	v18 =	vbroadcast v2, $0xB  }
0xff: {  	v21 =	vbroadcast v2, $0xD;
	vm4 =	veq.s32 v3, v0;
	v3 =	vbroadcast v2, $0x2  }
0x100: {  	vm5 =	veq.s32 v60, v0;
	vm7 =	veq.s32 v62, v0;
	v61 =	vsel vm4, $0x3F800000, v1  }
0x101: {  	v63 =	vsel vm5, $0x3F800000, v1;
	[tilespmem:s14+$0x19E80] =	vst v61;
	vm6 =	veq.s32 v3, v0;
	v3 =	vbroadcast v2, $0x4  }
0x102: {  	vm9 =	veq.s32 v9, v0;
	vm11 =	veq.s32 v12, v0;
	v10 =	vsel vm7, $0x3F800000, v1;
	[tilespmem:s14+$0x19E90] =	vst v63  }
0x103: {  	v13 =	vsel vm9, $0x3F800000, v1;
	[tilespmem:s14+$0x19EB0] =	vst v10;
	vm8 =	veq.s32 v3, v0;
	v3 =	vbroadcast v2, $0x6  }
0x104: {  	vm13 =	veq.s32 v15, v0;
	vm15 =	veq.s32 v18, v0;
	v16 =	vsel vm11, $0x3F800000, v1;
	[tilespmem:s14+$0x19ED0] =	vst v13  }
0x105: {  	v19 =	vsel vm13, $0x3F800000, v1;
	[tilespmem:s14+$0x19EF0] =	vst v16;
	vm10 =	veq.s32 v3, v0;
	v3 =	vbroadcast v2, $0x8  }
0x106: {  	v22 =	vsel vm15, $0x3F800000, v1;
	vm5 =	veq.s32 v21, v0;
	[tilespmem:s14+$0x19F10] =	vst v19  }
0x107: {  	[tilespmem:s14+$0x19F30] =	vst v22;
	v4 =	vsel vm5, $0x3F800000, v1;
	vm12 =	veq.s32 v3, v0;
	v3 =	vbroadcast v2, $0xA  }
0x108: {  	v8 =	vsel vm6, $0x3F800000, v1;
	[tilespmem:s14+$0x19F50] =	vst v4  }
0x109: {  	[tilespmem:s14+$0x19EA0] =	vst v8;
	v11 =	vsel vm8, $0x3F800000, v1;
	vm14 =	veq.s32 v3, v0;
	v3 =	vbroadcast v2, $0xC  }
0x10a: {  	[tilespmem:s14+$0x19EC0] =	vst v11;
	v14 =	vsel vm10, $0x3F800000, v1  }
0x10b: {  	[tilespmem:s14+$0x19EE0] =	vst v14;
	v17 =	vsel vm12, $0x3F800000, v1;
	vm4 =	veq.s32 v3, v0;
	v3 =	vbroadcast v2, $0xE  }
0x10c: {  	[tilespmem:s14+$0x19F00] =	vst v17;
	v20 =	vsel vm14, $0x3F800000, v1;
	v2 =	vbroadcast v2, $0xF  }
0x10d: {  	[tilespmem:s14+$0x19F20] =	vst v20;
	v23 =	vsel vm4, $0x3F800000, v1;
	vm6 =	veq.s32 v3, v0  }
0x10e: {  	[tilespmem:s14+$0x19F40] =	vst v23;
	vm7 =	veq.s32 v2, v0;
	v3 =	vsel vm6, $0x3F800000, v1  }
0x10f: {  	v2 =	vsel vm7, $0x3F800000, v1;
	[tilespmem:s14+$0x19F60] =	vst v3  }
0x110: {  	[tilespmem:s14+$0x19F70] =	vst v2  }
0x111: {  	v2 =	vld [tilespmem:s13+$0x111A0];
	_ =	sdelay $0x4  }
0x112: {  	v3 =	vbroadcast v2, $0x0  }
0x113: {  	v24 =	vbroadcast v2, $0x1;
	v26 =	vbroadcast v2, $0x3  }
0x114: {  	v29 =	vbroadcast v2, $0x5;
	v32 =	vbroadcast v2, $0x7  }
0x115: {  	v35 =	vbroadcast v2, $0x9;
	v38 =	vbroadcast v2, $0xB  }
0x116: {  	v41 =	vbroadcast v2, $0xD;
	vm8 =	veq.s32 v3, v0;
	v3 =	vbroadcast v2, $0x2  }
0x117: {  	vm9 =	veq.s32 v24, v0;
	vm11 =	veq.s32 v26, v0;
	v25 =	vsel vm8, $0x3F800000, v1  }
0x118: {  	v27 =	vsel vm9, $0x3F800000, v1;
	[tilespmem:s14+$0x19F80] =	vst v25;
	vm10 =	veq.s32 v3, v0;
	v3 =	vbroadcast v2, $0x4  }
0x119: {  	vm13 =	veq.s32 v29, v0;
	vm15 =	veq.s32 v32, v0;
	v30 =	vsel vm11, $0x3F800000, v1;
	[tilespmem:s14+$0x19F90] =	vst v27  }
0x11a: {  	v33 =	vsel vm13, $0x3F800000, v1;
	[tilespmem:s14+$0x19FB0] =	vst v30;
	vm12 =	veq.s32 v3, v0;
	v3 =	vbroadcast v2, $0x6  }
0x11b: {  	vm5 =	veq.s32 v35, v0;
	vm7 =	veq.s32 v38, v0;
	v36 =	vsel vm15, $0x3F800000, v1;
	[tilespmem:s14+$0x19FD0] =	vst v33  }
0x11c: {  	v39 =	vsel vm5, $0x3F800000, v1;
	[tilespmem:s14+$0x19FF0] =	vst v36;
	vm14 =	veq.s32 v3, v0;
	v3 =	vbroadcast v2, $0x8  }
0x11d: {  	v42 =	vsel vm7, $0x3F800000, v1;
	vm9 =	veq.s32 v41, v0;
	[tilespmem:s14+$0x1A010] =	vst v39  }
0x11e: {  	[tilespmem:s14+$0x1A030] =	vst v42;
	v4 =	vsel vm9, $0x3F800000, v1;
	vm4 =	veq.s32 v3, v0;
	v3 =	vbroadcast v2, $0xA  }
0x11f: {  	v28 =	vsel vm10, $0x3F800000, v1;
	[tilespmem:s14+$0x1A050] =	vst v4  }
0x120: {  	[tilespmem:s14+$0x19FA0] =	vst v28;
	v31 =	vsel vm12, $0x3F800000, v1;
	vm6 =	veq.s32 v3, v0;
	v3 =	vbroadcast v2, $0xC  }
0x121: {  	[tilespmem:s14+$0x19FC0] =	vst v31;
	v34 =	vsel vm14, $0x3F800000, v1  }
0x122: {  	[tilespmem:s14+$0x19FE0] =	vst v34;
	v37 =	vsel vm4, $0x3F800000, v1;
	vm8 =	veq.s32 v3, v0;
	v3 =	vbroadcast v2, $0xE  }
0x123: {  	[tilespmem:s14+$0x1A000] =	vst v37;
	v40 =	vsel vm6, $0x3F800000, v1;
	v2 =	vbroadcast v2, $0xF  }
0x124: {  	[tilespmem:s14+$0x1A020] =	vst v40;
	v43 =	vsel vm8, $0x3F800000, v1;
	vm10 =	veq.s32 v3, v0  }
0x125: {  	[tilespmem:s14+$0x1A040] =	vst v43;
	vm11 =	veq.s32 v2, v0;
	v3 =	vsel vm10, $0x3F800000, v1  }
0x126: {  	v2 =	vsel vm11, $0x3F800000, v1;
	[tilespmem:s14+$0x1A060] =	vst v3  }
0x127: {  	[tilespmem:s14+$0x1A070] =	vst v2  }
0x128: {  	v2 =	vld [tilespmem:s13+$0x111B0];
	_ =	sdelay $0x4  }
0x129: {  	v3 =	vbroadcast v2, $0x0  }
0x12a: {  	v44 =	vbroadcast v2, $0x1;
	v46 =	vbroadcast v2, $0x3  }
0x12b: {  	v49 =	vbroadcast v2, $0x5;
	v52 =	vbroadcast v2, $0x7  }
0x12c: {  	v55 =	vbroadcast v2, $0x9;
	v58 =	vbroadcast v2, $0xB  }
0x12d: {  	v61 =	vbroadcast v2, $0xD;
	vm12 =	veq.s32 v3, v0;
	v3 =	vbroadcast v2, $0x2  }
0x12e: {  	vm13 =	veq.s32 v44, v0;
	vm15 =	veq.s32 v46, v0;
	v45 =	vsel vm12, $0x3F800000, v1  }
0x12f: {  	v47 =	vsel vm13, $0x3F800000, v1;
	[tilespmem:s14+$0x1A080] =	vst v45;
	vm14 =	veq.s32 v3, v0;
	v3 =	vbroadcast v2, $0x4  }
0x130: {  	vm5 =	veq.s32 v49, v0;
	vm7 =	veq.s32 v52, v0;
	v50 =	vsel vm15, $0x3F800000, v1;
	[tilespmem:s14+$0x1A090] =	vst v47  }
0x131: {  	v53 =	vsel vm5, $0x3F800000, v1;
	[tilespmem:s14+$0x1A0B0] =	vst v50;
	vm4 =	veq.s32 v3, v0;
	v3 =	vbroadcast v2, $0x6  }
0x132: {  	vm9 =	veq.s32 v55, v0;
	vm11 =	veq.s32 v58, v0;
	v56 =	vsel vm7, $0x3F800000, v1;
	[tilespmem:s14+$0x1A0D0] =	vst v53  }
0x133: {  	v59 =	vsel vm9, $0x3F800000, v1;
	[tilespmem:s14+$0x1A0F0] =	vst v56;
	vm6 =	veq.s32 v3, v0;
	v3 =	vbroadcast v2, $0x8  }
0x134: {  	v62 =	vsel vm11, $0x3F800000, v1;
	vm13 =	veq.s32 v61, v0;
	[tilespmem:s14+$0x1A110] =	vst v59  }
0x135: {  	[tilespmem:s14+$0x1A130] =	vst v62;
	v4 =	vsel vm13, $0x3F800000, v1;
	vm8 =	veq.s32 v3, v0;
	v3 =	vbroadcast v2, $0xA  }
0x136: {  	v48 =	vsel vm14, $0x3F800000, v1;
	[tilespmem:s14+$0x1A150] =	vst v4  }
0x137: {  	[tilespmem:s14+$0x1A0A0] =	vst v48;
	v51 =	vsel vm4, $0x3F800000, v1;
	vm10 =	veq.s32 v3, v0;
	v3 =	vbroadcast v2, $0xC  }
0x138: {  	[tilespmem:s14+$0x1A0C0] =	vst v51;
	v54 =	vsel vm6, $0x3F800000, v1  }
0x139: {  	[tilespmem:s14+$0x1A0E0] =	vst v54;
	v57 =	vsel vm8, $0x3F800000, v1;
	vm12 =	veq.s32 v3, v0;
	v3 =	vbroadcast v2, $0xE  }
0x13a: {  	[tilespmem:s14+$0x1A100] =	vst v57;
	v60 =	vsel vm10, $0x3F800000, v1;
	v2 =	vbroadcast v2, $0xF  }
0x13b: {  	[tilespmem:s14+$0x1A120] =	vst v60;
	v63 =	vsel vm12, $0x3F800000, v1;
	vm14 =	veq.s32 v3, v0  }
0x13c: {  	[tilespmem:s14+$0x1A140] =	vst v63;
	vm15 =	veq.s32 v2, v0;
	v3 =	vsel vm14, $0x3F800000, v1  }
0x13d: {  	s8 =	smul.u32 $0x5000, s0;
	v2 =	vsel vm15, $0x3F800000, v1;
	[tilespmem:s14+$0x1A160] =	vst v3  }
0x13e: {  	s9 =	sadd.s32 $0x1, s0;
	[tilespmem:s14+$0x1A170] =	vst v2  }
0x13f: {  	s8 =	sshrl.u32 s8, $0x2;
	_ =	swait.ge [sflag:s9], $0x1400  }
.Ltmp7:
0x140: {  	s8 =	sadd.s32 $0x13880, s8;
	[sflag:s9] =	ssyncset.done $0x0;
	(pc) =	sbr.rel .LBB2_6-.Ltmp7, $4  }
0x141: {  	[sflag:s9] =	ssyncadd.s32 $0xFFFFEC00;
	s9 =	sadd.s32 $0xEA60, s13;
	s13 =	sadd.s32 $0x6, s0  }
0x142: {  	[spmem:s2] =	stream.indirect.scatter.add.f32 [tilespmem:s8], [sflag:s13], $0x40, s9, s30, $0xb8;
	[tilespmem:$0x1B580] =	vst v63  }
0x143: {  	s14 =	sadd.s32 $0x19C80, s14  }
0x144: {  	[spmem:s3] =	stream.indirect.scatter.add.f32 [tilespmem:s14], [sflag:s13], $0x10, s9, s30, $0xb8;
	[tilespmem:$0x1B580] =	vst v63  }
.LBB2_9:
0x145: {  	_ =	sfence.sel $0x180000  }
0x146: {  	[bflag:$0x0] =	sbarrier.arrive $0xFFFF  }
0x147: {  	_ =	strace $0x90000047  }
0x148: {  	[bflag:$0x2] =	sbarrier.arrive $0xFFFF  }
0x149: {  	s0 =	rddreg [dreg:$0x5]  }
0x14a: {  	s0 =	sadd.s32 @!p0 $0x100000, s0  }
0x14b: {  	[sflag:s0] =	ssyncadd.tile.s32 @!p0 $0x1;
	_ =	shalt  }
.Lfunc_end2:
_tile_overlayer_lowered:
.L_overlay_start_2:
0x14c: {  	(tag) =	ssettag $0x2  }
0x14d: {  	s0 =	rddreg [dreg:$0x0];
	s2 =	stileid.u32  }
0x14e: {  	s1 =	rddreg [dreg:$0x1];
	p0 =	sne.s32 s2, $0x0  }
0x14f: {  	s3 =	rddreg [dreg:$0x2];
	[bflag:$0x3] =	sbarrier.arrive $0xFFFF;
	s2 =	simm.s32 @!p0 $0x1C0B  }
0x150: {  	[timem:s3], [sflag:s2] =	dma.local @!p0 [hbm:s0], s1  }
0x151: {  	s0 =	simm.s32 @!p0 $0xB  }
0x152: {  	_ =	swait.ge @!p0 [sflag:s0], s1  }
0x153: {  	s1 =	ssub.s32 @!p0 $0x0, s1;
	[sflag:s0] =	ssyncset.done @!p0 $0x0  }
0x154: {  	[sflag:s0] =	ssyncadd.s32 @!p0 s1  }
0x155: {  	[bflag:$0x3] =	sbarrier.arrive $0xFFFF  }
0x156: {  	_ =	shalt  }

</sc_bundles>
